<compile_context>
chip_gen: v7x
topology: tpu7x:2x2x1
jax: 0.10.2.dev20260603
libtpu: 0.0.44.dev20260713+nightly
codegen_flags: <defaults>
</compile_context>

<pallas_src>
import functools

import jax
import jax.numpy as jnp
from jax import lax
from jax.experimental import pallas as pl
from jax.experimental.pallas import tpu as pltpu
from jax.experimental.pallas import tpu_sc as plsc

_N = 10000
_NPAD = 10112
_RPS = _NPAD // 16
_NC = 2
_NS = 16
_NW = _NC * _NS
_K = 128
_CH = 79
_PT = _CH * _K
_EP = _NW * _PT
_CH0 = 104
_CH1 = 54
_CHM = _CH0

_PREC = None


def _mesh():
    return plsc.VectorSubcoreMesh(core_axis_name="c", subcore_axis_name="s")


def _make_deg_kernel():

    @functools.partial(
        pl.kernel,
        mesh=_mesh(),
        out_type=jax.ShapeDtypeStruct((_NC, _NPAD, 128), jnp.float32),
        scratch_types=[
            pltpu.VMEM((_CH, _K), jnp.int32),
            pltpu.VMEM((_K, 128), jnp.float32),
            pltpu.VMEM_SHARED((_NPAD, 128), jnp.float32),
        ],
    )
    def deg_kernel(dstp_hbm, ones_hbm, zeros_hbm, out_hbm, dst_v, ones_v, acc):
        c = lax.axis_index("c")
        s = lax.axis_index("s")
        wid = c * _NS + s
        pltpu.sync_copy(dstp_hbm.at[wid], dst_v)
        pltpu.sync_copy(ones_hbm, ones_v)
        r0 = s * _RPS
        pltpu.sync_copy(zeros_hbm.at[pl.ds(r0, _RPS)], acc.at[pl.ds(r0, _RPS)])
        plsc.subcore_barrier()

        @pl.loop(0, _CH)
        def _(j):
            pltpu.sync_copy(ones_v, acc.at[dst_v.at[j]], add=True)

        plsc.subcore_barrier()
        pltpu.sync_copy(acc.at[pl.ds(r0, _RPS)], out_hbm.at[c].at[pl.ds(r0, _RPS)])

    return deg_kernel


def _make_agg_kernel(feat):

    @functools.partial(
        pl.kernel,
        mesh=_mesh(),
        out_type=jax.ShapeDtypeStruct((_NC, _NPAD, feat), jnp.float32),
        scratch_types=[
            pltpu.VMEM((_CHM, _K), jnp.int32),
            pltpu.VMEM((_CHM, _K), jnp.int32),
            pltpu.VMEM((32, feat), jnp.float32),
            pltpu.VMEM((32, feat), jnp.float32),
            pltpu.VMEM((32, feat), jnp.float32),
            pltpu.VMEM((32, feat), jnp.float32),
            pltpu.VMEM_SHARED((_NPAD, feat), jnp.float32),
            pltpu.SemaphoreType.DMA,
            pltpu.SemaphoreType.DMA,
            pltpu.SemaphoreType.DMA,
            pltpu.SemaphoreType.DMA,
        ],
    )
    def agg_kernel(hs_hbm, srcp_hbm, dstp_hbm, zeros_hbm, out_hbm,
                   src_v, dst_v, r0_v, r1_v, r2_v, r3_v, acc,
                   sm0, sm1, sm2, sm3):
        rows = (r0_v, r1_v, r2_v, r3_v)
        sems = (sm0, sm1, sm2, sm3)
        c = lax.axis_index("c")
        s = lax.axis_index("s")
        wid = c * _NS + s
        pltpu.sync_copy(srcp_hbm.at[wid], src_v)
        pltpu.sync_copy(dstp_hbm.at[wid], dst_v)
        r0 = s * _RPS
        pltpu.sync_copy(zeros_hbm.at[pl.ds(r0, _RPS)], acc.at[pl.ds(r0, _RPS)])
        plsc.subcore_barrier()

        def edge_loop(ch):
            for q in range(3):
                pltpu.async_copy(hs_hbm.at[src_v.at[0, pl.ds(32 * q, 32)]],
                                 rows[q], sems[q])

            @pl.loop(0, ch)
            def _(j):
                for q in range(4):
                    pltpu.make_async_copy(hs_hbm.at[src_v.at[0, pl.ds(0, 32)]],
                                          rows[q], sems[q]).wait()
                    nq = q + 3
                    tgt = nq % 4
                    if nq < 4:
                        pltpu.async_copy(
                            hs_hbm.at[src_v.at[j, pl.ds(32 * nq, 32)]],
                            rows[tgt], sems[tgt])
                    else:
                        @pl.when(j + 1 < ch)
                        def _():
                            pltpu.async_copy(
                                hs_hbm.at[src_v.at[j + 1,
                                                   pl.ds(32 * (nq - 4), 32)]],
                                rows[tgt], sems[tgt])

                    pltpu.sync_copy(rows[q],
                                    acc.at[dst_v.at[j, pl.ds(32 * q, 32)]],
                                    add=True)

        @pl.when(c == 0)
        def _():
            edge_loop(_CH0)

        @pl.when(c == 1)
        def _():
            edge_loop(_CH1)

        plsc.subcore_barrier()
        pltpu.sync_copy(acc.at[pl.ds(r0, _RPS)], out_hbm.at[c].at[pl.ds(r0, _RPS)])

    return agg_kernel


_BLK = 1000


def _tc_prep(x_ref, w1_ref, degp_ref, dis_ref, hs1_ref):
    degp = degp_ref[...]
    deg = 1.0 + degp[0, :, 0:1] + degp[1, :, 0:1]
    dis = lax.rsqrt(deg)
    dis_ref[...] = dis
    h = jnp.dot(x_ref[...], w1_ref[...], preferred_element_type=jnp.float32,
                precision=_PREC)
    hs1_ref[...] = h * dis


def _make_tc_mid(f_in, f_out):
    def _tc_mid(sp_ref, hs_ref, dis_ref, b_ref, w_ref, out_ref):
        ssum = sp_ref[0, :, :f_in] + sp_ref[1, :, :f_in]
        dis = dis_ref[...]
        h = jnp.maximum(dis * (ssum + hs_ref[:, :f_in]) + b_ref[...], 0.0)
        hw = jnp.dot(h, w_ref[...], preferred_element_type=jnp.float32,
                     precision=_PREC) * dis
        out_ref[...] = jnp.concatenate(
            [hw, jnp.zeros((_BLK, 128 - f_out), jnp.float32)], axis=1)
    return _tc_mid


def _tc_heads(sp_ref, hs_ref, dis_ref, b3_ref, wt1_ref, bt1_ref, wt2_ref,
              bt2_ref, wp_ref, bp_ref, pe_ref, emb_ref, logit_ref, score_ref):
    ssum = sp_ref[0, :, :32] + sp_ref[1, :, :32]
    dis = dis_ref[...]
    emb = jnp.maximum(dis * (ssum + hs_ref[:, :32]) + b3_ref[...], 0.0)
    emb_ref[...] = emb
    t = jnp.maximum(
        jnp.dot(emb, wt1_ref[...], preferred_element_type=jnp.float32,
                precision=_PREC) + bt1_ref[...], 0.0)
    logit_ref[...] = jnp.dot(t, wt2_ref[...], preferred_element_type=jnp.float32,
                             precision=_PREC) + bt2_ref[...]
    proj = jnp.dot(emb, wp_ref[...], preferred_element_type=jnp.float32,
                   precision=_PREC) + bp_ref[...]
    score_ref[...] = lax.dot_general(
        proj, pe_ref[...], (((1,), (1,)), ((), ())),
        preferred_element_type=jnp.float32, precision=_PREC)


def kernel(x, edge_index, W1, b1, W2, b2, W3, b3, Wt1, bt1, Wt2, bt2, Wp, bp,
           pos_emb):
    src = edge_index[0].astype(jnp.int32)
    dst = edge_index[1].astype(jnp.int32)
    n_edges = src.shape[0]
    pad = _EP - n_edges
    src_f = jnp.concatenate([src, jnp.zeros((pad,), jnp.int32)])
    dst_f = jnp.concatenate([dst, jnp.full((pad,), _N, jnp.int32)])
    dstp = dst_f.reshape(_NW, _CH, _K)

    pt0, pt1 = _CH0 * _K, _CH1 * _K
    padw = _CHM * _K

    def _weighted(flat, fill):
        b0 = flat[:_NS * pt0].reshape(_NS, pt0)
        b1 = flat[_NS * pt0:].reshape(_NS, pt1)
        b0 = jnp.pad(b0, ((0, 0), (0, padw - pt0)), constant_values=fill)
        b1 = jnp.pad(b1, ((0, 0), (0, padw - pt1)), constant_values=fill)
        return jnp.concatenate([b0, b1]).reshape(_NW, _CHM, _K)

    srcp = _weighted(src_f, 0)
    dstp_w = _weighted(dst_f, _N)

    zeros128 = jnp.zeros((_NPAD, 128), jnp.float32)
    ones128 = jnp.ones((_K, 128), jnp.float32)
    degp = _make_deg_kernel()(dstp, ones128, zeros128)

    f32 = jnp.float32
    grid = (_N // _BLK,)
    row = lambda shape: pl.BlockSpec(shape, lambda j: (j,) + (0,) * (len(shape) - 1))
    part = lambda f: pl.BlockSpec((2, _BLK, f), lambda j: (0, j, 0))
    full = lambda shape: pl.BlockSpec(shape, lambda j: (0,) * len(shape))

    dis, hs1 = pl.pallas_call(
        _tc_prep, grid=grid,
        in_specs=[row((_BLK, 128)), full((128, 128)), part(128)],
        out_specs=[row((_BLK, 1)), row((_BLK, 128))],
        out_shape=[jax.ShapeDtypeStruct((_N, 1), f32),
                   jax.ShapeDtypeStruct((_N, 128), f32)],
    )(x, W1, degp)

    agg = _make_agg_kernel(128)

    def mid(f_in, f_out, sp, hs, b, w):
        return pl.pallas_call(
            _make_tc_mid(f_in, f_out), grid=grid,
            in_specs=[part(128), row((_BLK, 128)), row((_BLK, 1)),
                      full((1, f_in)), full((f_in, f_out))],
            out_specs=row((_BLK, 128)),
            out_shape=jax.ShapeDtypeStruct((_N, 128), f32),
        )(sp, hs, dis, b.reshape(1, -1), w)

    s1 = agg(hs1, srcp, dstp_w, zeros128)
    hs2 = mid(128, 64, s1, hs1, b1, W2)

    s2 = agg(hs2, srcp, dstp_w, zeros128)
    hs3 = mid(64, 32, s2, hs2, b2, W3)

    s3 = agg(hs3, srcp, dstp_w, zeros128)
    emb, logit, score = pl.pallas_call(
        _tc_heads, grid=grid,
        in_specs=[part(128), row((_BLK, 128)), row((_BLK, 1)),
                  full((1, 32)), full((32, 16)), full((1, 16)),
                  full((16, 1)), full((1, 1)), full((32, 32)),
                  full((1, 32)), full((7, 32))],
        out_specs=[row((_BLK, 32)), row((_BLK, 1)), row((_BLK, 7))],
        out_shape=[jax.ShapeDtypeStruct((_N, 32), f32),
                   jax.ShapeDtypeStruct((_N, 1), f32),
                   jax.ShapeDtypeStruct((_N, 7), f32)],
    )(s3, hs3, dis, b3.reshape(1, -1), Wt1, bt1.reshape(1, -1), Wt2,
      bt2.reshape(1, -1), Wp, bp.reshape(1, -1), pos_emb)

    return emb, logit[:, 0], score

# --- scband reference (transcript-rebuilt; emitter-appended) ---
"""Pipeline reference for scband-multi-task-gcn-18330920419573 (READ-ONLY COPY).

The authoritative reference and input builder live on the scoring server;
editing this copy changes nothing except your own understanding.
"""

import jax, jax.numpy as jnp
import numpy as np

N_NODES = 10000
N_EDGES = 320000
D_IN = 128
HIDDEN = [128, 64, 32]
N_POS = 7
POS_DIM = 32


def setup_inputs(seed: int = 0) -> dict:
    key = jax.random.key(seed)
    ks = jax.random.split(key, 16)
    x = jax.random.normal(ks[0], (N_NODES, D_IN), dtype=jnp.float32)
    edge_index = jax.random.randint(ks[1], (2, N_EDGES), 0, N_NODES, dtype=jnp.int64)
    # GCN layer weights (glorot-ish scale)
    W1 = jax.random.normal(ks[2], (D_IN, HIDDEN[0]), dtype=jnp.float32) * (1.0 / np.sqrt(D_IN))
    b1 = jnp.zeros((HIDDEN[0],), dtype=jnp.float32)
    W2 = jax.random.normal(ks[3], (HIDDEN[0], HIDDEN[1]), dtype=jnp.float32) * (1.0 / np.sqrt(HIDDEN[0]))
    b2 = jnp.zeros((HIDDEN[1],), dtype=jnp.float32)
    W3 = jax.random.normal(ks[4], (HIDDEN[1], HIDDEN[2]), dtype=jnp.float32) * (1.0 / np.sqrt(HIDDEN[1]))
    b3 = jnp.zeros((HIDDEN[2],), dtype=jnp.float32)
    # turnover head: Linear(32,16) -> ReLU -> Linear(16,1)
    Wt1 = jax.random.normal(ks[5], (HIDDEN[2], HIDDEN[2] // 2), dtype=jnp.float32) * (1.0 / np.sqrt(HIDDEN[2]))
    bt1 = jnp.zeros((HIDDEN[2] // 2,), dtype=jnp.float32)
    Wt2 = jax.random.normal(ks[6], (HIDDEN[2] // 2, 1), dtype=jnp.float32) * (1.0 / np.sqrt(HIDDEN[2] // 2))
    bt2 = jnp.zeros((1,), dtype=jnp.float32)
    # employee projection Linear(32, 32)
    Wp = jax.random.normal(ks[7], (HIDDEN[2], POS_DIM), dtype=jnp.float32) * (1.0 / np.sqrt(HIDDEN[2]))
    bp = jnp.zeros((POS_DIM,), dtype=jnp.float32)
    # position embedding table
    pos_emb = jax.random.normal(ks[8], (N_POS, POS_DIM), dtype=jnp.float32)
    return {
        'x': x, 'edge_index': edge_index,
        'W1': W1, 'b1': b1, 'W2': W2, 'b2': b2, 'W3': W3, 'b3': b3,
        'Wt1': Wt1, 'bt1': bt1, 'Wt2': Wt2, 'bt2': bt2,
        'Wp': Wp, 'bp': bp, 'pos_emb': pos_emb,
    }


def _gcn_conv(x, src, dst, W, b, num_nodes):
    # PyG GCNConv: add self-loops, symmetric normalization, linear, scatter-add, bias
    loop = jnp.arange(num_nodes, dtype=src.dtype)
    src_f = jnp.concatenate([src, loop])
    dst_f = jnp.concatenate([dst, loop])
    ones = jnp.ones(src_f.shape[0], dtype=x.dtype)
    deg = jax.ops.segment_sum(ones, dst_f, num_segments=num_nodes)
    deg_inv_sqrt = jnp.where(deg > 0, 1.0 / jnp.sqrt(deg), 0.0)
    norm = deg_inv_sqrt[src_f] * deg_inv_sqrt[dst_f]
    h = x @ W
    msg = h[src_f] * norm[:, None]
    out = jax.ops.segment_sum(msg, dst_f, num_segments=num_nodes)
    return out + b


def reference(x, edge_index, W1, b1, W2, b2, W3, b3, Wt1, bt1, Wt2, bt2, Wp, bp, pos_emb):
    num_nodes = x.shape[0]
    src = edge_index[0]
    dst = edge_index[1]
    # encode_employees (eval mode: dropout is identity)
    h = x
    h = jax.nn.relu(_gcn_conv(h, src, dst, W1, b1, num_nodes))
    h = jax.nn.relu(_gcn_conv(h, src, dst, W2, b2, num_nodes))
    h = jax.nn.relu(_gcn_conv(h, src, dst, W3, b3, num_nodes))
    employee_emb = h
    # turnover head
    t = jax.nn.relu(employee_emb @ Wt1 + bt1)
    turnover_logits = (t @ Wt2 + bt2).squeeze(-1)
    # preference scores
    employee_proj = employee_emb @ Wp + bp
    preference_scores = employee_proj @ pos_emb.T
    return (employee_emb, turnover_logits, preference_scores)

if __name__ == "__main__":
    import jax
    _d = setup_inputs()
    print(jax.jit(kernel)(*tuple(_d.values())))

</pallas_src>

<mosaic_0001>
#map = affine_map<(d0, d1) -> (0, 0, 0)>
#map1 = affine_map<(d0, d1) -> (0, 0)>
module attributes {stable_mosaic.version = 14 : i64} {
  func.func @deg_kernel(%arg0: i32, %arg1: i32, %arg2: memref<32x79x128xi32, #tpu.memory_space<hbm>>, %arg3: memref<128x128xf32, #tpu.memory_space<hbm>>, %arg4: memref<10112x128xf32, #tpu.memory_space<hbm>>, %arg5: memref<2x10112x128xf32, #tpu.memory_space<hbm>>, %arg6: memref<79x128xi32, #tpu.memory_space<vmem>>, %arg7: memref<128x128xf32, #tpu.memory_space<vmem>>, %arg8: memref<10112x128xf32, #tpu.memory_space<vmem_shared>>) attributes {dimension_semantics = [#tpu.dimension_semantics<core_parallel>, #tpu.dimension_semantics<subcore_parallel>], iteration_bounds = array<i64: 2, 16>, scalar_prefetch = 0 : i64, scratch_operands = 3 : i64, tpu.core_type = #tpu.core_type<sc_vector_subcore>, window_params = [{transform_indices = #map}, {transform_indices = #map1}, {transform_indices = #map1}, {transform_indices = #map}]} {
    %mul3A = arith.constant 16 : i32
    %mul3A_0 = arith.muli %arg0, %mul3A : i32
    %add3A = arith.addi %mul3A_0, %arg1 : i32
    "tpu.region"() ({
      %run_scoped3A = tpu.sem_alloc : memref<!tpu.dma_semaphore, #tpu.memory_space<semaphore_mem>>
      %dma_start3A = arith.constant 0 : i32
      %dma_start3A_8 = arith.constant 0 : i32
      %dma_start3A_9 = tpu.memref_slice %arg2[%add3A, %dma_start3A, %dma_start3A_8] : memref<32x79x128xi32, #tpu.memory_space<hbm>> -> memref<1x79x128xi32, #tpu.memory_space<hbm>>
      %dma_start3A_10 = tpu.memref_squeeze %dma_start3A_9 : memref<1x79x128xi32, #tpu.memory_space<hbm>> -> memref<79x128xi32, #tpu.memory_space<hbm>>
      %dma_start3A_11 = arith.constant 0 : i32
      %dma_start3A_12 = arith.constant 0 : i32
      %dma_start3A_13 = tpu.memref_slice %arg2[%add3A, %dma_start3A_11, %dma_start3A_12] : memref<32x79x128xi32, #tpu.memory_space<hbm>> -> memref<1x79x128xi32, #tpu.memory_space<hbm>>
      %dma_start3A_14 = tpu.memref_squeeze %dma_start3A_13 : memref<1x79x128xi32, #tpu.memory_space<hbm>> -> memref<79x128xi32, #tpu.memory_space<hbm>>
      tpu.enqueue_dma source(%dma_start3A_14 : memref<79x128xi32, #tpu.memory_space<hbm>>) target(%arg6 : memref<79x128xi32, #tpu.memory_space<vmem>>) target_semaphore(%run_scoped3A : memref<!tpu.dma_semaphore, #tpu.memory_space<semaphore_mem>>)
      %dma_wait3A = arith.constant 0 : i32
      %dma_wait3A_15 = arith.constant 0 : i32
      %dma_wait3A_16 = tpu.memref_slice %arg2[%add3A, %dma_wait3A, %dma_wait3A_15] : memref<32x79x128xi32, #tpu.memory_space<hbm>> -> memref<1x79x128xi32, #tpu.memory_space<hbm>>
      %dma_wait3A_17 = tpu.memref_squeeze %dma_wait3A_16 : memref<1x79x128xi32, #tpu.memory_space<hbm>> -> memref<79x128xi32, #tpu.memory_space<hbm>>
      %dma_wait3A_18 = arith.constant 0 : i32
      %dma_wait3A_19 = arith.constant 0 : i32
      %dma_wait3A_20 = tpu.memref_slice %arg2[%add3A, %dma_wait3A_18, %dma_wait3A_19] : memref<32x79x128xi32, #tpu.memory_space<hbm>> -> memref<1x79x128xi32, #tpu.memory_space<hbm>>
      %dma_wait3A_21 = tpu.memref_squeeze %dma_wait3A_20 : memref<1x79x128xi32, #tpu.memory_space<hbm>> -> memref<79x128xi32, #tpu.memory_space<hbm>>
      tpu.wait_dma2 semaphore(%run_scoped3A : memref<!tpu.dma_semaphore, #tpu.memory_space<semaphore_mem>>) src(%dma_wait3A_21 : memref<79x128xi32, #tpu.memory_space<hbm>>) dst(%arg6 : memref<79x128xi32, #tpu.memory_space<vmem>>)
      tpu.yield
    }) : () -> ()
    "tpu.region"() ({
      %run_scoped3A = tpu.sem_alloc : memref<!tpu.dma_semaphore, #tpu.memory_space<semaphore_mem>>
      tpu.enqueue_dma source(%arg3 : memref<128x128xf32, #tpu.memory_space<hbm>>) target(%arg7 : memref<128x128xf32, #tpu.memory_space<vmem>>) target_semaphore(%run_scoped3A : memref<!tpu.dma_semaphore, #tpu.memory_space<semaphore_mem>>)
      tpu.wait_dma2 semaphore(%run_scoped3A : memref<!tpu.dma_semaphore, #tpu.memory_space<semaphore_mem>>) src(%arg3 : memref<128x128xf32, #tpu.memory_space<hbm>>) dst(%arg7 : memref<128x128xf32, #tpu.memory_space<vmem>>)
      tpu.yield
    }) : () -> ()
    %mul3A_1 = arith.constant 632 : i32
    %mul3A_2 = arith.muli %arg1, %mul3A_1 : i32
    "tpu.region"() ({
      %run_scoped3A = tpu.sem_alloc : memref<!tpu.dma_semaphore, #tpu.memory_space<semaphore_mem>>
      %dma_start3A = arith.constant 0 : i32
      %dma_start3A_8 = tpu.memref_slice %arg8[%mul3A_2, %dma_start3A] : memref<10112x128xf32, #tpu.memory_space<vmem_shared>> -> memref<632x128xf32, #tpu.memory_space<vmem_shared>>
      %dma_start3A_9 = arith.constant 0 : i32
      %dma_start3A_10 = tpu.memref_slice %arg4[%mul3A_2, %dma_start3A_9] : memref<10112x128xf32, #tpu.memory_space<hbm>> -> memref<632x128xf32, #tpu.memory_space<hbm>>
      tpu.enqueue_dma source(%dma_start3A_10 : memref<632x128xf32, #tpu.memory_space<hbm>>) target(%dma_start3A_8 : memref<632x128xf32, #tpu.memory_space<vmem_shared>>) target_semaphore(%run_scoped3A : memref<!tpu.dma_semaphore, #tpu.memory_space<semaphore_mem>>)
      %dma_wait3A = arith.constant 0 : i32
      %dma_wait3A_11 = tpu.memref_slice %arg8[%mul3A_2, %dma_wait3A] : memref<10112x128xf32, #tpu.memory_space<vmem_shared>> -> memref<632x128xf32, #tpu.memory_space<vmem_shared>>
      %dma_wait3A_12 = arith.constant 0 : i32
      %dma_wait3A_13 = tpu.memref_slice %arg4[%mul3A_2, %dma_wait3A_12] : memref<10112x128xf32, #tpu.memory_space<hbm>> -> memref<632x128xf32, #tpu.memory_space<hbm>>
      tpu.wait_dma2 semaphore(%run_scoped3A : memref<!tpu.dma_semaphore, #tpu.memory_space<semaphore_mem>>) src(%dma_wait3A_13 : memref<632x128xf32, #tpu.memory_space<hbm>>) dst(%dma_wait3A_11 : memref<632x128xf32, #tpu.memory_space<vmem_shared>>)
      tpu.yield
    }) : () -> ()
    %barrier3A = arith.constant 0 : index
    tpu.barrier barrier_id(%barrier3A)
    %scan3A = arith.constant 0 : i32
    %scan3A_3 = arith.constant 79 : i32
    %scan3A_4 = arith.addi %scan3A, %scan3A_3 : i32
    %scan3A_5 = arith.constant 1 : i32
    scf.for %scan3A_8 = %scan3A to %scan3A_4 step %scan3A_5  : i32 {
      %mul3A_9 = arith.constant 1 : i32
      %mul3A_10 = arith.muli %scan3A_8, %mul3A_9 : i32
      %add3A_11 = arith.constant 0 : i32
      %add3A_12 = arith.addi %add3A_11, %mul3A_10 : i32
      "tpu.region"() ({
        %run_scoped3A = tpu.sem_alloc : memref<!tpu.dma_semaphore, #tpu.memory_space<semaphore_mem>>
        %dma_start3A = arith.constant 0 : i32
        %dma_start3A_13 = tpu.memref_slice %arg6[%add3A_12, %dma_start3A] : memref<79x128xi32, #tpu.memory_space<vmem>> -> memref<1x128xi32, #tpu.memory_space<vmem>>
        %dma_start3A_14 = tpu.memref_squeeze %dma_start3A_13 : memref<1x128xi32, #tpu.memory_space<vmem>> -> memref<128xi32, #tpu.memory_space<vmem>>
        %dma_start3A_15 = arith.constant 0 : i32
        %dma_start3A_16 = arith.constant 0 : i32
        %dma_start3A_17 = tpu.memref_slice %arg8[%dma_start3A_15, %dma_start3A_16] : memref<10112x128xf32, #tpu.memory_space<vmem_shared>> -> memref<10112x128xf32, #tpu.memory_space<vmem_shared>>
        tpu.enqueue_indirect_dma source(%arg7 : memref<128x128xf32, #tpu.memory_space<vmem>>) target(%dma_start3A_17 : memref<10112x128xf32, #tpu.memory_space<vmem_shared>>) offsets(%dma_start3A_14 : memref<128xi32, #tpu.memory_space<vmem>>) semaphore(%run_scoped3A : memref<!tpu.dma_semaphore, #tpu.memory_space<semaphore_mem>>) {add = true}
        %dma_wait3A = arith.constant 0 : i32
        %dma_wait3A_18 = tpu.memref_slice %arg6[%add3A_12, %dma_wait3A] : memref<79x128xi32, #tpu.memory_space<vmem>> -> memref<1x128xi32, #tpu.memory_space<vmem>>
        %dma_wait3A_19 = tpu.memref_squeeze %dma_wait3A_18 : memref<1x128xi32, #tpu.memory_space<vmem>> -> memref<128xi32, #tpu.memory_space<vmem>>
        %dma_wait3A_20 = arith.constant 0 : i32
        %dma_wait3A_21 = arith.constant 0 : i32
        %dma_wait3A_22 = tpu.memref_slice %arg8[%dma_wait3A_20, %dma_wait3A_21] : memref<10112x128xf32, #tpu.memory_space<vmem_shared>> -> memref<10112x128xf32, #tpu.memory_space<vmem_shared>>
        tpu.wait_indirect_dma semaphore(%run_scoped3A : memref<!tpu.dma_semaphore, #tpu.memory_space<semaphore_mem>>) src(%arg7 : memref<128x128xf32, #tpu.memory_space<vmem>>) dst(%dma_wait3A_22 : memref<10112x128xf32, #tpu.memory_space<vmem_shared>>)
        tpu.yield
      }) : () -> ()
    }
    %scan3A_6 = arith.constant 79 : i32
    %barrier3A_7 = arith.constant 0 : index
    tpu.barrier barrier_id(%barrier3A_7)
    "tpu.region"() ({
      %run_scoped3A = tpu.sem_alloc : memref<!tpu.dma_semaphore, #tpu.memory_space<semaphore_mem>>
      %dma_start3A = arith.constant 0 : i32
      %dma_start3A_8 = arith.constant 0 : i32
      %dma_start3A_9 = tpu.memref_slice %arg5[%arg0, %dma_start3A, %dma_start3A_8] : memref<2x10112x128xf32, #tpu.memory_space<hbm>> -> memref<1x10112x128xf32, #tpu.memory_space<hbm>>
      %dma_start3A_10 = tpu.memref_squeeze %dma_start3A_9 : memref<1x10112x128xf32, #tpu.memory_space<hbm>> -> memref<10112x128xf32, #tpu.memory_space<hbm>>
      %dma_start3A_11 = arith.constant 0 : i32
      %dma_start3A_12 = tpu.memref_slice %dma_start3A_10[%mul3A_2, %dma_start3A_11] : memref<10112x128xf32, #tpu.memory_space<hbm>> -> memref<632x128xf32, #tpu.memory_space<hbm>>
      %dma_start3A_13 = arith.constant 0 : i32
      %dma_start3A_14 = tpu.memref_slice %arg8[%mul3A_2, %dma_start3A_13] : memref<10112x128xf32, #tpu.memory_space<vmem_shared>> -> memref<632x128xf32, #tpu.memory_space<vmem_shared>>
      tpu.enqueue_dma source(%dma_start3A_14 : memref<632x128xf32, #tpu.memory_space<vmem_shared>>) target(%dma_start3A_12 : memref<632x128xf32, #tpu.memory_space<hbm>>) target_semaphore(%run_scoped3A : memref<!tpu.dma_semaphore, #tpu.memory_space<semaphore_mem>>)
      %dma_wait3A = arith.constant 0 : i32
      %dma_wait3A_15 = arith.constant 0 : i32
      %dma_wait3A_16 = tpu.memref_slice %arg5[%arg0, %dma_wait3A, %dma_wait3A_15] : memref<2x10112x128xf32, #tpu.memory_space<hbm>> -> memref<1x10112x128xf32, #tpu.memory_space<hbm>>
      %dma_wait3A_17 = tpu.memref_squeeze %dma_wait3A_16 : memref<1x10112x128xf32, #tpu.memory_space<hbm>> -> memref<10112x128xf32, #tpu.memory_space<hbm>>
      %dma_wait3A_18 = arith.constant 0 : i32
      %dma_wait3A_19 = tpu.memref_slice %dma_wait3A_17[%mul3A_2, %dma_wait3A_18] : memref<10112x128xf32, #tpu.memory_space<hbm>> -> memref<632x128xf32, #tpu.memory_space<hbm>>
      %dma_wait3A_20 = arith.constant 0 : i32
      %dma_wait3A_21 = tpu.memref_slice %arg8[%mul3A_2, %dma_wait3A_20] : memref<10112x128xf32, #tpu.memory_space<vmem_shared>> -> memref<632x128xf32, #tpu.memory_space<vmem_shared>>
      tpu.wait_dma2 semaphore(%run_scoped3A : memref<!tpu.dma_semaphore, #tpu.memory_space<semaphore_mem>>) src(%dma_wait3A_21 : memref<632x128xf32, #tpu.memory_space<vmem_shared>>) dst(%dma_wait3A_19 : memref<632x128xf32, #tpu.memory_space<hbm>>)
      tpu.yield
    }) : () -> ()
    return
  }
}

#map = affine_map<(d0, d1) -> (0, 0)>
#map1 = affine_map<(d0, d1) -> (0, 0, 0)>
module attributes {stable_mosaic.version = 14 : i64} {
  func.func @agg_kernel(%arg0: i32, %arg1: i32, %arg2: memref<10000x128xf32, #tpu.memory_space<hbm>>, %arg3: memref<32x104x128xi32, #tpu.memory_space<hbm>>, %arg4: memref<32x104x128xi32, #tpu.memory_space<hbm>>, %arg5: memref<10112x128xf32, #tpu.memory_space<hbm>>, %arg6: memref<2x10112x128xf32, #tpu.memory_space<hbm>>, %arg7: memref<104x128xi32, #tpu.memory_space<vmem>>, %arg8: memref<104x128xi32, #tpu.memory_space<vmem>>, %arg9: memref<32x128xf32, #tpu.memory_space<vmem>>, %arg10: memref<32x128xf32, #tpu.memory_space<vmem>>, %arg11: memref<32x128xf32, #tpu.memory_space<vmem>>, %arg12: memref<32x128xf32, #tpu.memory_space<vmem>>, %arg13: memref<10112x128xf32, #tpu.memory_space<vmem_shared>>, %arg14: memref<!tpu.dma_semaphore, #tpu.memory_space<semaphore_mem>>, %arg15: memref<!tpu.dma_semaphore, #tpu.memory_space<semaphore_mem>>, %arg16: memref<!tpu.dma_semaphore, #tpu.memory_space<semaphore_mem>>, %arg17: memref<!tpu.dma_semaphore, #tpu.memory_space<semaphore_mem>>) attributes {dimension_semantics = [#tpu.dimension_semantics<core_parallel>, #tpu.dimension_semantics<subcore_parallel>], iteration_bounds = array<i64: 2, 16>, scalar_prefetch = 0 : i64, scratch_operands = 11 : i64, tpu.core_type = #tpu.core_type<sc_vector_subcore>, window_params = [{transform_indices = #map}, {transform_indices = #map1}, {transform_indices = #map1}, {transform_indices = #map}, {transform_indices = #map1}]} {
    %mul3A = arith.constant 16 : i32
    %mul3A_0 = arith.muli %arg0, %mul3A : i32
    %add3A = arith.addi %mul3A_0, %arg1 : i32
    "tpu.region"() ({
      %run_scoped3A = tpu.sem_alloc : memref<!tpu.dma_semaphore, #tpu.memory_space<semaphore_mem>>
      %dma_start3A = arith.constant 0 : i32
      %dma_start3A_11 = arith.constant 0 : i32
      %dma_start3A_12 = tpu.memref_slice %arg3[%add3A, %dma_start3A, %dma_start3A_11] : memref<32x104x128xi32, #tpu.memory_space<hbm>> -> memref<1x104x128xi32, #tpu.memory_space<hbm>>
      %dma_start3A_13 = tpu.memref_squeeze %dma_start3A_12 : memref<1x104x128xi32, #tpu.memory_space<hbm>> -> memref<104x128xi32, #tpu.memory_space<hbm>>
      %dma_start3A_14 = arith.constant 0 : i32
      %dma_start3A_15 = arith.constant 0 : i32
      %dma_start3A_16 = tpu.memref_slice %arg3[%add3A, %dma_start3A_14, %dma_start3A_15] : memref<32x104x128xi32, #tpu.memory_space<hbm>> -> memref<1x104x128xi32, #tpu.memory_space<hbm>>
      %dma_start3A_17 = tpu.memref_squeeze %dma_start3A_16 : memref<1x104x128xi32, #tpu.memory_space<hbm>> -> memref<104x128xi32, #tpu.memory_space<hbm>>
      tpu.enqueue_dma source(%dma_start3A_17 : memref<104x128xi32, #tpu.memory_space<hbm>>) target(%arg7 : memref<104x128xi32, #tpu.memory_space<vmem>>) target_semaphore(%run_scoped3A : memref<!tpu.dma_semaphore, #tpu.memory_space<semaphore_mem>>)
      %dma_wait3A = arith.constant 0 : i32
      %dma_wait3A_18 = arith.constant 0 : i32
      %dma_wait3A_19 = tpu.memref_slice %arg3[%add3A, %dma_wait3A, %dma_wait3A_18] : memref<32x104x128xi32, #tpu.memory_space<hbm>> -> memref<1x104x128xi32, #tpu.memory_space<hbm>>
      %dma_wait3A_20 = tpu.memref_squeeze %dma_wait3A_19 : memref<1x104x128xi32, #tpu.memory_space<hbm>> -> memref<104x128xi32, #tpu.memory_space<hbm>>
      %dma_wait3A_21 = arith.constant 0 : i32
      %dma_wait3A_22 = arith.constant 0 : i32
      %dma_wait3A_23 = tpu.memref_slice %arg3[%add3A, %dma_wait3A_21, %dma_wait3A_22] : memref<32x104x128xi32, #tpu.memory_space<hbm>> -> memref<1x104x128xi32, #tpu.memory_space<hbm>>
      %dma_wait3A_24 = tpu.memref_squeeze %dma_wait3A_23 : memref<1x104x128xi32, #tpu.memory_space<hbm>> -> memref<104x128xi32, #tpu.memory_space<hbm>>
      tpu.wait_dma2 semaphore(%run_scoped3A : memref<!tpu.dma_semaphore, #tpu.memory_space<semaphore_mem>>) src(%dma_wait3A_24 : memref<104x128xi32, #tpu.memory_space<hbm>>) dst(%arg7 : memref<104x128xi32, #tpu.memory_space<vmem>>)
      tpu.yield
    }) : () -> ()
    "tpu.region"() ({
      %run_scoped3A = tpu.sem_alloc : memref<!tpu.dma_semaphore, #tpu.memory_space<semaphore_mem>>
      %dma_start3A = arith.constant 0 : i32
      %dma_start3A_11 = arith.constant 0 : i32
      %dma_start3A_12 = tpu.memref_slice %arg4[%add3A, %dma_start3A, %dma_start3A_11] : memref<32x104x128xi32, #tpu.memory_space<hbm>> -> memref<1x104x128xi32, #tpu.memory_space<hbm>>
      %dma_start3A_13 = tpu.memref_squeeze %dma_start3A_12 : memref<1x104x128xi32, #tpu.memory_space<hbm>> -> memref<104x128xi32, #tpu.memory_space<hbm>>
      %dma_start3A_14 = arith.constant 0 : i32
      %dma_start3A_15 = arith.constant 0 : i32
      %dma_start3A_16 = tpu.memref_slice %arg4[%add3A, %dma_start3A_14, %dma_start3A_15] : memref<32x104x128xi32, #tpu.memory_space<hbm>> -> memref<1x104x128xi32, #tpu.memory_space<hbm>>
      %dma_start3A_17 = tpu.memref_squeeze %dma_start3A_16 : memref<1x104x128xi32, #tpu.memory_space<hbm>> -> memref<104x128xi32, #tpu.memory_space<hbm>>
      tpu.enqueue_dma source(%dma_start3A_17 : memref<104x128xi32, #tpu.memory_space<hbm>>) target(%arg8 : memref<104x128xi32, #tpu.memory_space<vmem>>) target_semaphore(%run_scoped3A : memref<!tpu.dma_semaphore, #tpu.memory_space<semaphore_mem>>)
      %dma_wait3A = arith.constant 0 : i32
      %dma_wait3A_18 = arith.constant 0 : i32
      %dma_wait3A_19 = tpu.memref_slice %arg4[%add3A, %dma_wait3A, %dma_wait3A_18] : memref<32x104x128xi32, #tpu.memory_space<hbm>> -> memref<1x104x128xi32, #tpu.memory_space<hbm>>
      %dma_wait3A_20 = tpu.memref_squeeze %dma_wait3A_19 : memref<1x104x128xi32, #tpu.memory_space<hbm>> -> memref<104x128xi32, #tpu.memory_space<hbm>>
      %dma_wait3A_21 = arith.constant 0 : i32
      %dma_wait3A_22 = arith.constant 0 : i32
      %dma_wait3A_23 = tpu.memref_slice %arg4[%add3A, %dma_wait3A_21, %dma_wait3A_22] : memref<32x104x128xi32, #tpu.memory_space<hbm>> -> memref<1x104x128xi32, #tpu.memory_space<hbm>>
      %dma_wait3A_24 = tpu.memref_squeeze %dma_wait3A_23 : memref<1x104x128xi32, #tpu.memory_space<hbm>> -> memref<104x128xi32, #tpu.memory_space<hbm>>
      tpu.wait_dma2 semaphore(%run_scoped3A : memref<!tpu.dma_semaphore, #tpu.memory_space<semaphore_mem>>) src(%dma_wait3A_24 : memref<104x128xi32, #tpu.memory_space<hbm>>) dst(%arg8 : memref<104x128xi32, #tpu.memory_space<vmem>>)
      tpu.yield
    }) : () -> ()
    %mul3A_1 = arith.constant 632 : i32
    %mul3A_2 = arith.muli %arg1, %mul3A_1 : i32
    "tpu.region"() ({
      %run_scoped3A = tpu.sem_alloc : memref<!tpu.dma_semaphore, #tpu.memory_space<semaphore_mem>>
      %dma_start3A = arith.constant 0 : i32
      %dma_start3A_11 = tpu.memref_slice %arg13[%mul3A_2, %dma_start3A] : memref<10112x128xf32, #tpu.memory_space<vmem_shared>> -> memref<632x128xf32, #tpu.memory_space<vmem_shared>>
      %dma_start3A_12 = arith.constant 0 : i32
      %dma_start3A_13 = tpu.memref_slice %arg5[%mul3A_2, %dma_start3A_12] : memref<10112x128xf32, #tpu.memory_space<hbm>> -> memref<632x128xf32, #tpu.memory_space<hbm>>
      tpu.enqueue_dma source(%dma_start3A_13 : memref<632x128xf32, #tpu.memory_space<hbm>>) target(%dma_start3A_11 : memref<632x128xf32, #tpu.memory_space<vmem_shared>>) target_semaphore(%run_scoped3A : memref<!tpu.dma_semaphore, #tpu.memory_space<semaphore_mem>>)
      %dma_wait3A = arith.constant 0 : i32
      %dma_wait3A_14 = tpu.memref_slice %arg13[%mul3A_2, %dma_wait3A] : memref<10112x128xf32, #tpu.memory_space<vmem_shared>> -> memref<632x128xf32, #tpu.memory_space<vmem_shared>>
      %dma_wait3A_15 = arith.constant 0 : i32
      %dma_wait3A_16 = tpu.memref_slice %arg5[%mul3A_2, %dma_wait3A_15] : memref<10112x128xf32, #tpu.memory_space<hbm>> -> memref<632x128xf32, #tpu.memory_space<hbm>>
      tpu.wait_dma2 semaphore(%run_scoped3A : memref<!tpu.dma_semaphore, #tpu.memory_space<semaphore_mem>>) src(%dma_wait3A_16 : memref<632x128xf32, #tpu.memory_space<hbm>>) dst(%dma_wait3A_14 : memref<632x128xf32, #tpu.memory_space<vmem_shared>>)
      tpu.yield
    }) : () -> ()
    %barrier3A = arith.constant 0 : index
    tpu.barrier barrier_id(%barrier3A)
    %eq3A = arith.constant 0 : i32
    %eq3A_3 = arith.cmpi eq, %arg0, %eq3A : i32
    %convert_element_type3A = arith.extui %eq3A_3 : i1 to i32
    %cond3A = arith.constant 0 : i32
    %cond3A_4 = arith.cmpi ne, %convert_element_type3A, %cond3A : i32
    scf.if %cond3A_4 {
      %dma_start3A = arith.constant 0 : i32
      %dma_start3A_11 = arith.constant 0 : i32
      %dma_start3A_12 = tpu.memref_slice %arg7[%dma_start3A, %dma_start3A_11] : memref<104x128xi32, #tpu.memory_space<vmem>> -> memref<1x32xi32, #tpu.memory_space<vmem>>
      %dma_start3A_13 = tpu.memref_squeeze %dma_start3A_12 : memref<1x32xi32, #tpu.memory_space<vmem>> -> memref<32xi32, #tpu.memory_space<vmem>>
      %dma_start3A_14 = arith.constant 0 : i32
      %dma_start3A_15 = arith.constant 0 : i32
      %dma_start3A_16 = tpu.memref_slice %arg2[%dma_start3A_14, %dma_start3A_15] : memref<10000x128xf32, #tpu.memory_space<hbm>> -> memref<10000x128xf32, #tpu.memory_space<hbm>>
      tpu.enqueue_indirect_dma source(%dma_start3A_16 : memref<10000x128xf32, #tpu.memory_space<hbm>>) target(%arg9 : memref<32x128xf32, #tpu.memory_space<vmem>>) offsets(%dma_start3A_13 : memref<32xi32, #tpu.memory_space<vmem>>) semaphore(%arg14 : memref<!tpu.dma_semaphore, #tpu.memory_space<semaphore_mem>>)
      %dma_start3A_17 = arith.constant 0 : i32
      %dma_start3A_18 = arith.constant 32 : i32
      %dma_start3A_19 = tpu.memref_slice %arg7[%dma_start3A_17, %dma_start3A_18] : memref<104x128xi32, #tpu.memory_space<vmem>> -> memref<1x32xi32, #tpu.memory_space<vmem>>
      %dma_start3A_20 = tpu.memref_squeeze %dma_start3A_19 : memref<1x32xi32, #tpu.memory_space<vmem>> -> memref<32xi32, #tpu.memory_space<vmem>>
      %dma_start3A_21 = arith.constant 0 : i32
      %dma_start3A_22 = arith.constant 0 : i32
      %dma_start3A_23 = tpu.memref_slice %arg2[%dma_start3A_21, %dma_start3A_22] : memref<10000x128xf32, #tpu.memory_space<hbm>> -> memref<10000x128xf32, #tpu.memory_space<hbm>>
      tpu.enqueue_indirect_dma source(%dma_start3A_23 : memref<10000x128xf32, #tpu.memory_space<hbm>>) target(%arg10 : memref<32x128xf32, #tpu.memory_space<vmem>>) offsets(%dma_start3A_20 : memref<32xi32, #tpu.memory_space<vmem>>) semaphore(%arg15 : memref<!tpu.dma_semaphore, #tpu.memory_space<semaphore_mem>>)
      %dma_start3A_24 = arith.constant 0 : i32
      %dma_start3A_25 = arith.constant 64 : i32
      %dma_start3A_26 = tpu.memref_slice %arg7[%dma_start3A_24, %dma_start3A_25] : memref<104x128xi32, #tpu.memory_space<vmem>> -> memref<1x32xi32, #tpu.memory_space<vmem>>
      %dma_start3A_27 = tpu.memref_squeeze %dma_start3A_26 : memref<1x32xi32, #tpu.memory_space<vmem>> -> memref<32xi32, #tpu.memory_space<vmem>>
      %dma_start3A_28 = arith.constant 0 : i32
      %dma_start3A_29 = arith.constant 0 : i32
      %dma_start3A_30 = tpu.memref_slice %arg2[%dma_start3A_28, %dma_start3A_29] : memref<10000x128xf32, #tpu.memory_space<hbm>> -> memref<10000x128xf32, #tpu.memory_space<hbm>>
      tpu.enqueue_indirect_dma source(%dma_start3A_30 : memref<10000x128xf32, #tpu.memory_space<hbm>>) target(%arg11 : memref<32x128xf32, #tpu.memory_space<vmem>>) offsets(%dma_start3A_27 : memref<32xi32, #tpu.memory_space<vmem>>) semaphore(%arg16 : memref<!tpu.dma_semaphore, #tpu.memory_space<semaphore_mem>>)
      %scan3A = arith.constant 0 : i32
      %scan3A_31 = arith.constant 104 : i32
      %scan3A_32 = arith.addi %scan3A, %scan3A_31 : i32
      %scan3A_33 = arith.constant 1 : i32
      scf.for %scan3A_35 = %scan3A to %scan3A_32 step %scan3A_33  : i32 {
        %mul3A_36 = arith.constant 1 : i32
        %mul3A_37 = arith.muli %scan3A_35, %mul3A_36 : i32
        %add3A_38 = arith.constant 0 : i32
        %add3A_39 = arith.addi %add3A_38, %mul3A_37 : i32
        %dma_wait3A = arith.constant 0 : i32
        %dma_wait3A_40 = arith.constant 0 : i32
        %dma_wait3A_41 = tpu.memref_slice %arg7[%dma_wait3A, %dma_wait3A_40] : memref<104x128xi32, #tpu.memory_space<vmem>> -> memref<1x32xi32, #tpu.memory_space<vmem>>
        %dma_wait3A_42 = tpu.memref_squeeze %dma_wait3A_41 : memref<1x32xi32, #tpu.memory_space<vmem>> -> memref<32xi32, #tpu.memory_space<vmem>>
        %dma_wait3A_43 = arith.constant 0 : i32
        %dma_wait3A_44 = arith.constant 0 : i32
        %dma_wait3A_45 = tpu.memref_slice %arg2[%dma_wait3A_43, %dma_wait3A_44] : memref<10000x128xf32, #tpu.memory_space<hbm>> -> memref<10000x128xf32, #tpu.memory_space<hbm>>
        tpu.wait_indirect_dma semaphore(%arg14 : memref<!tpu.dma_semaphore, #tpu.memory_space<semaphore_mem>>) src(%dma_wait3A_45 : memref<10000x128xf32, #tpu.memory_space<hbm>>) dst(%arg9 : memref<32x128xf32, #tpu.memory_space<vmem>>)
        %dma_start3A_46 = arith.constant 96 : i32
        %dma_start3A_47 = tpu.memref_slice %arg7[%add3A_39, %dma_start3A_46] : memref<104x128xi32, #tpu.memory_space<vmem>> -> memref<1x32xi32, #tpu.memory_space<vmem>>
        %dma_start3A_48 = tpu.memref_squeeze %dma_start3A_47 : memref<1x32xi32, #tpu.memory_space<vmem>> -> memref<32xi32, #tpu.memory_space<vmem>>
        %dma_start3A_49 = arith.constant 0 : i32
        %dma_start3A_50 = arith.constant 0 : i32
        %dma_start3A_51 = tpu.memref_slice %arg2[%dma_start3A_49, %dma_start3A_50] : memref<10000x128xf32, #tpu.memory_space<hbm>> -> memref<10000x128xf32, #tpu.memory_space<hbm>>
        tpu.enqueue_indirect_dma source(%dma_start3A_51 : memref<10000x128xf32, #tpu.memory_space<hbm>>) target(%arg12 : memref<32x128xf32, #tpu.memory_space<vmem>>) offsets(%dma_start3A_48 : memref<32xi32, #tpu.memory_space<vmem>>) semaphore(%arg17 : memref<!tpu.dma_semaphore, #tpu.memory_space<semaphore_mem>>)
        "tpu.region"() ({
          %run_scoped3A = tpu.sem_alloc : memref<!tpu.dma_semaphore, #tpu.memory_space<semaphore_mem>>
          %dma_start3A_93 = arith.constant 0 : i32
          %dma_start3A_94 = tpu.memref_slice %arg8[%add3A_39, %dma_start3A_93] : memref<104x128xi32, #tpu.memory_space<vmem>> -> memref<1x32xi32, #tpu.memory_space<vmem>>
          %dma_start3A_95 = tpu.memref_squeeze %dma_start3A_94 : memref<1x32xi32, #tpu.memory_space<vmem>> -> memref<32xi32, #tpu.memory_space<vmem>>
          %dma_start3A_96 = arith.constant 0 : i32
          %dma_start3A_97 = arith.constant 0 : i32
          %dma_start3A_98 = tpu.memref_slice %arg13[%dma_start3A_96, %dma_start3A_97] : memref<10112x128xf32, #tpu.memory_space<vmem_shared>> -> memref<10112x128xf32, #tpu.memory_space<vmem_shared>>
          tpu.enqueue_indirect_dma source(%arg9 : memref<32x128xf32, #tpu.memory_space<vmem>>) target(%dma_start3A_98 : memref<10112x128xf32, #tpu.memory_space<vmem_shared>>) offsets(%dma_start3A_95 : memref<32xi32, #tpu.memory_space<vmem>>) semaphore(%run_scoped3A : memref<!tpu.dma_semaphore, #tpu.memory_space<semaphore_mem>>) {add = true}
          %dma_wait3A_99 = arith.constant 0 : i32
          %dma_wait3A_100 = tpu.memref_slice %arg8[%add3A_39, %dma_wait3A_99] : memref<104x128xi32, #tpu.memory_space<vmem>> -> memref<1x32xi32, #tpu.memory_space<vmem>>
          %dma_wait3A_101 = tpu.memref_squeeze %dma_wait3A_100 : memref<1x32xi32, #tpu.memory_space<vmem>> -> memref<32xi32, #tpu.memory_space<vmem>>
          %dma_wait3A_102 = arith.constant 0 : i32
          %dma_wait3A_103 = arith.constant 0 : i32
          %dma_wait3A_104 = tpu.memref_slice %arg13[%dma_wait3A_102, %dma_wait3A_103] : memref<10112x128xf32, #tpu.memory_space<vmem_shared>> -> memref<10112x128xf32, #tpu.memory_space<vmem_shared>>
          tpu.wait_indirect_dma semaphore(%run_scoped3A : memref<!tpu.dma_semaphore, #tpu.memory_space<semaphore_mem>>) src(%arg9 : memref<32x128xf32, #tpu.memory_space<vmem>>) dst(%dma_wait3A_104 : memref<10112x128xf32, #tpu.memory_space<vmem_shared>>)
          tpu.yield
        }) : () -> ()
        %dma_wait3A_52 = arith.constant 0 : i32
        %dma_wait3A_53 = arith.constant 0 : i32
        %dma_wait3A_54 = tpu.memref_slice %arg7[%dma_wait3A_52, %dma_wait3A_53] : memref<104x128xi32, #tpu.memory_space<vmem>> -> memref<1x32xi32, #tpu.memory_space<vmem>>
        %dma_wait3A_55 = tpu.memref_squeeze %dma_wait3A_54 : memref<1x32xi32, #tpu.memory_space<vmem>> -> memref<32xi32, #tpu.memory_space<vmem>>
        %dma_wait3A_56 = arith.constant 0 : i32
        %dma_wait3A_57 = arith.constant 0 : i32
        %dma_wait3A_58 = tpu.memref_slice %arg2[%dma_wait3A_56, %dma_wait3A_57] : memref<10000x128xf32, #tpu.memory_space<hbm>> -> memref<10000x128xf32, #tpu.memory_space<hbm>>
        tpu.wait_indirect_dma semaphore(%arg15 : memref<!tpu.dma_semaphore, #tpu.memory_space<semaphore_mem>>) src(%dma_wait3A_58 : memref<10000x128xf32, #tpu.memory_space<hbm>>) dst(%arg10 : memref<32x128xf32, #tpu.memory_space<vmem>>)
        %add3A_59 = arith.constant 1 : i32
        %add3A_60 = arith.addi %add3A_39, %add3A_59 : i32
        %lt3A = arith.constant 104 : i32
        %lt3A_61 = arith.cmpi slt, %add3A_60, %lt3A : i32
        %convert_element_type3A_62 = arith.extui %lt3A_61 : i1 to i32
        %cond3A_63 = arith.constant 0 : i32
        %cond3A_64 = arith.cmpi ne, %convert_element_type3A_62, %cond3A_63 : i32
        scf.if %cond3A_64 {
          %add3A_93 = arith.constant 1 : i32
          %add3A_94 = arith.addi %add3A_39, %add3A_93 : i32
          %dma_start3A_95 = arith.constant 0 : i32
          %dma_start3A_96 = tpu.memref_slice %arg7[%add3A_94, %dma_start3A_95] : memref<104x128xi32, #tpu.memory_space<vmem>> -> memref<1x32xi32, #tpu.memory_space<vmem>>
          %dma_start3A_97 = tpu.memref_squeeze %dma_start3A_96 : memref<1x32xi32, #tpu.memory_space<vmem>> -> memref<32xi32, #tpu.memory_space<vmem>>
          %dma_start3A_98 = arith.constant 0 : i32
          %dma_start3A_99 = arith.constant 0 : i32
          %dma_start3A_100 = tpu.memref_slice %arg2[%dma_start3A_98, %dma_start3A_99] : memref<10000x128xf32, #tpu.memory_space<hbm>> -> memref<10000x128xf32, #tpu.memory_space<hbm>>
          tpu.enqueue_indirect_dma source(%dma_start3A_100 : memref<10000x128xf32, #tpu.memory_space<hbm>>) target(%arg9 : memref<32x128xf32, #tpu.memory_space<vmem>>) offsets(%dma_start3A_97 : memref<32xi32, #tpu.memory_space<vmem>>) semaphore(%arg14 : memref<!tpu.dma_semaphore, #tpu.memory_space<semaphore_mem>>)
        } else {
        }
        "tpu.region"() ({
          %run_scoped3A = tpu.sem_alloc : memref<!tpu.dma_semaphore, #tpu.memory_space<semaphore_mem>>
          %dma_start3A_93 = arith.constant 32 : i32
          %dma_start3A_94 = tpu.memref_slice %arg8[%add3A_39, %dma_start3A_93] : memref<104x128xi32, #tpu.memory_space<vmem>> -> memref<1x32xi32, #tpu.memory_space<vmem>>
          %dma_start3A_95 = tpu.memref_squeeze %dma_start3A_94 : memref<1x32xi32, #tpu.memory_space<vmem>> -> memref<32xi32, #tpu.memory_space<vmem>>
          %dma_start3A_96 = arith.constant 0 : i32
          %dma_start3A_97 = arith.constant 0 : i32
          %dma_start3A_98 = tpu.memref_slice %arg13[%dma_start3A_96, %dma_start3A_97] : memref<10112x128xf32, #tpu.memory_space<vmem_shared>> -> memref<10112x128xf32, #tpu.memory_space<vmem_shared>>
          tpu.enqueue_indirect_dma source(%arg10 : memref<32x128xf32, #tpu.memory_space<vmem>>) target(%dma_start3A_98 : memref<10112x128xf32, #tpu.memory_space<vmem_shared>>) offsets(%dma_start3A_95 : memref<32xi32, #tpu.memory_space<vmem>>) semaphore(%run_scoped3A : memref<!tpu.dma_semaphore, #tpu.memory_space<semaphore_mem>>) {add = true}
          %dma_wait3A_99 = arith.constant 32 : i32
          %dma_wait3A_100 = tpu.memref_slice %arg8[%add3A_39, %dma_wait3A_99] : memref<104x128xi32, #tpu.memory_space<vmem>> -> memref<1x32xi32, #tpu.memory_space<vmem>>
          %dma_wait3A_101 = tpu.memref_squeeze %dma_wait3A_100 : memref<1x32xi32, #tpu.memory_space<vmem>> -> memref<32xi32, #tpu.memory_space<vmem>>
          %dma_wait3A_102 = arith.constant 0 : i32
          %dma_wait3A_103 = arith.constant 0 : i32
          %dma_wait3A_104 = tpu.memref_slice %arg13[%dma_wait3A_102, %dma_wait3A_103] : memref<10112x128xf32, #tpu.memory_space<vmem_shared>> -> memref<10112x128xf32, #tpu.memory_space<vmem_shared>>
          tpu.wait_indirect_dma semaphore(%run_scoped3A : memref<!tpu.dma_semaphore, #tpu.memory_space<semaphore_mem>>) src(%arg10 : memref<32x128xf32, #tpu.memory_space<vmem>>) dst(%dma_wait3A_104 : memref<10112x128xf32, #tpu.memory_space<vmem_shared>>)
          tpu.yield
        }) : () -> ()
        %dma_wait3A_65 = arith.constant 0 : i32
        %dma_wait3A_66 = arith.constant 0 : i32
        %dma_wait3A_67 = tpu.memref_slice %arg7[%dma_wait3A_65, %dma_wait3A_66] : memref<104x128xi32, #tpu.memory_space<vmem>> -> memref<1x32xi32, #tpu.memory_space<vmem>>
        %dma_wait3A_68 = tpu.memref_squeeze %dma_wait3A_67 : memref<1x32xi32, #tpu.memory_space<vmem>> -> memref<32xi32, #tpu.memory_space<vmem>>
        %dma_wait3A_69 = arith.constant 0 : i32
        %dma_wait3A_70 = arith.constant 0 : i32
        %dma_wait3A_71 = tpu.memref_slice %arg2[%dma_wait3A_69, %dma_wait3A_70] : memref<10000x128xf32, #tpu.memory_space<hbm>> -> memref<10000x128xf32, #tpu.memory_space<hbm>>
        tpu.wait_indirect_dma semaphore(%arg16 : memref<!tpu.dma_semaphore, #tpu.memory_space<semaphore_mem>>) src(%dma_wait3A_71 : memref<10000x128xf32, #tpu.memory_space<hbm>>) dst(%arg11 : memref<32x128xf32, #tpu.memory_space<vmem>>)
        %add3A_72 = arith.constant 1 : i32
        %add3A_73 = arith.addi %add3A_39, %add3A_72 : i32
        %lt3A_74 = arith.constant 104 : i32
        %lt3A_75 = arith.cmpi slt, %add3A_73, %lt3A_74 : i32
        %convert_element_type3A_76 = arith.extui %lt3A_75 : i1 to i32
        %cond3A_77 = arith.constant 0 : i32
        %cond3A_78 = arith.cmpi ne, %convert_element_type3A_76, %cond3A_77 : i32
        scf.if %cond3A_78 {
          %add3A_93 = arith.constant 1 : i32
          %add3A_94 = arith.addi %add3A_39, %add3A_93 : i32
          %dma_start3A_95 = arith.constant 32 : i32
          %dma_start3A_96 = tpu.memref_slice %arg7[%add3A_94, %dma_start3A_95] : memref<104x128xi32, #tpu.memory_space<vmem>> -> memref<1x32xi32, #tpu.memory_space<vmem>>
          %dma_start3A_97 = tpu.memref_squeeze %dma_start3A_96 : memref<1x32xi32, #tpu.memory_space<vmem>> -> memref<32xi32, #tpu.memory_space<vmem>>
          %dma_start3A_98 = arith.constant 0 : i32
          %dma_start3A_99 = arith.constant 0 : i32
          %dma_start3A_100 = tpu.memref_slice %arg2[%dma_start3A_98, %dma_start3A_99] : memref<10000x128xf32, #tpu.memory_space<hbm>> -> memref<10000x128xf32, #tpu.memory_space<hbm>>
          tpu.enqueue_indirect_dma source(%dma_start3A_100 : memref<10000x128xf32, #tpu.memory_space<hbm>>) target(%arg10 : memref<32x128xf32, #tpu.memory_space<vmem>>) offsets(%dma_start3A_97 : memref<32xi32, #tpu.memory_space<vmem>>) semaphore(%arg15 : memref<!tpu.dma_semaphore, #tpu.memory_space<semaphore_mem>>)
        } else {
        }
        "tpu.region"() ({
          %run_scoped3A = tpu.sem_alloc : memref<!tpu.dma_semaphore, #tpu.memory_space<semaphore_mem>>
          %dma_start3A_93 = arith.constant 64 : i32
          %dma_start3A_94 = tpu.memref_slice %arg8[%add3A_39, %dma_start3A_93] : memref<104x128xi32, #tpu.memory_space<vmem>> -> memref<1x32xi32, #tpu.memory_space<vmem>>
          %dma_start3A_95 = tpu.memref_squeeze %dma_start3A_94 : memref<1x32xi32, #tpu.memory_space<vmem>> -> memref<32xi32, #tpu.memory_space<vmem>>
          %dma_start3A_96 = arith.constant 0 : i32
          %dma_start3A_97 = arith.constant 0 : i32
          %dma_start3A_98 = tpu.memref_slice %arg13[%dma_start3A_96, %dma_start3A_97] : memref<10112x128xf32, #tpu.memory_space<vmem_shared>> -> memref<10112x128xf32, #tpu.memory_space<vmem_shared>>
          tpu.enqueue_indirect_dma source(%arg11 : memref<32x128xf32, #tpu.memory_space<vmem>>) target(%dma_start3A_98 : memref<10112x128xf32, #tpu.memory_space<vmem_shared>>) offsets(%dma_start3A_95 : memref<32xi32, #tpu.memory_space<vmem>>) semaphore(%run_scoped3A : memref<!tpu.dma_semaphore, #tpu.memory_space<semaphore_mem>>) {add = true}
          %dma_wait3A_99 = arith.constant 64 : i32
          %dma_wait3A_100 = tpu.memref_slice %arg8[%add3A_39, %dma_wait3A_99] : memref<104x128xi32, #tpu.memory_space<vmem>> -> memref<1x32xi32, #tpu.memory_space<vmem>>
          %dma_wait3A_101 = tpu.memref_squeeze %dma_wait3A_100 : memref<1x32xi32, #tpu.memory_space<vmem>> -> memref<32xi32, #tpu.memory_space<vmem>>
          %dma_wait3A_102 = arith.constant 0 : i32
          %dma_wait3A_103 = arith.constant 0 : i32
          %dma_wait3A_104 = tpu.memref_slice %arg13[%dma_wait3A_102, %dma_wait3A_103] : memref<10112x128xf32, #tpu.memory_space<vmem_shared>> -> memref<10112x128xf32, #tpu.memory_space<vmem_shared>>
          tpu.wait_indirect_dma semaphore(%run_scoped3A : memref<!tpu.dma_semaphore, #tpu.memory_space<semaphore_mem>>) src(%arg11 : memref<32x128xf32, #tpu.memory_space<vmem>>) dst(%dma_wait3A_104 : memref<10112x128xf32, #tpu.memory_space<vmem_shared>>)
          tpu.yield
        }) : () -> ()
        %dma_wait3A_79 = arith.constant 0 : i32
        %dma_wait3A_80 = arith.constant 0 : i32
        %dma_wait3A_81 = tpu.memref_slice %arg7[%dma_wait3A_79, %dma_wait3A_80] : memref<104x128xi32, #tpu.memory_space<vmem>> -> memref<1x32xi32, #tpu.memory_space<vmem>>
        %dma_wait3A_82 = tpu.memref_squeeze %dma_wait3A_81 : memref<1x32xi32, #tpu.memory_space<vmem>> -> memref<32xi32, #tpu.memory_space<vmem>>
        %dma_wait3A_83 = arith.constant 0 : i32
        %dma_wait3A_84 = arith.constant 0 : i32
        %dma_wait3A_85 = tpu.memref_slice %arg2[%dma_wait3A_83, %dma_wait3A_84] : memref<10000x128xf32, #tpu.memory_space<hbm>> -> memref<10000x128xf32, #tpu.memory_space<hbm>>
        tpu.wait_indirect_dma semaphore(%arg17 : memref<!tpu.dma_semaphore, #tpu.memory_space<semaphore_mem>>) src(%dma_wait3A_85 : memref<10000x128xf32, #tpu.memory_space<hbm>>) dst(%arg12 : memref<32x128xf32, #tpu.memory_space<vmem>>)
        %add3A_86 = arith.constant 1 : i32
        %add3A_87 = arith.addi %add3A_39, %add3A_86 : i32
        %lt3A_88 = arith.constant 104 : i32
        %lt3A_89 = arith.cmpi slt, %add3A_87, %lt3A_88 : i32
        %convert_element_type3A_90 = arith.extui %lt3A_89 : i1 to i32
        %cond3A_91 = arith.constant 0 : i32
        %cond3A_92 = arith.cmpi ne, %convert_element_type3A_90, %cond3A_91 : i32
        scf.if %cond3A_92 {
          %add3A_93 = arith.constant 1 : i32
          %add3A_94 = arith.addi %add3A_39, %add3A_93 : i32
          %dma_start3A_95 = arith.constant 64 : i32
          %dma_start3A_96 = tpu.memref_slice %arg7[%add3A_94, %dma_start3A_95] : memref<104x128xi32, #tpu.memory_space<vmem>> -> memref<1x32xi32, #tpu.memory_space<vmem>>
          %dma_start3A_97 = tpu.memref_squeeze %dma_start3A_96 : memref<1x32xi32, #tpu.memory_space<vmem>> -> memref<32xi32, #tpu.memory_space<vmem>>
          %dma_start3A_98 = arith.constant 0 : i32
          %dma_start3A_99 = arith.constant 0 : i32
          %dma_start3A_100 = tpu.memref_slice %arg2[%dma_start3A_98, %dma_start3A_99] : memref<10000x128xf32, #tpu.memory_space<hbm>> -> memref<10000x128xf32, #tpu.memory_space<hbm>>
          tpu.enqueue_indirect_dma source(%dma_start3A_100 : memref<10000x128xf32, #tpu.memory_space<hbm>>) target(%arg11 : memref<32x128xf32, #tpu.memory_space<vmem>>) offsets(%dma_start3A_97 : memref<32xi32, #tpu.memory_space<vmem>>) semaphore(%arg16 : memref<!tpu.dma_semaphore, #tpu.memory_space<semaphore_mem>>)
        } else {
        }
        "tpu.region"() ({
          %run_scoped3A = tpu.sem_alloc : memref<!tpu.dma_semaphore, #tpu.memory_space<semaphore_mem>>
          %dma_start3A_93 = arith.constant 96 : i32
          %dma_start3A_94 = tpu.memref_slice %arg8[%add3A_39, %dma_start3A_93] : memref<104x128xi32, #tpu.memory_space<vmem>> -> memref<1x32xi32, #tpu.memory_space<vmem>>
          %dma_start3A_95 = tpu.memref_squeeze %dma_start3A_94 : memref<1x32xi32, #tpu.memory_space<vmem>> -> memref<32xi32, #tpu.memory_space<vmem>>
          %dma_start3A_96 = arith.constant 0 : i32
          %dma_start3A_97 = arith.constant 0 : i32
          %dma_start3A_98 = tpu.memref_slice %arg13[%dma_start3A_96, %dma_start3A_97] : memref<10112x128xf32, #tpu.memory_space<vmem_shared>> -> memref<10112x128xf32, #tpu.memory_space<vmem_shared>>
          tpu.enqueue_indirect_dma source(%arg12 : memref<32x128xf32, #tpu.memory_space<vmem>>) target(%dma_start3A_98 : memref<10112x128xf32, #tpu.memory_space<vmem_shared>>) offsets(%dma_start3A_95 : memref<32xi32, #tpu.memory_space<vmem>>) semaphore(%run_scoped3A : memref<!tpu.dma_semaphore, #tpu.memory_space<semaphore_mem>>) {add = true}
          %dma_wait3A_99 = arith.constant 96 : i32
          %dma_wait3A_100 = tpu.memref_slice %arg8[%add3A_39, %dma_wait3A_99] : memref<104x128xi32, #tpu.memory_space<vmem>> -> memref<1x32xi32, #tpu.memory_space<vmem>>
          %dma_wait3A_101 = tpu.memref_squeeze %dma_wait3A_100 : memref<1x32xi32, #tpu.memory_space<vmem>> -> memref<32xi32, #tpu.memory_space<vmem>>
          %dma_wait3A_102 = arith.constant 0 : i32
          %dma_wait3A_103 = arith.constant 0 : i32
          %dma_wait3A_104 = tpu.memref_slice %arg13[%dma_wait3A_102, %dma_wait3A_103] : memref<10112x128xf32, #tpu.memory_space<vmem_shared>> -> memref<10112x128xf32, #tpu.memory_space<vmem_shared>>
          tpu.wait_indirect_dma semaphore(%run_scoped3A : memref<!tpu.dma_semaphore, #tpu.memory_space<semaphore_mem>>) src(%arg12 : memref<32x128xf32, #tpu.memory_space<vmem>>) dst(%dma_wait3A_104 : memref<10112x128xf32, #tpu.memory_space<vmem_shared>>)
          tpu.yield
        }) : () -> ()
      }
      %scan3A_34 = arith.constant 104 : i32
    } else {
    }
    %eq3A_5 = arith.constant 1 : i32
    %eq3A_6 = arith.cmpi eq, %arg0, %eq3A_5 : i32
    %convert_element_type3A_7 = arith.extui %eq3A_6 : i1 to i32
    %cond3A_8 = arith.constant 0 : i32
    %cond3A_9 = arith.cmpi ne, %convert_element_type3A_7, %cond3A_8 : i32
    scf.if %cond3A_9 {
      %dma_start3A = arith.constant 0 : i32
      %dma_start3A_11 = arith.constant 0 : i32
      %dma_start3A_12 = tpu.memref_slice %arg7[%dma_start3A, %dma_start3A_11] : memref<104x128xi32, #tpu.memory_space<vmem>> -> memref<1x32xi32, #tpu.memory_space<vmem>>
      %dma_start3A_13 = tpu.memref_squeeze %dma_start3A_12 : memref<1x32xi32, #tpu.memory_space<vmem>> -> memref<32xi32, #tpu.memory_space<vmem>>
      %dma_start3A_14 = arith.constant 0 : i32
      %dma_start3A_15 = arith.constant 0 : i32
      %dma_start3A_16 = tpu.memref_slice %arg2[%dma_start3A_14, %dma_start3A_15] : memref<10000x128xf32, #tpu.memory_space<hbm>> -> memref<10000x128xf32, #tpu.memory_space<hbm>>
      tpu.enqueue_indirect_dma source(%dma_start3A_16 : memref<10000x128xf32, #tpu.memory_space<hbm>>) target(%arg9 : memref<32x128xf32, #tpu.memory_space<vmem>>) offsets(%dma_start3A_13 : memref<32xi32, #tpu.memory_space<vmem>>) semaphore(%arg14 : memref<!tpu.dma_semaphore, #tpu.memory_space<semaphore_mem>>)
      %dma_start3A_17 = arith.constant 0 : i32
      %dma_start3A_18 = arith.constant 32 : i32
      %dma_start3A_19 = tpu.memref_slice %arg7[%dma_start3A_17, %dma_start3A_18] : memref<104x128xi32, #tpu.memory_space<vmem>> -> memref<1x32xi32, #tpu.memory_space<vmem>>
      %dma_start3A_20 = tpu.memref_squeeze %dma_start3A_19 : memref<1x32xi32, #tpu.memory_space<vmem>> -> memref<32xi32, #tpu.memory_space<vmem>>
      %dma_start3A_21 = arith.constant 0 : i32
      %dma_start3A_22 = arith.constant 0 : i32
      %dma_start3A_23 = tpu.memref_slice %arg2[%dma_start3A_21, %dma_start3A_22] : memref<10000x128xf32, #tpu.memory_space<hbm>> -> memref<10000x128xf32, #tpu.memory_space<hbm>>
      tpu.enqueue_indirect_dma source(%dma_start3A_23 : memref<10000x128xf32, #tpu.memory_space<hbm>>) target(%arg10 : memref<32x128xf32, #tpu.memory_space<vmem>>) offsets(%dma_start3A_20 : memref<32xi32, #tpu.memory_space<vmem>>) semaphore(%arg15 : memref<!tpu.dma_semaphore, #tpu.memory_space<semaphore_mem>>)
      %dma_start3A_24 = arith.constant 0 : i32
      %dma_start3A_25 = arith.constant 64 : i32
      %dma_start3A_26 = tpu.memref_slice %arg7[%dma_start3A_24, %dma_start3A_25] : memref<104x128xi32, #tpu.memory_space<vmem>> -> memref<1x32xi32, #tpu.memory_space<vmem>>
      %dma_start3A_27 = tpu.memref_squeeze %dma_start3A_26 : memref<1x32xi32, #tpu.memory_space<vmem>> -> memref<32xi32, #tpu.memory_space<vmem>>
      %dma_start3A_28 = arith.constant 0 : i32
      %dma_start3A_29 = arith.constant 0 : i32
      %dma_start3A_30 = tpu.memref_slice %arg2[%dma_start3A_28, %dma_start3A_29] : memref<10000x128xf32, #tpu.memory_space<hbm>> -> memref<10000x128xf32, #tpu.memory_space<hbm>>
      tpu.enqueue_indirect_dma source(%dma_start3A_30 : memref<10000x128xf32, #tpu.memory_space<hbm>>) target(%arg11 : memref<32x128xf32, #tpu.memory_space<vmem>>) offsets(%dma_start3A_27 : memref<32xi32, #tpu.memory_space<vmem>>) semaphore(%arg16 : memref<!tpu.dma_semaphore, #tpu.memory_space<semaphore_mem>>)
      %scan3A = arith.constant 0 : i32
      %scan3A_31 = arith.constant 54 : i32
      %scan3A_32 = arith.addi %scan3A, %scan3A_31 : i32
      %scan3A_33 = arith.constant 1 : i32
      scf.for %scan3A_35 = %scan3A to %scan3A_32 step %scan3A_33  : i32 {
        %mul3A_36 = arith.constant 1 : i32
        %mul3A_37 = arith.muli %scan3A_35, %mul3A_36 : i32
        %add3A_38 = arith.constant 0 : i32
        %add3A_39 = arith.addi %add3A_38, %mul3A_37 : i32
        %dma_wait3A = arith.constant 0 : i32
        %dma_wait3A_40 = arith.constant 0 : i32
        %dma_wait3A_41 = tpu.memref_slice %arg7[%dma_wait3A, %dma_wait3A_40] : memref<104x128xi32, #tpu.memory_space<vmem>> -> memref<1x32xi32, #tpu.memory_space<vmem>>
        %dma_wait3A_42 = tpu.memref_squeeze %dma_wait3A_41 : memref<1x32xi32, #tpu.memory_space<vmem>> -> memref<32xi32, #tpu.memory_space<vmem>>
        %dma_wait3A_43 = arith.constant 0 : i32
        %dma_wait3A_44 = arith.constant 0 : i32
        %dma_wait3A_45 = tpu.memref_slice %arg2[%dma_wait3A_43, %dma_wait3A_44] : memref<10000x128xf32, #tpu.memory_space<hbm>> -> memref<10000x128xf32, #tpu.memory_space<hbm>>
        tpu.wait_indirect_dma semaphore(%arg14 : memref<!tpu.dma_semaphore, #tpu.memory_space<semaphore_mem>>) src(%dma_wait3A_45 : memref<10000x128xf32, #tpu.memory_space<hbm>>) dst(%arg9 : memref<32x128xf32, #tpu.memory_space<vmem>>)
        %dma_start3A_46 = arith.constant 96 : i32
        %dma_start3A_47 = tpu.memref_slice %arg7[%add3A_39, %dma_start3A_46] : memref<104x128xi32, #tpu.memory_space<vmem>> -> memref<1x32xi32, #tpu.memory_space<vmem>>
        %dma_start3A_48 = tpu.memref_squeeze %dma_start3A_47 : memref<1x32xi32, #tpu.memory_space<vmem>> -> memref<32xi32, #tpu.memory_space<vmem>>
        %dma_start3A_49 = arith.constant 0 : i32
        %dma_start3A_50 = arith.constant 0 : i32
        %dma_start3A_51 = tpu.memref_slice %arg2[%dma_start3A_49, %dma_start3A_50] : memref<10000x128xf32, #tpu.memory_space<hbm>> -> memref<10000x128xf32, #tpu.memory_space<hbm>>
        tpu.enqueue_indirect_dma source(%dma_start3A_51 : memref<10000x128xf32, #tpu.memory_space<hbm>>) target(%arg12 : memref<32x128xf32, #tpu.memory_space<vmem>>) offsets(%dma_start3A_48 : memref<32xi32, #tpu.memory_space<vmem>>) semaphore(%arg17 : memref<!tpu.dma_semaphore, #tpu.memory_space<semaphore_mem>>)
        "tpu.region"() ({
          %run_scoped3A = tpu.sem_alloc : memref<!tpu.dma_semaphore, #tpu.memory_space<semaphore_mem>>
          %dma_start3A_93 = arith.constant 0 : i32
          %dma_start3A_94 = tpu.memref_slice %arg8[%add3A_39, %dma_start3A_93] : memref<104x128xi32, #tpu.memory_space<vmem>> -> memref<1x32xi32, #tpu.memory_space<vmem>>
          %dma_start3A_95 = tpu.memref_squeeze %dma_start3A_94 : memref<1x32xi32, #tpu.memory_space<vmem>> -> memref<32xi32, #tpu.memory_space<vmem>>
          %dma_start3A_96 = arith.constant 0 : i32
          %dma_start3A_97 = arith.constant 0 : i32
          %dma_start3A_98 = tpu.memref_slice %arg13[%dma_start3A_96, %dma_start3A_97] : memref<10112x128xf32, #tpu.memory_space<vmem_shared>> -> memref<10112x128xf32, #tpu.memory_space<vmem_shared>>
          tpu.enqueue_indirect_dma source(%arg9 : memref<32x128xf32, #tpu.memory_space<vmem>>) target(%dma_start3A_98 : memref<10112x128xf32, #tpu.memory_space<vmem_shared>>) offsets(%dma_start3A_95 : memref<32xi32, #tpu.memory_space<vmem>>) semaphore(%run_scoped3A : memref<!tpu.dma_semaphore, #tpu.memory_space<semaphore_mem>>) {add = true}
          %dma_wait3A_99 = arith.constant 0 : i32
          %dma_wait3A_100 = tpu.memref_slice %arg8[%add3A_39, %dma_wait3A_99] : memref<104x128xi32, #tpu.memory_space<vmem>> -> memref<1x32xi32, #tpu.memory_space<vmem>>
          %dma_wait3A_101 = tpu.memref_squeeze %dma_wait3A_100 : memref<1x32xi32, #tpu.memory_space<vmem>> -> memref<32xi32, #tpu.memory_space<vmem>>
          %dma_wait3A_102 = arith.constant 0 : i32
          %dma_wait3A_103 = arith.constant 0 : i32
          %dma_wait3A_104 = tpu.memref_slice %arg13[%dma_wait3A_102, %dma_wait3A_103] : memref<10112x128xf32, #tpu.memory_space<vmem_shared>> -> memref<10112x128xf32, #tpu.memory_space<vmem_shared>>
          tpu.wait_indirect_dma semaphore(%run_scoped3A : memref<!tpu.dma_semaphore, #tpu.memory_space<semaphore_mem>>) src(%arg9 : memref<32x128xf32, #tpu.memory_space<vmem>>) dst(%dma_wait3A_104 : memref<10112x128xf32, #tpu.memory_space<vmem_shared>>)
          tpu.yield
        }) : () -> ()
        %dma_wait3A_52 = arith.constant 0 : i32
        %dma_wait3A_53 = arith.constant 0 : i32
        %dma_wait3A_54 = tpu.memref_slice %arg7[%dma_wait3A_52, %dma_wait3A_53] : memref<104x128xi32, #tpu.memory_space<vmem>> -> memref<1x32xi32, #tpu.memory_space<vmem>>
        %dma_wait3A_55 = tpu.memref_squeeze %dma_wait3A_54 : memref<1x32xi32, #tpu.memory_space<vmem>> -> memref<32xi32, #tpu.memory_space<vmem>>
        %dma_wait3A_56 = arith.constant 0 : i32
        %dma_wait3A_57 = arith.constant 0 : i32
        %dma_wait3A_58 = tpu.memref_slice %arg2[%dma_wait3A_56, %dma_wait3A_57] : memref<10000x128xf32, #tpu.memory_space<hbm>> -> memref<10000x128xf32, #tpu.memory_space<hbm>>
        tpu.wait_indirect_dma semaphore(%arg15 : memref<!tpu.dma_semaphore, #tpu.memory_space<semaphore_mem>>) src(%dma_wait3A_58 : memref<10000x128xf32, #tpu.memory_space<hbm>>) dst(%arg10 : memref<32x128xf32, #tpu.memory_space<vmem>>)
        %add3A_59 = arith.constant 1 : i32
        %add3A_60 = arith.addi %add3A_39, %add3A_59 : i32
        %lt3A = arith.constant 54 : i32
        %lt3A_61 = arith.cmpi slt, %add3A_60, %lt3A : i32
        %convert_element_type3A_62 = arith.extui %lt3A_61 : i1 to i32
        %cond3A_63 = arith.constant 0 : i32
        %cond3A_64 = arith.cmpi ne, %convert_element_type3A_62, %cond3A_63 : i32
        scf.if %cond3A_64 {
          %add3A_93 = arith.constant 1 : i32
          %add3A_94 = arith.addi %add3A_39, %add3A_93 : i32
          %dma_start3A_95 = arith.constant 0 : i32
          %dma_start3A_96 = tpu.memref_slice %arg7[%add3A_94, %dma_start3A_95] : memref<104x128xi32, #tpu.memory_space<vmem>> -> memref<1x32xi32, #tpu.memory_space<vmem>>
          %dma_start3A_97 = tpu.memref_squeeze %dma_start3A_96 : memref<1x32xi32, #tpu.memory_space<vmem>> -> memref<32xi32, #tpu.memory_space<vmem>>
          %dma_start3A_98 = arith.constant 0 : i32
          %dma_start3A_99 = arith.constant 0 : i32
          %dma_start3A_100 = tpu.memref_slice %arg2[%dma_start3A_98, %dma_start3A_99] : memref<10000x128xf32, #tpu.memory_space<hbm>> -> memref<10000x128xf32, #tpu.memory_space<hbm>>
          tpu.enqueue_indirect_dma source(%dma_start3A_100 : memref<10000x128xf32, #tpu.memory_space<hbm>>) target(%arg9 : memref<32x128xf32, #tpu.memory_space<vmem>>) offsets(%dma_start3A_97 : memref<32xi32, #tpu.memory_space<vmem>>) semaphore(%arg14 : memref<!tpu.dma_semaphore, #tpu.memory_space<semaphore_mem>>)
        } else {
        }
        "tpu.region"() ({
          %run_scoped3A = tpu.sem_alloc : memref<!tpu.dma_semaphore, #tpu.memory_space<semaphore_mem>>
          %dma_start3A_93 = arith.constant 32 : i32
          %dma_start3A_94 = tpu.memref_slice %arg8[%add3A_39, %dma_start3A_93] : memref<104x128xi32, #tpu.memory_space<vmem>> -> memref<1x32xi32, #tpu.memory_space<vmem>>
          %dma_start3A_95 = tpu.memref_squeeze %dma_start3A_94 : memref<1x32xi32, #tpu.memory_space<vmem>> -> memref<32xi32, #tpu.memory_space<vmem>>
          %dma_start3A_96 = arith.constant 0 : i32
          %dma_start3A_97 = arith.constant 0 : i32
          %dma_start3A_98 = tpu.memref_slice %arg13[%dma_start3A_96, %dma_start3A_97] : memref<10112x128xf32, #tpu.memory_space<vmem_shared>> -> memref<10112x128xf32, #tpu.memory_space<vmem_shared>>
          tpu.enqueue_indirect_dma source(%arg10 : memref<32x128xf32, #tpu.memory_space<vmem>>) target(%dma_start3A_98 : memref<10112x128xf32, #tpu.memory_space<vmem_shared>>) offsets(%dma_start3A_95 : memref<32xi32, #tpu.memory_space<vmem>>) semaphore(%run_scoped3A : memref<!tpu.dma_semaphore, #tpu.memory_space<semaphore_mem>>) {add = true}
          %dma_wait3A_99 = arith.constant 32 : i32
          %dma_wait3A_100 = tpu.memref_slice %arg8[%add3A_39, %dma_wait3A_99] : memref<104x128xi32, #tpu.memory_space<vmem>> -> memref<1x32xi32, #tpu.memory_space<vmem>>
          %dma_wait3A_101 = tpu.memref_squeeze %dma_wait3A_100 : memref<1x32xi32, #tpu.memory_space<vmem>> -> memref<32xi32, #tpu.memory_space<vmem>>
          %dma_wait3A_102 = arith.constant 0 : i32
          %dma_wait3A_103 = arith.constant 0 : i32
          %dma_wait3A_104 = tpu.memref_slice %arg13[%dma_wait3A_102, %dma_wait3A_103] : memref<10112x128xf32, #tpu.memory_space<vmem_shared>> -> memref<10112x128xf32, #tpu.memory_space<vmem_shared>>
          tpu.wait_indirect_dma semaphore(%run_scoped3A : memref<!tpu.dma_semaphore, #tpu.memory_space<semaphore_mem>>) src(%arg10 : memref<32x128xf32, #tpu.memory_space<vmem>>) dst(%dma_wait3A_104 : memref<10112x128xf32, #tpu.memory_space<vmem_shared>>)
          tpu.yield
        }) : () -> ()
        %dma_wait3A_65 = arith.constant 0 : i32
        %dma_wait3A_66 = arith.constant 0 : i32
        %dma_wait3A_67 = tpu.memref_slice %arg7[%dma_wait3A_65, %dma_wait3A_66] : memref<104x128xi32, #tpu.memory_space<vmem>> -> memref<1x32xi32, #tpu.memory_space<vmem>>
        %dma_wait3A_68 = tpu.memref_squeeze %dma_wait3A_67 : memref<1x32xi32, #tpu.memory_space<vmem>> -> memref<32xi32, #tpu.memory_space<vmem>>
        %dma_wait3A_69 = arith.constant 0 : i32
        %dma_wait3A_70 = arith.constant 0 : i32
        %dma_wait3A_71 = tpu.memref_slice %arg2[%dma_wait3A_69, %dma_wait3A_70] : memref<10000x128xf32, #tpu.memory_space<hbm>> -> memref<10000x128xf32, #tpu.memory_space<hbm>>
        tpu.wait_indirect_dma semaphore(%arg16 : memref<!tpu.dma_semaphore, #tpu.memory_space<semaphore_mem>>) src(%dma_wait3A_71 : memref<10000x128xf32, #tpu.memory_space<hbm>>) dst(%arg11 : memref<32x128xf32, #tpu.memory_space<vmem>>)
        %add3A_72 = arith.constant 1 : i32
        %add3A_73 = arith.addi %add3A_39, %add3A_72 : i32
        %lt3A_74 = arith.constant 54 : i32
        %lt3A_75 = arith.cmpi slt, %add3A_73, %lt3A_74 : i32
        %convert_element_type3A_76 = arith.extui %lt3A_75 : i1 to i32
        %cond3A_77 = arith.constant 0 : i32
        %cond3A_78 = arith.cmpi ne, %convert_element_type3A_76, %cond3A_77 : i32
        scf.if %cond3A_78 {
          %add3A_93 = arith.constant 1 : i32
          %add3A_94 = arith.addi %add3A_39, %add3A_93 : i32
          %dma_start3A_95 = arith.constant 32 : i32
          %dma_start3A_96 = tpu.memref_slice %arg7[%add3A_94, %dma_start3A_95] : memref<104x128xi32, #tpu.memory_space<vmem>> -> memref<1x32xi32, #tpu.memory_space<vmem>>
          %dma_start3A_97 = tpu.memref_squeeze %dma_start3A_96 : memref<1x32xi32, #tpu.memory_space<vmem>> -> memref<32xi32, #tpu.memory_space<vmem>>
          %dma_start3A_98 = arith.constant 0 : i32
          %dma_start3A_99 = arith.constant 0 : i32
          %dma_start3A_100 = tpu.memref_slice %arg2[%dma_start3A_98, %dma_start3A_99] : memref<10000x128xf32, #tpu.memory_space<hbm>> -> memref<10000x128xf32, #tpu.memory_space<hbm>>
          tpu.enqueue_indirect_dma source(%dma_start3A_100 : memref<10000x128xf32, #tpu.memory_space<hbm>>) target(%arg10 : memref<32x128xf32, #tpu.memory_space<vmem>>) offsets(%dma_start3A_97 : memref<32xi32, #tpu.memory_space<vmem>>) semaphore(%arg15 : memref<!tpu.dma_semaphore, #tpu.memory_space<semaphore_mem>>)
        } else {
        }
        "tpu.region"() ({
          %run_scoped3A = tpu.sem_alloc : memref<!tpu.dma_semaphore, #tpu.memory_space<semaphore_mem>>
          %dma_start3A_93 = arith.constant 64 : i32
          %dma_start3A_94 = tpu.memref_slice %arg8[%add3A_39, %dma_start3A_93] : memref<104x128xi32, #tpu.memory_space<vmem>> -> memref<1x32xi32, #tpu.memory_space<vmem>>
          %dma_start3A_95 = tpu.memref_squeeze %dma_start3A_94 : memref<1x32xi32, #tpu.memory_space<vmem>> -> memref<32xi32, #tpu.memory_space<vmem>>
          %dma_start3A_96 = arith.constant 0 : i32
          %dma_start3A_97 = arith.constant 0 : i32
          %dma_start3A_98 = tpu.memref_slice %arg13[%dma_start3A_96, %dma_start3A_97] : memref<10112x128xf32, #tpu.memory_space<vmem_shared>> -> memref<10112x128xf32, #tpu.memory_space<vmem_shared>>
          tpu.enqueue_indirect_dma source(%arg11 : memref<32x128xf32, #tpu.memory_space<vmem>>) target(%dma_start3A_98 : memref<10112x128xf32, #tpu.memory_space<vmem_shared>>) offsets(%dma_start3A_95 : memref<32xi32, #tpu.memory_space<vmem>>) semaphore(%run_scoped3A : memref<!tpu.dma_semaphore, #tpu.memory_space<semaphore_mem>>) {add = true}
          %dma_wait3A_99 = arith.constant 64 : i32
          %dma_wait3A_100 = tpu.memref_slice %arg8[%add3A_39, %dma_wait3A_99] : memref<104x128xi32, #tpu.memory_space<vmem>> -> memref<1x32xi32, #tpu.memory_space<vmem>>
          %dma_wait3A_101 = tpu.memref_squeeze %dma_wait3A_100 : memref<1x32xi32, #tpu.memory_space<vmem>> -> memref<32xi32, #tpu.memory_space<vmem>>
          %dma_wait3A_102 = arith.constant 0 : i32
          %dma_wait3A_103 = arith.constant 0 : i32
          %dma_wait3A_104 = tpu.memref_slice %arg13[%dma_wait3A_102, %dma_wait3A_103] : memref<10112x128xf32, #tpu.memory_space<vmem_shared>> -> memref<10112x128xf32, #tpu.memory_space<vmem_shared>>
          tpu.wait_indirect_dma semaphore(%run_scoped3A : memref<!tpu.dma_semaphore, #tpu.memory_space<semaphore_mem>>) src(%arg11 : memref<32x128xf32, #tpu.memory_space<vmem>>) dst(%dma_wait3A_104 : memref<10112x128xf32, #tpu.memory_space<vmem_shared>>)
          tpu.yield
        }) : () -> ()
        %dma_wait3A_79 = arith.constant 0 : i32
        %dma_wait3A_80 = arith.constant 0 : i32
        %dma_wait3A_81 = tpu.memref_slice %arg7[%dma_wait3A_79, %dma_wait3A_80] : memref<104x128xi32, #tpu.memory_space<vmem>> -> memref<1x32xi32, #tpu.memory_space<vmem>>
        %dma_wait3A_82 = tpu.memref_squeeze %dma_wait3A_81 : memref<1x32xi32, #tpu.memory_space<vmem>> -> memref<32xi32, #tpu.memory_space<vmem>>
        %dma_wait3A_83 = arith.constant 0 : i32
        %dma_wait3A_84 = arith.constant 0 : i32
        %dma_wait3A_85 = tpu.memref_slice %arg2[%dma_wait3A_83, %dma_wait3A_84] : memref<10000x128xf32, #tpu.memory_space<hbm>> -> memref<10000x128xf32, #tpu.memory_space<hbm>>
        tpu.wait_indirect_dma semaphore(%arg17 : memref<!tpu.dma_semaphore, #tpu.memory_space<semaphore_mem>>) src(%dma_wait3A_85 : memref<10000x128xf32, #tpu.memory_space<hbm>>) dst(%arg12 : memref<32x128xf32, #tpu.memory_space<vmem>>)
        %add3A_86 = arith.constant 1 : i32
        %add3A_87 = arith.addi %add3A_39, %add3A_86 : i32
        %lt3A_88 = arith.constant 54 : i32
        %lt3A_89 = arith.cmpi slt, %add3A_87, %lt3A_88 : i32
        %convert_element_type3A_90 = arith.extui %lt3A_89 : i1 to i32
        %cond3A_91 = arith.constant 0 : i32
        %cond3A_92 = arith.cmpi ne, %convert_element_type3A_90, %cond3A_91 : i32
        scf.if %cond3A_92 {
          %add3A_93 = arith.constant 1 : i32
          %add3A_94 = arith.addi %add3A_39, %add3A_93 : i32
          %dma_start3A_95 = arith.constant 64 : i32
          %dma_start3A_96 = tpu.memref_slice %arg7[%add3A_94, %dma_start3A_95] : memref<104x128xi32, #tpu.memory_space<vmem>> -> memref<1x32xi32, #tpu.memory_space<vmem>>
          %dma_start3A_97 = tpu.memref_squeeze %dma_start3A_96 : memref<1x32xi32, #tpu.memory_space<vmem>> -> memref<32xi32, #tpu.memory_space<vmem>>
          %dma_start3A_98 = arith.constant 0 : i32
          %dma_start3A_99 = arith.constant 0 : i32
          %dma_start3A_100 = tpu.memref_slice %arg2[%dma_start3A_98, %dma_start3A_99] : memref<10000x128xf32, #tpu.memory_space<hbm>> -> memref<10000x128xf32, #tpu.memory_space<hbm>>
          tpu.enqueue_indirect_dma source(%dma_start3A_100 : memref<10000x128xf32, #tpu.memory_space<hbm>>) target(%arg11 : memref<32x128xf32, #tpu.memory_space<vmem>>) offsets(%dma_start3A_97 : memref<32xi32, #tpu.memory_space<vmem>>) semaphore(%arg16 : memref<!tpu.dma_semaphore, #tpu.memory_space<semaphore_mem>>)
        } else {
        }
        "tpu.region"() ({
          %run_scoped3A = tpu.sem_alloc : memref<!tpu.dma_semaphore, #tpu.memory_space<semaphore_mem>>
          %dma_start3A_93 = arith.constant 96 : i32
          %dma_start3A_94 = tpu.memref_slice %arg8[%add3A_39, %dma_start3A_93] : memref<104x128xi32, #tpu.memory_space<vmem>> -> memref<1x32xi32, #tpu.memory_space<vmem>>
          %dma_start3A_95 = tpu.memref_squeeze %dma_start3A_94 : memref<1x32xi32, #tpu.memory_space<vmem>> -> memref<32xi32, #tpu.memory_space<vmem>>
          %dma_start3A_96 = arith.constant 0 : i32
          %dma_start3A_97 = arith.constant 0 : i32
          %dma_start3A_98 = tpu.memref_slice %arg13[%dma_start3A_96, %dma_start3A_97] : memref<10112x128xf32, #tpu.memory_space<vmem_shared>> -> memref<10112x128xf32, #tpu.memory_space<vmem_shared>>
          tpu.enqueue_indirect_dma source(%arg12 : memref<32x128xf32, #tpu.memory_space<vmem>>) target(%dma_start3A_98 : memref<10112x128xf32, #tpu.memory_space<vmem_shared>>) offsets(%dma_start3A_95 : memref<32xi32, #tpu.memory_space<vmem>>) semaphore(%run_scoped3A : memref<!tpu.dma_semaphore, #tpu.memory_space<semaphore_mem>>) {add = true}
          %dma_wait3A_99 = arith.constant 96 : i32
          %dma_wait3A_100 = tpu.memref_slice %arg8[%add3A_39, %dma_wait3A_99] : memref<104x128xi32, #tpu.memory_space<vmem>> -> memref<1x32xi32, #tpu.memory_space<vmem>>
          %dma_wait3A_101 = tpu.memref_squeeze %dma_wait3A_100 : memref<1x32xi32, #tpu.memory_space<vmem>> -> memref<32xi32, #tpu.memory_space<vmem>>
          %dma_wait3A_102 = arith.constant 0 : i32
          %dma_wait3A_103 = arith.constant 0 : i32
          %dma_wait3A_104 = tpu.memref_slice %arg13[%dma_wait3A_102, %dma_wait3A_103] : memref<10112x128xf32, #tpu.memory_space<vmem_shared>> -> memref<10112x128xf32, #tpu.memory_space<vmem_shared>>
          tpu.wait_indirect_dma semaphore(%run_scoped3A : memref<!tpu.dma_semaphore, #tpu.memory_space<semaphore_mem>>) src(%arg12 : memref<32x128xf32, #tpu.memory_space<vmem>>) dst(%dma_wait3A_104 : memref<10112x128xf32, #tpu.memory_space<vmem_shared>>)
          tpu.yield
        }) : () -> ()
      }
      %scan3A_34 = arith.constant 54 : i32
    } else {
    }
    %barrier3A_10 = arith.constant 0 : index
    tpu.barrier barrier_id(%barrier3A_10)
    "tpu.region"() ({
      %run_scoped3A = tpu.sem_alloc : memref<!tpu.dma_semaphore, #tpu.memory_space<semaphore_mem>>
      %dma_start3A = arith.constant 0 : i32
      %dma_start3A_11 = arith.constant 0 : i32
      %dma_start3A_12 = tpu.memref_slice %arg6[%arg0, %dma_start3A, %dma_start3A_11] : memref<2x10112x128xf32, #tpu.memory_space<hbm>> -> memref<1x10112x128xf32, #tpu.memory_space<hbm>>
      %dma_start3A_13 = tpu.memref_squeeze %dma_start3A_12 : memref<1x10112x128xf32, #tpu.memory_space<hbm>> -> memref<10112x128xf32, #tpu.memory_space<hbm>>
      %dma_start3A_14 = arith.constant 0 : i32
      %dma_start3A_15 = tpu.memref_slice %dma_start3A_13[%mul3A_2, %dma_start3A_14] : memref<10112x128xf32, #tpu.memory_space<hbm>> -> memref<632x128xf32, #tpu.memory_space<hbm>>
      %dma_start3A_16 = arith.constant 0 : i32
      %dma_start3A_17 = tpu.memref_slice %arg13[%mul3A_2, %dma_start3A_16] : memref<10112x128xf32, #tpu.memory_space<vmem_shared>> -> memref<632x128xf32, #tpu.memory_space<vmem_shared>>
      tpu.enqueue_dma source(%dma_start3A_17 : memref<632x128xf32, #tpu.memory_space<vmem_shared>>) target(%dma_start3A_15 : memref<632x128xf32, #tpu.memory_space<hbm>>) target_semaphore(%run_scoped3A : memref<!tpu.dma_semaphore, #tpu.memory_space<semaphore_mem>>)
      %dma_wait3A = arith.constant 0 : i32
      %dma_wait3A_18 = arith.constant 0 : i32
      %dma_wait3A_19 = tpu.memref_slice %arg6[%arg0, %dma_wait3A, %dma_wait3A_18] : memref<2x10112x128xf32, #tpu.memory_space<hbm>> -> memref<1x10112x128xf32, #tpu.memory_space<hbm>>
      %dma_wait3A_20 = tpu.memref_squeeze %dma_wait3A_19 : memref<1x10112x128xf32, #tpu.memory_space<hbm>> -> memref<10112x128xf32, #tpu.memory_space<hbm>>
      %dma_wait3A_21 = arith.constant 0 : i32
      %dma_wait3A_22 = tpu.memref_slice %dma_wait3A_20[%mul3A_2, %dma_wait3A_21] : memref<10112x128xf32, #tpu.memory_space<hbm>> -> memref<632x128xf32, #tpu.memory_space<hbm>>
      %dma_wait3A_23 = arith.constant 0 : i32
      %dma_wait3A_24 = tpu.memref_slice %arg13[%mul3A_2, %dma_wait3A_23] : memref<10112x128xf32, #tpu.memory_space<vmem_shared>> -> memref<632x128xf32, #tpu.memory_space<vmem_shared>>
      tpu.wait_dma2 semaphore(%run_scoped3A : memref<!tpu.dma_semaphore, #tpu.memory_space<semaphore_mem>>) src(%dma_wait3A_24 : memref<632x128xf32, #tpu.memory_space<vmem_shared>>) dst(%dma_wait3A_22 : memref<632x128xf32, #tpu.memory_space<hbm>>)
      tpu.yield
    }) : () -> ()
    return
  }
}

#map = affine_map<(d0, d1) -> (0, 0)>
#map1 = affine_map<(d0, d1) -> (0, 0, 0)>
module attributes {stable_mosaic.version = 14 : i64} {
  func.func @agg_kernel(%arg0: i32, %arg1: i32, %arg2: memref<10000x128xf32, #tpu.memory_space<hbm>>, %arg3: memref<32x104x128xi32, #tpu.memory_space<hbm>>, %arg4: memref<32x104x128xi32, #tpu.memory_space<hbm>>, %arg5: memref<10112x128xf32, #tpu.memory_space<hbm>>, %arg6: memref<2x10112x128xf32, #tpu.memory_space<hbm>>, %arg7: memref<104x128xi32, #tpu.memory_space<vmem>>, %arg8: memref<104x128xi32, #tpu.memory_space<vmem>>, %arg9: memref<32x128xf32, #tpu.memory_space<vmem>>, %arg10: memref<32x128xf32, #tpu.memory_space<vmem>>, %arg11: memref<32x128xf32, #tpu.memory_space<vmem>>, %arg12: memref<32x128xf32, #tpu.memory_space<vmem>>, %arg13: memref<10112x128xf32, #tpu.memory_space<vmem_shared>>, %arg14: memref<!tpu.dma_semaphore, #tpu.memory_space<semaphore_mem>>, %arg15: memref<!tpu.dma_semaphore, #tpu.memory_space<semaphore_mem>>, %arg16: memref<!tpu.dma_semaphore, #tpu.memory_space<semaphore_mem>>, %arg17: memref<!tpu.dma_semaphore, #tpu.memory_space<semaphore_mem>>) attributes {dimension_semantics = [#tpu.dimension_semantics<core_parallel>, #tpu.dimension_semantics<subcore_parallel>], iteration_bounds = array<i64: 2, 16>, scalar_prefetch = 0 : i64, scratch_operands = 11 : i64, tpu.core_type = #tpu.core_type<sc_vector_subcore>, window_params = [{transform_indices = #map}, {transform_indices = #map1}, {transform_indices = #map1}, {transform_indices = #map}, {transform_indices = #map1}]} {
    %mul3A = arith.constant 16 : i32
    %mul3A_0 = arith.muli %arg0, %mul3A : i32
    %add3A = arith.addi %mul3A_0, %arg1 : i32
    "tpu.region"() ({
      %run_scoped3A = tpu.sem_alloc : memref<!tpu.dma_semaphore, #tpu.memory_space<semaphore_mem>>
      %dma_start3A = arith.constant 0 : i32
      %dma_start3A_11 = arith.constant 0 : i32
      %dma_start3A_12 = tpu.memref_slice %arg3[%add3A, %dma_start3A, %dma_start3A_11] : memref<32x104x128xi32, #tpu.memory_space<hbm>> -> memref<1x104x128xi32, #tpu.memory_space<hbm>>
      %dma_start3A_13 = tpu.memref_squeeze %dma_start3A_12 : memref<1x104x128xi32, #tpu.memory_space<hbm>> -> memref<104x128xi32, #tpu.memory_space<hbm>>
      %dma_start3A_14 = arith.constant 0 : i32
      %dma_start3A_15 = arith.constant 0 : i32
      %dma_start3A_16 = tpu.memref_slice %arg3[%add3A, %dma_start3A_14, %dma_start3A_15] : memref<32x104x128xi32, #tpu.memory_space<hbm>> -> memref<1x104x128xi32, #tpu.memory_space<hbm>>
      %dma_start3A_17 = tpu.memref_squeeze %dma_start3A_16 : memref<1x104x128xi32, #tpu.memory_space<hbm>> -> memref<104x128xi32, #tpu.memory_space<hbm>>
      tpu.enqueue_dma source(%dma_start3A_17 : memref<104x128xi32, #tpu.memory_space<hbm>>) target(%arg7 : memref<104x128xi32, #tpu.memory_space<vmem>>) target_semaphore(%run_scoped3A : memref<!tpu.dma_semaphore, #tpu.memory_space<semaphore_mem>>)
      %dma_wait3A = arith.constant 0 : i32
      %dma_wait3A_18 = arith.constant 0 : i32
      %dma_wait3A_19 = tpu.memref_slice %arg3[%add3A, %dma_wait3A, %dma_wait3A_18] : memref<32x104x128xi32, #tpu.memory_space<hbm>> -> memref<1x104x128xi32, #tpu.memory_space<hbm>>
      %dma_wait3A_20 = tpu.memref_squeeze %dma_wait3A_19 : memref<1x104x128xi32, #tpu.memory_space<hbm>> -> memref<104x128xi32, #tpu.memory_space<hbm>>
      %dma_wait3A_21 = arith.constant 0 : i32
      %dma_wait3A_22 = arith.constant 0 : i32
      %dma_wait3A_23 = tpu.memref_slice %arg3[%add3A, %dma_wait3A_21, %dma_wait3A_22] : memref<32x104x128xi32, #tpu.memory_space<hbm>> -> memref<1x104x128xi32, #tpu.memory_space<hbm>>
      %dma_wait3A_24 = tpu.memref_squeeze %dma_wait3A_23 : memref<1x104x128xi32, #tpu.memory_space<hbm>> -> memref<104x128xi32, #tpu.memory_space<hbm>>
      tpu.wait_dma2 semaphore(%run_scoped3A : memref<!tpu.dma_semaphore, #tpu.memory_space<semaphore_mem>>) src(%dma_wait3A_24 : memref<104x128xi32, #tpu.memory_space<hbm>>) dst(%arg7 : memref<104x128xi32, #tpu.memory_space<vmem>>)
      tpu.yield
    }) : () -> ()
    "tpu.region"() ({
      %run_scoped3A = tpu.sem_alloc : memref<!tpu.dma_semaphore, #tpu.memory_space<semaphore_mem>>
      %dma_start3A = arith.constant 0 : i32
      %dma_start3A_11 = arith.constant 0 : i32
      %dma_start3A_12 = tpu.memref_slice %arg4[%add3A, %dma_start3A, %dma_start3A_11] : memref<32x104x128xi32, #tpu.memory_space<hbm>> -> memref<1x104x128xi32, #tpu.memory_space<hbm>>
      %dma_start3A_13 = tpu.memref_squeeze %dma_start3A_12 : memref<1x104x128xi32, #tpu.memory_space<hbm>> -> memref<104x128xi32, #tpu.memory_space<hbm>>
      %dma_start3A_14 = arith.constant 0 : i32
      %dma_start3A_15 = arith.constant 0 : i32
      %dma_start3A_16 = tpu.memref_slice %arg4[%add3A, %dma_start3A_14, %dma_start3A_15] : memref<32x104x128xi32, #tpu.memory_space<hbm>> -> memref<1x104x128xi32, #tpu.memory_space<hbm>>
      %dma_start3A_17 = tpu.memref_squeeze %dma_start3A_16 : memref<1x104x128xi32, #tpu.memory_space<hbm>> -> memref<104x128xi32, #tpu.memory_space<hbm>>
      tpu.enqueue_dma source(%dma_start3A_17 : memref<104x128xi32, #tpu.memory_space<hbm>>) target(%arg8 : memref<104x128xi32, #tpu.memory_space<vmem>>) target_semaphore(%run_scoped3A : memref<!tpu.dma_semaphore, #tpu.memory_space<semaphore_mem>>)
      %dma_wait3A = arith.constant 0 : i32
      %dma_wait3A_18 = arith.constant 0 : i32
      %dma_wait3A_19 = tpu.memref_slice %arg4[%add3A, %dma_wait3A, %dma_wait3A_18] : memref<32x104x128xi32, #tpu.memory_space<hbm>> -> memref<1x104x128xi32, #tpu.memory_space<hbm>>
      %dma_wait3A_20 = tpu.memref_squeeze %dma_wait3A_19 : memref<1x104x128xi32, #tpu.memory_space<hbm>> -> memref<104x128xi32, #tpu.memory_space<hbm>>
      %dma_wait3A_21 = arith.constant 0 : i32
      %dma_wait3A_22 = arith.constant 0 : i32
      %dma_wait3A_23 = tpu.memref_slice %arg4[%add3A, %dma_wait3A_21, %dma_wait3A_22] : memref<32x104x128xi32, #tpu.memory_space<hbm>> -> memref<1x104x128xi32, #tpu.memory_space<hbm>>
      %dma_wait3A_24 = tpu.memref_squeeze %dma_wait3A_23 : memref<1x104x128xi32, #tpu.memory_space<hbm>> -> memref<104x128xi32, #tpu.memory_space<hbm>>
      tpu.wait_dma2 semaphore(%run_scoped3A : memref<!tpu.dma_semaphore, #tpu.memory_space<semaphore_mem>>) src(%dma_wait3A_24 : memref<104x128xi32, #tpu.memory_space<hbm>>) dst(%arg8 : memref<104x128xi32, #tpu.memory_space<vmem>>)
      tpu.yield
    }) : () -> ()
    %mul3A_1 = arith.constant 632 : i32
    %mul3A_2 = arith.muli %arg1, %mul3A_1 : i32
    "tpu.region"() ({
      %run_scoped3A = tpu.sem_alloc : memref<!tpu.dma_semaphore, #tpu.memory_space<semaphore_mem>>
      %dma_start3A = arith.constant 0 : i32
      %dma_start3A_11 = tpu.memref_slice %arg13[%mul3A_2, %dma_start3A] : memref<10112x128xf32, #tpu.memory_space<vmem_shared>> -> memref<632x128xf32, #tpu.memory_space<vmem_shared>>
      %dma_start3A_12 = arith.constant 0 : i32
      %dma_start3A_13 = tpu.memref_slice %arg5[%mul3A_2, %dma_start3A_12] : memref<10112x128xf32, #tpu.memory_space<hbm>> -> memref<632x128xf32, #tpu.memory_space<hbm>>
      tpu.enqueue_dma source(%dma_start3A_13 : memref<632x128xf32, #tpu.memory_space<hbm>>) target(%dma_start3A_11 : memref<632x128xf32, #tpu.memory_space<vmem_shared>>) target_semaphore(%run_scoped3A : memref<!tpu.dma_semaphore, #tpu.memory_space<semaphore_mem>>)
      %dma_wait3A = arith.constant 0 : i32
      %dma_wait3A_14 = tpu.memref_slice %arg13[%mul3A_2, %dma_wait3A] : memref<10112x128xf32, #tpu.memory_space<vmem_shared>> -> memref<632x128xf32, #tpu.memory_space<vmem_shared>>
      %dma_wait3A_15 = arith.constant 0 : i32
      %dma_wait3A_16 = tpu.memref_slice %arg5[%mul3A_2, %dma_wait3A_15] : memref<10112x128xf32, #tpu.memory_space<hbm>> -> memref<632x128xf32, #tpu.memory_space<hbm>>
      tpu.wait_dma2 semaphore(%run_scoped3A : memref<!tpu.dma_semaphore, #tpu.memory_space<semaphore_mem>>) src(%dma_wait3A_16 : memref<632x128xf32, #tpu.memory_space<hbm>>) dst(%dma_wait3A_14 : memref<632x128xf32, #tpu.memory_space<vmem_shared>>)
      tpu.yield
    }) : () -> ()
    %barrier3A = arith.constant 0 : index
    tpu.barrier barrier_id(%barrier3A)
    %eq3A = arith.constant 0 : i32
    %eq3A_3 = arith.cmpi eq, %arg0, %eq3A : i32
    %convert_element_type3A = arith.extui %eq3A_3 : i1 to i32
    %cond3A = arith.constant 0 : i32
    %cond3A_4 = arith.cmpi ne, %convert_element_type3A, %cond3A : i32
    scf.if %cond3A_4 {
      %dma_start3A = arith.constant 0 : i32
      %dma_start3A_11 = arith.constant 0 : i32
      %dma_start3A_12 = tpu.memref_slice %arg7[%dma_start3A, %dma_start3A_11] : memref<104x128xi32, #tpu.memory_space<vmem>> -> memref<1x32xi32, #tpu.memory_space<vmem>>
      %dma_start3A_13 = tpu.memref_squeeze %dma_start3A_12 : memref<1x32xi32, #tpu.memory_space<vmem>> -> memref<32xi32, #tpu.memory_space<vmem>>
      %dma_start3A_14 = arith.constant 0 : i32
      %dma_start3A_15 = arith.constant 0 : i32
      %dma_start3A_16 = tpu.memref_slice %arg2[%dma_start3A_14, %dma_start3A_15] : memref<10000x128xf32, #tpu.memory_space<hbm>> -> memref<10000x128xf32, #tpu.memory_space<hbm>>
      tpu.enqueue_indirect_dma source(%dma_start3A_16 : memref<10000x128xf32, #tpu.memory_space<hbm>>) target(%arg9 : memref<32x128xf32, #tpu.memory_space<vmem>>) offsets(%dma_start3A_13 : memref<32xi32, #tpu.memory_space<vmem>>) semaphore(%arg14 : memref<!tpu.dma_semaphore, #tpu.memory_space<semaphore_mem>>)
      %dma_start3A_17 = arith.constant 0 : i32
      %dma_start3A_18 = arith.constant 32 : i32
      %dma_start3A_19 = tpu.memref_slice %arg7[%dma_start3A_17, %dma_start3A_18] : memref<104x128xi32, #tpu.memory_space<vmem>> -> memref<1x32xi32, #tpu.memory_space<vmem>>
      %dma_start3A_20 = tpu.memref_squeeze %dma_start3A_19 : memref<1x32xi32, #tpu.memory_space<vmem>> -> memref<32xi32, #tpu.memory_space<vmem>>
      %dma_start3A_21 = arith.constant 0 : i32
      %dma_start3A_22 = arith.constant 0 : i32
      %dma_start3A_23 = tpu.memref_slice %arg2[%dma_start3A_21, %dma_start3A_22] : memref<10000x128xf32, #tpu.memory_space<hbm>> -> memref<10000x128xf32, #tpu.memory_space<hbm>>
      tpu.enqueue_indirect_dma source(%dma_start3A_23 : memref<10000x128xf32, #tpu.memory_space<hbm>>) target(%arg10 : memref<32x128xf32, #tpu.memory_space<vmem>>) offsets(%dma_start3A_20 : memref<32xi32, #tpu.memory_space<vmem>>) semaphore(%arg15 : memref<!tpu.dma_semaphore, #tpu.memory_space<semaphore_mem>>)
      %dma_start3A_24 = arith.constant 0 : i32
      %dma_start3A_25 = arith.constant 64 : i32
      %dma_start3A_26 = tpu.memref_slice %arg7[%dma_start3A_24, %dma_start3A_25] : memref<104x128xi32, #tpu.memory_space<vmem>> -> memref<1x32xi32, #tpu.memory_space<vmem>>
      %dma_start3A_27 = tpu.memref_squeeze %dma_start3A_26 : memref<1x32xi32, #tpu.memory_space<vmem>> -> memref<32xi32, #tpu.memory_space<vmem>>
      %dma_start3A_28 = arith.constant 0 : i32
      %dma_start3A_29 = arith.constant 0 : i32
      %dma_start3A_30 = tpu.memref_slice %arg2[%dma_start3A_28, %dma_start3A_29] : memref<10000x128xf32, #tpu.memory_space<hbm>> -> memref<10000x128xf32, #tpu.memory_space<hbm>>
      tpu.enqueue_indirect_dma source(%dma_start3A_30 : memref<10000x128xf32, #tpu.memory_space<hbm>>) target(%arg11 : memref<32x128xf32, #tpu.memory_space<vmem>>) offsets(%dma_start3A_27 : memref<32xi32, #tpu.memory_space<vmem>>) semaphore(%arg16 : memref<!tpu.dma_semaphore, #tpu.memory_space<semaphore_mem>>)
      %scan3A = arith.constant 0 : i32
      %scan3A_31 = arith.constant 104 : i32
      %scan3A_32 = arith.addi %scan3A, %scan3A_31 : i32
      %scan3A_33 = arith.constant 1 : i32
      scf.for %scan3A_35 = %scan3A to %scan3A_32 step %scan3A_33  : i32 {
        %mul3A_36 = arith.constant 1 : i32
        %mul3A_37 = arith.muli %scan3A_35, %mul3A_36 : i32
        %add3A_38 = arith.constant 0 : i32
        %add3A_39 = arith.addi %add3A_38, %mul3A_37 : i32
        %dma_wait3A = arith.constant 0 : i32
        %dma_wait3A_40 = arith.constant 0 : i32
        %dma_wait3A_41 = tpu.memref_slice %arg7[%dma_wait3A, %dma_wait3A_40] : memref<104x128xi32, #tpu.memory_space<vmem>> -> memref<1x32xi32, #tpu.memory_space<vmem>>
        %dma_wait3A_42 = tpu.memref_squeeze %dma_wait3A_41 : memref<1x32xi32, #tpu.memory_space<vmem>> -> memref<32xi32, #tpu.memory_space<vmem>>
        %dma_wait3A_43 = arith.constant 0 : i32
        %dma_wait3A_44 = arith.constant 0 : i32
        %dma_wait3A_45 = tpu.memref_slice %arg2[%dma_wait3A_43, %dma_wait3A_44] : memref<10000x128xf32, #tpu.memory_space<hbm>> -> memref<10000x128xf32, #tpu.memory_space<hbm>>
        tpu.wait_indirect_dma semaphore(%arg14 : memref<!tpu.dma_semaphore, #tpu.memory_space<semaphore_mem>>) src(%dma_wait3A_45 : memref<10000x128xf32, #tpu.memory_space<hbm>>) dst(%arg9 : memref<32x128xf32, #tpu.memory_space<vmem>>)
        %dma_start3A_46 = arith.constant 96 : i32
        %dma_start3A_47 = tpu.memref_slice %arg7[%add3A_39, %dma_start3A_46] : memref<104x128xi32, #tpu.memory_space<vmem>> -> memref<1x32xi32, #tpu.memory_space<vmem>>
        %dma_start3A_48 = tpu.memref_squeeze %dma_start3A_47 : memref<1x32xi32, #tpu.memory_space<vmem>> -> memref<32xi32, #tpu.memory_space<vmem>>
        %dma_start3A_49 = arith.constant 0 : i32
        %dma_start3A_50 = arith.constant 0 : i32
        %dma_start3A_51 = tpu.memref_slice %arg2[%dma_start3A_49, %dma_start3A_50] : memref<10000x128xf32, #tpu.memory_space<hbm>> -> memref<10000x128xf32, #tpu.memory_space<hbm>>
        tpu.enqueue_indirect_dma source(%dma_start3A_51 : memref<10000x128xf32, #tpu.memory_space<hbm>>) target(%arg12 : memref<32x128xf32, #tpu.memory_space<vmem>>) offsets(%dma_start3A_48 : memref<32xi32, #tpu.memory_space<vmem>>) semaphore(%arg17 : memref<!tpu.dma_semaphore, #tpu.memory_space<semaphore_mem>>)
        "tpu.region"() ({
          %run_scoped3A = tpu.sem_alloc : memref<!tpu.dma_semaphore, #tpu.memory_space<semaphore_mem>>
          %dma_start3A_93 = arith.constant 0 : i32
          %dma_start3A_94 = tpu.memref_slice %arg8[%add3A_39, %dma_start3A_93] : memref<104x128xi32, #tpu.memory_space<vmem>> -> memref<1x32xi32, #tpu.memory_space<vmem>>
          %dma_start3A_95 = tpu.memref_squeeze %dma_start3A_94 : memref<1x32xi32, #tpu.memory_space<vmem>> -> memref<32xi32, #tpu.memory_space<vmem>>
          %dma_start3A_96 = arith.constant 0 : i32
          %dma_start3A_97 = arith.constant 0 : i32
          %dma_start3A_98 = tpu.memref_slice %arg13[%dma_start3A_96, %dma_start3A_97] : memref<10112x128xf32, #tpu.memory_space<vmem_shared>> -> memref<10112x128xf32, #tpu.memory_space<vmem_shared>>
          tpu.enqueue_indirect_dma source(%arg9 : memref<32x128xf32, #tpu.memory_space<vmem>>) target(%dma_start3A_98 : memref<10112x128xf32, #tpu.memory_space<vmem_shared>>) offsets(%dma_start3A_95 : memref<32xi32, #tpu.memory_space<vmem>>) semaphore(%run_scoped3A : memref<!tpu.dma_semaphore, #tpu.memory_space<semaphore_mem>>) {add = true}
          %dma_wait3A_99 = arith.constant 0 : i32
          %dma_wait3A_100 = tpu.memref_slice %arg8[%add3A_39, %dma_wait3A_99] : memref<104x128xi32, #tpu.memory_space<vmem>> -> memref<1x32xi32, #tpu.memory_space<vmem>>
          %dma_wait3A_101 = tpu.memref_squeeze %dma_wait3A_100 : memref<1x32xi32, #tpu.memory_space<vmem>> -> memref<32xi32, #tpu.memory_space<vmem>>
          %dma_wait3A_102 = arith.constant 0 : i32
          %dma_wait3A_103 = arith.constant 0 : i32
          %dma_wait3A_104 = tpu.memref_slice %arg13[%dma_wait3A_102, %dma_wait3A_103] : memref<10112x128xf32, #tpu.memory_space<vmem_shared>> -> memref<10112x128xf32, #tpu.memory_space<vmem_shared>>
          tpu.wait_indirect_dma semaphore(%run_scoped3A : memref<!tpu.dma_semaphore, #tpu.memory_space<semaphore_mem>>) src(%arg9 : memref<32x128xf32, #tpu.memory_space<vmem>>) dst(%dma_wait3A_104 : memref<10112x128xf32, #tpu.memory_space<vmem_shared>>)
          tpu.yield
        }) : () -> ()
        %dma_wait3A_52 = arith.constant 0 : i32
        %dma_wait3A_53 = arith.constant 0 : i32
        %dma_wait3A_54 = tpu.memref_slice %arg7[%dma_wait3A_52, %dma_wait3A_53] : memref<104x128xi32, #tpu.memory_space<vmem>> -> memref<1x32xi32, #tpu.memory_space<vmem>>
        %dma_wait3A_55 = tpu.memref_squeeze %dma_wait3A_54 : memref<1x32xi32, #tpu.memory_space<vmem>> -> memref<32xi32, #tpu.memory_space<vmem>>
        %dma_wait3A_56 = arith.constant 0 : i32
        %dma_wait3A_57 = arith.constant 0 : i32
        %dma_wait3A_58 = tpu.memref_slice %arg2[%dma_wait3A_56, %dma_wait3A_57] : memref<10000x128xf32, #tpu.memory_space<hbm>> -> memref<10000x128xf32, #tpu.memory_space<hbm>>
        tpu.wait_indirect_dma semaphore(%arg15 : memref<!tpu.dma_semaphore, #tpu.memory_space<semaphore_mem>>) src(%dma_wait3A_58 : memref<10000x128xf32, #tpu.memory_space<hbm>>) dst(%arg10 : memref<32x128xf32, #tpu.memory_space<vmem>>)
        %add3A_59 = arith.constant 1 : i32
        %add3A_60 = arith.addi %add3A_39, %add3A_59 : i32
        %lt3A = arith.constant 104 : i32
        %lt3A_61 = arith.cmpi slt, %add3A_60, %lt3A : i32
        %convert_element_type3A_62 = arith.extui %lt3A_61 : i1 to i32
        %cond3A_63 = arith.constant 0 : i32
        %cond3A_64 = arith.cmpi ne, %convert_element_type3A_62, %cond3A_63 : i32
        scf.if %cond3A_64 {
          %add3A_93 = arith.constant 1 : i32
          %add3A_94 = arith.addi %add3A_39, %add3A_93 : i32
          %dma_start3A_95 = arith.constant 0 : i32
          %dma_start3A_96 = tpu.memref_slice %arg7[%add3A_94, %dma_start3A_95] : memref<104x128xi32, #tpu.memory_space<vmem>> -> memref<1x32xi32, #tpu.memory_space<vmem>>
          %dma_start3A_97 = tpu.memref_squeeze %dma_start3A_96 : memref<1x32xi32, #tpu.memory_space<vmem>> -> memref<32xi32, #tpu.memory_space<vmem>>
          %dma_start3A_98 = arith.constant 0 : i32
          %dma_start3A_99 = arith.constant 0 : i32
          %dma_start3A_100 = tpu.memref_slice %arg2[%dma_start3A_98, %dma_start3A_99] : memref<10000x128xf32, #tpu.memory_space<hbm>> -> memref<10000x128xf32, #tpu.memory_space<hbm>>
          tpu.enqueue_indirect_dma source(%dma_start3A_100 : memref<10000x128xf32, #tpu.memory_space<hbm>>) target(%arg9 : memref<32x128xf32, #tpu.memory_space<vmem>>) offsets(%dma_start3A_97 : memref<32xi32, #tpu.memory_space<vmem>>) semaphore(%arg14 : memref<!tpu.dma_semaphore, #tpu.memory_space<semaphore_mem>>)
        } else {
        }
        "tpu.region"() ({
          %run_scoped3A = tpu.sem_alloc : memref<!tpu.dma_semaphore, #tpu.memory_space<semaphore_mem>>
          %dma_start3A_93 = arith.constant 32 : i32
          %dma_start3A_94 = tpu.memref_slice %arg8[%add3A_39, %dma_start3A_93] : memref<104x128xi32, #tpu.memory_space<vmem>> -> memref<1x32xi32, #tpu.memory_space<vmem>>
          %dma_start3A_95 = tpu.memref_squeeze %dma_start3A_94 : memref<1x32xi32, #tpu.memory_space<vmem>> -> memref<32xi32, #tpu.memory_space<vmem>>
          %dma_start3A_96 = arith.constant 0 : i32
          %dma_start3A_97 = arith.constant 0 : i32
          %dma_start3A_98 = tpu.memref_slice %arg13[%dma_start3A_96, %dma_start3A_97] : memref<10112x128xf32, #tpu.memory_space<vmem_shared>> -> memref<10112x128xf32, #tpu.memory_space<vmem_shared>>
          tpu.enqueue_indirect_dma source(%arg10 : memref<32x128xf32, #tpu.memory_space<vmem>>) target(%dma_start3A_98 : memref<10112x128xf32, #tpu.memory_space<vmem_shared>>) offsets(%dma_start3A_95 : memref<32xi32, #tpu.memory_space<vmem>>) semaphore(%run_scoped3A : memref<!tpu.dma_semaphore, #tpu.memory_space<semaphore_mem>>) {add = true}
          %dma_wait3A_99 = arith.constant 32 : i32
          %dma_wait3A_100 = tpu.memref_slice %arg8[%add3A_39, %dma_wait3A_99] : memref<104x128xi32, #tpu.memory_space<vmem>> -> memref<1x32xi32, #tpu.memory_space<vmem>>
          %dma_wait3A_101 = tpu.memref_squeeze %dma_wait3A_100 : memref<1x32xi32, #tpu.memory_space<vmem>> -> memref<32xi32, #tpu.memory_space<vmem>>
          %dma_wait3A_102 = arith.constant 0 : i32
          %dma_wait3A_103 = arith.constant 0 : i32
          %dma_wait3A_104 = tpu.memref_slice %arg13[%dma_wait3A_102, %dma_wait3A_103] : memref<10112x128xf32, #tpu.memory_space<vmem_shared>> -> memref<10112x128xf32, #tpu.memory_space<vmem_shared>>
          tpu.wait_indirect_dma semaphore(%run_scoped3A : memref<!tpu.dma_semaphore, #tpu.memory_space<semaphore_mem>>) src(%arg10 : memref<32x128xf32, #tpu.memory_space<vmem>>) dst(%dma_wait3A_104 : memref<10112x128xf32, #tpu.memory_space<vmem_shared>>)
          tpu.yield
        }) : () -> ()
        %dma_wait3A_65 = arith.constant 0 : i32
        %dma_wait3A_66 = arith.constant 0 : i32
        %dma_wait3A_67 = tpu.memref_slice %arg7[%dma_wait3A_65, %dma_wait3A_66] : memref<104x128xi32, #tpu.memory_space<vmem>> -> memref<1x32xi32, #tpu.memory_space<vmem>>
        %dma_wait3A_68 = tpu.memref_squeeze %dma_wait3A_67 : memref<1x32xi32, #tpu.memory_space<vmem>> -> memref<32xi32, #tpu.memory_space<vmem>>
        %dma_wait3A_69 = arith.constant 0 : i32
        %dma_wait3A_70 = arith.constant 0 : i32
        %dma_wait3A_71 = tpu.memref_slice %arg2[%dma_wait3A_69, %dma_wait3A_70] : memref<10000x128xf32, #tpu.memory_space<hbm>> -> memref<10000x128xf32, #tpu.memory_space<hbm>>
        tpu.wait_indirect_dma semaphore(%arg16 : memref<!tpu.dma_semaphore, #tpu.memory_space<semaphore_mem>>) src(%dma_wait3A_71 : memref<10000x128xf32, #tpu.memory_space<hbm>>) dst(%arg11 : memref<32x128xf32, #tpu.memory_space<vmem>>)
        %add3A_72 = arith.constant 1 : i32
        %add3A_73 = arith.addi %add3A_39, %add3A_72 : i32
        %lt3A_74 = arith.constant 104 : i32
        %lt3A_75 = arith.cmpi slt, %add3A_73, %lt3A_74 : i32
        %convert_element_type3A_76 = arith.extui %lt3A_75 : i1 to i32
        %cond3A_77 = arith.constant 0 : i32
        %cond3A_78 = arith.cmpi ne, %convert_element_type3A_76, %cond3A_77 : i32
        scf.if %cond3A_78 {
          %add3A_93 = arith.constant 1 : i32
          %add3A_94 = arith.addi %add3A_39, %add3A_93 : i32
          %dma_start3A_95 = arith.constant 32 : i32
          %dma_start3A_96 = tpu.memref_slice %arg7[%add3A_94, %dma_start3A_95] : memref<104x128xi32, #tpu.memory_space<vmem>> -> memref<1x32xi32, #tpu.memory_space<vmem>>
          %dma_start3A_97 = tpu.memref_squeeze %dma_start3A_96 : memref<1x32xi32, #tpu.memory_space<vmem>> -> memref<32xi32, #tpu.memory_space<vmem>>
          %dma_start3A_98 = arith.constant 0 : i32
          %dma_start3A_99 = arith.constant 0 : i32
          %dma_start3A_100 = tpu.memref_slice %arg2[%dma_start3A_98, %dma_start3A_99] : memref<10000x128xf32, #tpu.memory_space<hbm>> -> memref<10000x128xf32, #tpu.memory_space<hbm>>
          tpu.enqueue_indirect_dma source(%dma_start3A_100 : memref<10000x128xf32, #tpu.memory_space<hbm>>) target(%arg10 : memref<32x128xf32, #tpu.memory_space<vmem>>) offsets(%dma_start3A_97 : memref<32xi32, #tpu.memory_space<vmem>>) semaphore(%arg15 : memref<!tpu.dma_semaphore, #tpu.memory_space<semaphore_mem>>)
        } else {
        }
        "tpu.region"() ({
          %run_scoped3A = tpu.sem_alloc : memref<!tpu.dma_semaphore, #tpu.memory_space<semaphore_mem>>
          %dma_start3A_93 = arith.constant 64 : i32
          %dma_start3A_94 = tpu.memref_slice %arg8[%add3A_39, %dma_start3A_93] : memref<104x128xi32, #tpu.memory_space<vmem>> -> memref<1x32xi32, #tpu.memory_space<vmem>>
          %dma_start3A_95 = tpu.memref_squeeze %dma_start3A_94 : memref<1x32xi32, #tpu.memory_space<vmem>> -> memref<32xi32, #tpu.memory_space<vmem>>
          %dma_start3A_96 = arith.constant 0 : i32
          %dma_start3A_97 = arith.constant 0 : i32
          %dma_start3A_98 = tpu.memref_slice %arg13[%dma_start3A_96, %dma_start3A_97] : memref<10112x128xf32, #tpu.memory_space<vmem_shared>> -> memref<10112x128xf32, #tpu.memory_space<vmem_shared>>
          tpu.enqueue_indirect_dma source(%arg11 : memref<32x128xf32, #tpu.memory_space<vmem>>) target(%dma_start3A_98 : memref<10112x128xf32, #tpu.memory_space<vmem_shared>>) offsets(%dma_start3A_95 : memref<32xi32, #tpu.memory_space<vmem>>) semaphore(%run_scoped3A : memref<!tpu.dma_semaphore, #tpu.memory_space<semaphore_mem>>) {add = true}
          %dma_wait3A_99 = arith.constant 64 : i32
          %dma_wait3A_100 = tpu.memref_slice %arg8[%add3A_39, %dma_wait3A_99] : memref<104x128xi32, #tpu.memory_space<vmem>> -> memref<1x32xi32, #tpu.memory_space<vmem>>
          %dma_wait3A_101 = tpu.memref_squeeze %dma_wait3A_100 : memref<1x32xi32, #tpu.memory_space<vmem>> -> memref<32xi32, #tpu.memory_space<vmem>>
          %dma_wait3A_102 = arith.constant 0 : i32
          %dma_wait3A_103 = arith.constant 0 : i32
          %dma_wait3A_104 = tpu.memref_slice %arg13[%dma_wait3A_102, %dma_wait3A_103] : memref<10112x128xf32, #tpu.memory_space<vmem_shared>> -> memref<10112x128xf32, #tpu.memory_space<vmem_shared>>
          tpu.wait_indirect_dma semaphore(%run_scoped3A : memref<!tpu.dma_semaphore, #tpu.memory_space<semaphore_mem>>) src(%arg11 : memref<32x128xf32, #tpu.memory_space<vmem>>) dst(%dma_wait3A_104 : memref<10112x128xf32, #tpu.memory_space<vmem_shared>>)
          tpu.yield
        }) : () -> ()
        %dma_wait3A_79 = arith.constant 0 : i32
        %dma_wait3A_80 = arith.constant 0 : i32
        %dma_wait3A_81 = tpu.memref_slice %arg7[%dma_wait3A_79, %dma_wait3A_80] : memref<104x128xi32, #tpu.memory_space<vmem>> -> memref<1x32xi32, #tpu.memory_space<vmem>>
        %dma_wait3A_82 = tpu.memref_squeeze %dma_wait3A_81 : memref<1x32xi32, #tpu.memory_space<vmem>> -> memref<32xi32, #tpu.memory_space<vmem>>
        %dma_wait3A_83 = arith.constant 0 : i32
        %dma_wait3A_84 = arith.constant 0 : i32
        %dma_wait3A_85 = tpu.memref_slice %arg2[%dma_wait3A_83, %dma_wait3A_84] : memref<10000x128xf32, #tpu.memory_space<hbm>> -> memref<10000x128xf32, #tpu.memory_space<hbm>>
        tpu.wait_indirect_dma semaphore(%arg17 : memref<!tpu.dma_semaphore, #tpu.memory_space<semaphore_mem>>) src(%dma_wait3A_85 : memref<10000x128xf32, #tpu.memory_space<hbm>>) dst(%arg12 : memref<32x128xf32, #tpu.memory_space<vmem>>)
        %add3A_86 = arith.constant 1 : i32
        %add3A_87 = arith.addi %add3A_39, %add3A_86 : i32
        %lt3A_88 = arith.constant 104 : i32
        %lt3A_89 = arith.cmpi slt, %add3A_87, %lt3A_88 : i32
        %convert_element_type3A_90 = arith.extui %lt3A_89 : i1 to i32
        %cond3A_91 = arith.constant 0 : i32
        %cond3A_92 = arith.cmpi ne, %convert_element_type3A_90, %cond3A_91 : i32
        scf.if %cond3A_92 {
          %add3A_93 = arith.constant 1 : i32
          %add3A_94 = arith.addi %add3A_39, %add3A_93 : i32
          %dma_start3A_95 = arith.constant 64 : i32
          %dma_start3A_96 = tpu.memref_slice %arg7[%add3A_94, %dma_start3A_95] : memref<104x128xi32, #tpu.memory_space<vmem>> -> memref<1x32xi32, #tpu.memory_space<vmem>>
          %dma_start3A_97 = tpu.memref_squeeze %dma_start3A_96 : memref<1x32xi32, #tpu.memory_space<vmem>> -> memref<32xi32, #tpu.memory_space<vmem>>
          %dma_start3A_98 = arith.constant 0 : i32
          %dma_start3A_99 = arith.constant 0 : i32
          %dma_start3A_100 = tpu.memref_slice %arg2[%dma_start3A_98, %dma_start3A_99] : memref<10000x128xf32, #tpu.memory_space<hbm>> -> memref<10000x128xf32, #tpu.memory_space<hbm>>
          tpu.enqueue_indirect_dma source(%dma_start3A_100 : memref<10000x128xf32, #tpu.memory_space<hbm>>) target(%arg11 : memref<32x128xf32, #tpu.memory_space<vmem>>) offsets(%dma_start3A_97 : memref<32xi32, #tpu.memory_space<vmem>>) semaphore(%arg16 : memref<!tpu.dma_semaphore, #tpu.memory_space<semaphore_mem>>)
        } else {
        }
        "tpu.region"() ({
          %run_scoped3A = tpu.sem_alloc : memref<!tpu.dma_semaphore, #tpu.memory_space<semaphore_mem>>
          %dma_start3A_93 = arith.constant 96 : i32
          %dma_start3A_94 = tpu.memref_slice %arg8[%add3A_39, %dma_start3A_93] : memref<104x128xi32, #tpu.memory_space<vmem>> -> memref<1x32xi32, #tpu.memory_space<vmem>>
          %dma_start3A_95 = tpu.memref_squeeze %dma_start3A_94 : memref<1x32xi32, #tpu.memory_space<vmem>> -> memref<32xi32, #tpu.memory_space<vmem>>
          %dma_start3A_96 = arith.constant 0 : i32
          %dma_start3A_97 = arith.constant 0 : i32
          %dma_start3A_98 = tpu.memref_slice %arg13[%dma_start3A_96, %dma_start3A_97] : memref<10112x128xf32, #tpu.memory_space<vmem_shared>> -> memref<10112x128xf32, #tpu.memory_space<vmem_shared>>
          tpu.enqueue_indirect_dma source(%arg12 : memref<32x128xf32, #tpu.memory_space<vmem>>) target(%dma_start3A_98 : memref<10112x128xf32, #tpu.memory_space<vmem_shared>>) offsets(%dma_start3A_95 : memref<32xi32, #tpu.memory_space<vmem>>) semaphore(%run_scoped3A : memref<!tpu.dma_semaphore, #tpu.memory_space<semaphore_mem>>) {add = true}
          %dma_wait3A_99 = arith.constant 96 : i32
          %dma_wait3A_100 = tpu.memref_slice %arg8[%add3A_39, %dma_wait3A_99] : memref<104x128xi32, #tpu.memory_space<vmem>> -> memref<1x32xi32, #tpu.memory_space<vmem>>
          %dma_wait3A_101 = tpu.memref_squeeze %dma_wait3A_100 : memref<1x32xi32, #tpu.memory_space<vmem>> -> memref<32xi32, #tpu.memory_space<vmem>>
          %dma_wait3A_102 = arith.constant 0 : i32
          %dma_wait3A_103 = arith.constant 0 : i32
          %dma_wait3A_104 = tpu.memref_slice %arg13[%dma_wait3A_102, %dma_wait3A_103] : memref<10112x128xf32, #tpu.memory_space<vmem_shared>> -> memref<10112x128xf32, #tpu.memory_space<vmem_shared>>
          tpu.wait_indirect_dma semaphore(%run_scoped3A : memref<!tpu.dma_semaphore, #tpu.memory_space<semaphore_mem>>) src(%arg12 : memref<32x128xf32, #tpu.memory_space<vmem>>) dst(%dma_wait3A_104 : memref<10112x128xf32, #tpu.memory_space<vmem_shared>>)
          tpu.yield
        }) : () -> ()
      }
      %scan3A_34 = arith.constant 104 : i32
    } else {
    }
    %eq3A_5 = arith.constant 1 : i32
    %eq3A_6 = arith.cmpi eq, %arg0, %eq3A_5 : i32
    %convert_element_type3A_7 = arith.extui %eq3A_6 : i1 to i32
    %cond3A_8 = arith.constant 0 : i32
    %cond3A_9 = arith.cmpi ne, %convert_element_type3A_7, %cond3A_8 : i32
    scf.if %cond3A_9 {
      %dma_start3A = arith.constant 0 : i32
      %dma_start3A_11 = arith.constant 0 : i32
      %dma_start3A_12 = tpu.memref_slice %arg7[%dma_start3A, %dma_start3A_11] : memref<104x128xi32, #tpu.memory_space<vmem>> -> memref<1x32xi32, #tpu.memory_space<vmem>>
      %dma_start3A_13 = tpu.memref_squeeze %dma_start3A_12 : memref<1x32xi32, #tpu.memory_space<vmem>> -> memref<32xi32, #tpu.memory_space<vmem>>
      %dma_start3A_14 = arith.constant 0 : i32
      %dma_start3A_15 = arith.constant 0 : i32
      %dma_start3A_16 = tpu.memref_slice %arg2[%dma_start3A_14, %dma_start3A_15] : memref<10000x128xf32, #tpu.memory_space<hbm>> -> memref<10000x128xf32, #tpu.memory_space<hbm>>
      tpu.enqueue_indirect_dma source(%dma_start3A_16 : memref<10000x128xf32, #tpu.memory_space<hbm>>) target(%arg9 : memref<32x128xf32, #tpu.memory_space<vmem>>) offsets(%dma_start3A_13 : memref<32xi32, #tpu.memory_space<vmem>>) semaphore(%arg14 : memref<!tpu.dma_semaphore, #tpu.memory_space<semaphore_mem>>)
      %dma_start3A_17 = arith.constant 0 : i32
      %dma_start3A_18 = arith.constant 32 : i32
      %dma_start3A_19 = tpu.memref_slice %arg7[%dma_start3A_17, %dma_start3A_18] : memref<104x128xi32, #tpu.memory_space<vmem>> -> memref<1x32xi32, #tpu.memory_space<vmem>>
      %dma_start3A_20 = tpu.memref_squeeze %dma_start3A_19 : memref<1x32xi32, #tpu.memory_space<vmem>> -> memref<32xi32, #tpu.memory_space<vmem>>
      %dma_start3A_21 = arith.constant 0 : i32
      %dma_start3A_22 = arith.constant 0 : i32
      %dma_start3A_23 = tpu.memref_slice %arg2[%dma_start3A_21, %dma_start3A_22] : memref<10000x128xf32, #tpu.memory_space<hbm>> -> memref<10000x128xf32, #tpu.memory_space<hbm>>
      tpu.enqueue_indirect_dma source(%dma_start3A_23 : memref<10000x128xf32, #tpu.memory_space<hbm>>) target(%arg10 : memref<32x128xf32, #tpu.memory_space<vmem>>) offsets(%dma_start3A_20 : memref<32xi32, #tpu.memory_space<vmem>>) semaphore(%arg15 : memref<!tpu.dma_semaphore, #tpu.memory_space<semaphore_mem>>)
      %dma_start3A_24 = arith.constant 0 : i32
      %dma_start3A_25 = arith.constant 64 : i32
      %dma_start3A_26 = tpu.memref_slice %arg7[%dma_start3A_24, %dma_start3A_25] : memref<104x128xi32, #tpu.memory_space<vmem>> -> memref<1x32xi32, #tpu.memory_space<vmem>>
      %dma_start3A_27 = tpu.memref_squeeze %dma_start3A_26 : memref<1x32xi32, #tpu.memory_space<vmem>> -> memref<32xi32, #tpu.memory_space<vmem>>
      %dma_start3A_28 = arith.constant 0 : i32
      %dma_start3A_29 = arith.constant 0 : i32
      %dma_start3A_30 = tpu.memref_slice %arg2[%dma_start3A_28, %dma_start3A_29] : memref<10000x128xf32, #tpu.memory_space<hbm>> -> memref<10000x128xf32, #tpu.memory_space<hbm>>
      tpu.enqueue_indirect_dma source(%dma_start3A_30 : memref<10000x128xf32, #tpu.memory_space<hbm>>) target(%arg11 : memref<32x128xf32, #tpu.memory_space<vmem>>) offsets(%dma_start3A_27 : memref<32xi32, #tpu.memory_space<vmem>>) semaphore(%arg16 : memref<!tpu.dma_semaphore, #tpu.memory_space<semaphore_mem>>)
      %scan3A = arith.constant 0 : i32
      %scan3A_31 = arith.constant 54 : i32
      %scan3A_32 = arith.addi %scan3A, %scan3A_31 : i32
      %scan3A_33 = arith.constant 1 : i32
      scf.for %scan3A_35 = %scan3A to %scan3A_32 step %scan3A_33  : i32 {
        %mul3A_36 = arith.constant 1 : i32
        %mul3A_37 = arith.muli %scan3A_35, %mul3A_36 : i32
        %add3A_38 = arith.constant 0 : i32
        %add3A_39 = arith.addi %add3A_38, %mul3A_37 : i32
        %dma_wait3A = arith.constant 0 : i32
        %dma_wait3A_40 = arith.constant 0 : i32
        %dma_wait3A_41 = tpu.memref_slice %arg7[%dma_wait3A, %dma_wait3A_40] : memref<104x128xi32, #tpu.memory_space<vmem>> -> memref<1x32xi32, #tpu.memory_space<vmem>>
        %dma_wait3A_42 = tpu.memref_squeeze %dma_wait3A_41 : memref<1x32xi32, #tpu.memory_space<vmem>> -> memref<32xi32, #tpu.memory_space<vmem>>
        %dma_wait3A_43 = arith.constant 0 : i32
        %dma_wait3A_44 = arith.constant 0 : i32
        %dma_wait3A_45 = tpu.memref_slice %arg2[%dma_wait3A_43, %dma_wait3A_44] : memref<10000x128xf32, #tpu.memory_space<hbm>> -> memref<10000x128xf32, #tpu.memory_space<hbm>>
        tpu.wait_indirect_dma semaphore(%arg14 : memref<!tpu.dma_semaphore, #tpu.memory_space<semaphore_mem>>) src(%dma_wait3A_45 : memref<10000x128xf32, #tpu.memory_space<hbm>>) dst(%arg9 : memref<32x128xf32, #tpu.memory_space<vmem>>)
        %dma_start3A_46 = arith.constant 96 : i32
        %dma_start3A_47 = tpu.memref_slice %arg7[%add3A_39, %dma_start3A_46] : memref<104x128xi32, #tpu.memory_space<vmem>> -> memref<1x32xi32, #tpu.memory_space<vmem>>
        %dma_start3A_48 = tpu.memref_squeeze %dma_start3A_47 : memref<1x32xi32, #tpu.memory_space<vmem>> -> memref<32xi32, #tpu.memory_space<vmem>>
        %dma_start3A_49 = arith.constant 0 : i32
        %dma_start3A_50 = arith.constant 0 : i32
        %dma_start3A_51 = tpu.memref_slice %arg2[%dma_start3A_49, %dma_start3A_50] : memref<10000x128xf32, #tpu.memory_space<hbm>> -> memref<10000x128xf32, #tpu.memory_space<hbm>>
        tpu.enqueue_indirect_dma source(%dma_start3A_51 : memref<10000x128xf32, #tpu.memory_space<hbm>>) target(%arg12 : memref<32x128xf32, #tpu.memory_space<vmem>>) offsets(%dma_start3A_48 : memref<32xi32, #tpu.memory_space<vmem>>) semaphore(%arg17 : memref<!tpu.dma_semaphore, #tpu.memory_space<semaphore_mem>>)
        "tpu.region"() ({
          %run_scoped3A = tpu.sem_alloc : memref<!tpu.dma_semaphore, #tpu.memory_space<semaphore_mem>>
          %dma_start3A_93 = arith.constant 0 : i32
          %dma_start3A_94 = tpu.memref_slice %arg8[%add3A_39, %dma_start3A_93] : memref<104x128xi32, #tpu.memory_space<vmem>> -> memref<1x32xi32, #tpu.memory_space<vmem>>
          %dma_start3A_95 = tpu.memref_squeeze %dma_start3A_94 : memref<1x32xi32, #tpu.memory_space<vmem>> -> memref<32xi32, #tpu.memory_space<vmem>>
          %dma_start3A_96 = arith.constant 0 : i32
          %dma_start3A_97 = arith.constant 0 : i32
          %dma_start3A_98 = tpu.memref_slice %arg13[%dma_start3A_96, %dma_start3A_97] : memref<10112x128xf32, #tpu.memory_space<vmem_shared>> -> memref<10112x128xf32, #tpu.memory_space<vmem_shared>>
          tpu.enqueue_indirect_dma source(%arg9 : memref<32x128xf32, #tpu.memory_space<vmem>>) target(%dma_start3A_98 : memref<10112x128xf32, #tpu.memory_space<vmem_shared>>) offsets(%dma_start3A_95 : memref<32xi32, #tpu.memory_space<vmem>>) semaphore(%run_scoped3A : memref<!tpu.dma_semaphore, #tpu.memory_space<semaphore_mem>>) {add = true}
          %dma_wait3A_99 = arith.constant 0 : i32
          %dma_wait3A_100 = tpu.memref_slice %arg8[%add3A_39, %dma_wait3A_99] : memref<104x128xi32, #tpu.memory_space<vmem>> -> memref<1x32xi32, #tpu.memory_space<vmem>>
          %dma_wait3A_101 = tpu.memref_squeeze %dma_wait3A_100 : memref<1x32xi32, #tpu.memory_space<vmem>> -> memref<32xi32, #tpu.memory_space<vmem>>
          %dma_wait3A_102 = arith.constant 0 : i32
          %dma_wait3A_103 = arith.constant 0 : i32
          %dma_wait3A_104 = tpu.memref_slice %arg13[%dma_wait3A_102, %dma_wait3A_103] : memref<10112x128xf32, #tpu.memory_space<vmem_shared>> -> memref<10112x128xf32, #tpu.memory_space<vmem_shared>>
          tpu.wait_indirect_dma semaphore(%run_scoped3A : memref<!tpu.dma_semaphore, #tpu.memory_space<semaphore_mem>>) src(%arg9 : memref<32x128xf32, #tpu.memory_space<vmem>>) dst(%dma_wait3A_104 : memref<10112x128xf32, #tpu.memory_space<vmem_shared>>)
          tpu.yield
        }) : () -> ()
        %dma_wait3A_52 = arith.constant 0 : i32
        %dma_wait3A_53 = arith.constant 0 : i32
        %dma_wait3A_54 = tpu.memref_slice %arg7[%dma_wait3A_52, %dma_wait3A_53] : memref<104x128xi32, #tpu.memory_space<vmem>> -> memref<1x32xi32, #tpu.memory_space<vmem>>
        %dma_wait3A_55 = tpu.memref_squeeze %dma_wait3A_54 : memref<1x32xi32, #tpu.memory_space<vmem>> -> memref<32xi32, #tpu.memory_space<vmem>>
        %dma_wait3A_56 = arith.constant 0 : i32
        %dma_wait3A_57 = arith.constant 0 : i32
        %dma_wait3A_58 = tpu.memref_slice %arg2[%dma_wait3A_56, %dma_wait3A_57] : memref<10000x128xf32, #tpu.memory_space<hbm>> -> memref<10000x128xf32, #tpu.memory_space<hbm>>
        tpu.wait_indirect_dma semaphore(%arg15 : memref<!tpu.dma_semaphore, #tpu.memory_space<semaphore_mem>>) src(%dma_wait3A_58 : memref<10000x128xf32, #tpu.memory_space<hbm>>) dst(%arg10 : memref<32x128xf32, #tpu.memory_space<vmem>>)
        %add3A_59 = arith.constant 1 : i32
        %add3A_60 = arith.addi %add3A_39, %add3A_59 : i32
        %lt3A = arith.constant 54 : i32
        %lt3A_61 = arith.cmpi slt, %add3A_60, %lt3A : i32
        %convert_element_type3A_62 = arith.extui %lt3A_61 : i1 to i32
        %cond3A_63 = arith.constant 0 : i32
        %cond3A_64 = arith.cmpi ne, %convert_element_type3A_62, %cond3A_63 : i32
        scf.if %cond3A_64 {
          %add3A_93 = arith.constant 1 : i32
          %add3A_94 = arith.addi %add3A_39, %add3A_93 : i32
          %dma_start3A_95 = arith.constant 0 : i32
          %dma_start3A_96 = tpu.memref_slice %arg7[%add3A_94, %dma_start3A_95] : memref<104x128xi32, #tpu.memory_space<vmem>> -> memref<1x32xi32, #tpu.memory_space<vmem>>
          %dma_start3A_97 = tpu.memref_squeeze %dma_start3A_96 : memref<1x32xi32, #tpu.memory_space<vmem>> -> memref<32xi32, #tpu.memory_space<vmem>>
          %dma_start3A_98 = arith.constant 0 : i32
          %dma_start3A_99 = arith.constant 0 : i32
          %dma_start3A_100 = tpu.memref_slice %arg2[%dma_start3A_98, %dma_start3A_99] : memref<10000x128xf32, #tpu.memory_space<hbm>> -> memref<10000x128xf32, #tpu.memory_space<hbm>>
          tpu.enqueue_indirect_dma source(%dma_start3A_100 : memref<10000x128xf32, #tpu.memory_space<hbm>>) target(%arg9 : memref<32x128xf32, #tpu.memory_space<vmem>>) offsets(%dma_start3A_97 : memref<32xi32, #tpu.memory_space<vmem>>) semaphore(%arg14 : memref<!tpu.dma_semaphore, #tpu.memory_space<semaphore_mem>>)
        } else {
        }
        "tpu.region"() ({
          %run_scoped3A = tpu.sem_alloc : memref<!tpu.dma_semaphore, #tpu.memory_space<semaphore_mem>>
          %dma_start3A_93 = arith.constant 32 : i32
          %dma_start3A_94 = tpu.memref_slice %arg8[%add3A_39, %dma_start3A_93] : memref<104x128xi32, #tpu.memory_space<vmem>> -> memref<1x32xi32, #tpu.memory_space<vmem>>
          %dma_start3A_95 = tpu.memref_squeeze %dma_start3A_94 : memref<1x32xi32, #tpu.memory_space<vmem>> -> memref<32xi32, #tpu.memory_space<vmem>>
          %dma_start3A_96 = arith.constant 0 : i32
          %dma_start3A_97 = arith.constant 0 : i32
          %dma_start3A_98 = tpu.memref_slice %arg13[%dma_start3A_96, %dma_start3A_97] : memref<10112x128xf32, #tpu.memory_space<vmem_shared>> -> memref<10112x128xf32, #tpu.memory_space<vmem_shared>>
          tpu.enqueue_indirect_dma source(%arg10 : memref<32x128xf32, #tpu.memory_space<vmem>>) target(%dma_start3A_98 : memref<10112x128xf32, #tpu.memory_space<vmem_shared>>) offsets(%dma_start3A_95 : memref<32xi32, #tpu.memory_space<vmem>>) semaphore(%run_scoped3A : memref<!tpu.dma_semaphore, #tpu.memory_space<semaphore_mem>>) {add = true}
          %dma_wait3A_99 = arith.constant 32 : i32
          %dma_wait3A_100 = tpu.memref_slice %arg8[%add3A_39, %dma_wait3A_99] : memref<104x128xi32, #tpu.memory_space<vmem>> -> memref<1x32xi32, #tpu.memory_space<vmem>>
          %dma_wait3A_101 = tpu.memref_squeeze %dma_wait3A_100 : memref<1x32xi32, #tpu.memory_space<vmem>> -> memref<32xi32, #tpu.memory_space<vmem>>
          %dma_wait3A_102 = arith.constant 0 : i32
          %dma_wait3A_103 = arith.constant 0 : i32
          %dma_wait3A_104 = tpu.memref_slice %arg13[%dma_wait3A_102, %dma_wait3A_103] : memref<10112x128xf32, #tpu.memory_space<vmem_shared>> -> memref<10112x128xf32, #tpu.memory_space<vmem_shared>>
          tpu.wait_indirect_dma semaphore(%run_scoped3A : memref<!tpu.dma_semaphore, #tpu.memory_space<semaphore_mem>>) src(%arg10 : memref<32x128xf32, #tpu.memory_space<vmem>>) dst(%dma_wait3A_104 : memref<10112x128xf32, #tpu.memory_space<vmem_shared>>)
          tpu.yield
        }) : () -> ()
        %dma_wait3A_65 = arith.constant 0 : i32
        %dma_wait3A_66 = arith.constant 0 : i32
        %dma_wait3A_67 = tpu.memref_slice %arg7[%dma_wait3A_65, %dma_wait3A_66] : memref<104x128xi32, #tpu.memory_space<vmem>> -> memref<1x32xi32, #tpu.memory_space<vmem>>
        %dma_wait3A_68 = tpu.memref_squeeze %dma_wait3A_67 : memref<1x32xi32, #tpu.memory_space<vmem>> -> memref<32xi32, #tpu.memory_space<vmem>>
        %dma_wait3A_69 = arith.constant 0 : i32
        %dma_wait3A_70 = arith.constant 0 : i32
        %dma_wait3A_71 = tpu.memref_slice %arg2[%dma_wait3A_69, %dma_wait3A_70] : memref<10000x128xf32, #tpu.memory_space<hbm>> -> memref<10000x128xf32, #tpu.memory_space<hbm>>
        tpu.wait_indirect_dma semaphore(%arg16 : memref<!tpu.dma_semaphore, #tpu.memory_space<semaphore_mem>>) src(%dma_wait3A_71 : memref<10000x128xf32, #tpu.memory_space<hbm>>) dst(%arg11 : memref<32x128xf32, #tpu.memory_space<vmem>>)
        %add3A_72 = arith.constant 1 : i32
        %add3A_73 = arith.addi %add3A_39, %add3A_72 : i32
        %lt3A_74 = arith.constant 54 : i32
        %lt3A_75 = arith.cmpi slt, %add3A_73, %lt3A_74 : i32
        %convert_element_type3A_76 = arith.extui %lt3A_75 : i1 to i32
        %cond3A_77 = arith.constant 0 : i32
        %cond3A_78 = arith.cmpi ne, %convert_element_type3A_76, %cond3A_77 : i32
        scf.if %cond3A_78 {
          %add3A_93 = arith.constant 1 : i32
          %add3A_94 = arith.addi %add3A_39, %add3A_93 : i32
          %dma_start3A_95 = arith.constant 32 : i32
          %dma_start3A_96 = tpu.memref_slice %arg7[%add3A_94, %dma_start3A_95] : memref<104x128xi32, #tpu.memory_space<vmem>> -> memref<1x32xi32, #tpu.memory_space<vmem>>
          %dma_start3A_97 = tpu.memref_squeeze %dma_start3A_96 : memref<1x32xi32, #tpu.memory_space<vmem>> -> memref<32xi32, #tpu.memory_space<vmem>>
          %dma_start3A_98 = arith.constant 0 : i32
          %dma_start3A_99 = arith.constant 0 : i32
          %dma_start3A_100 = tpu.memref_slice %arg2[%dma_start3A_98, %dma_start3A_99] : memref<10000x128xf32, #tpu.memory_space<hbm>> -> memref<10000x128xf32, #tpu.memory_space<hbm>>
          tpu.enqueue_indirect_dma source(%dma_start3A_100 : memref<10000x128xf32, #tpu.memory_space<hbm>>) target(%arg10 : memref<32x128xf32, #tpu.memory_space<vmem>>) offsets(%dma_start3A_97 : memref<32xi32, #tpu.memory_space<vmem>>) semaphore(%arg15 : memref<!tpu.dma_semaphore, #tpu.memory_space<semaphore_mem>>)
        } else {
        }
        "tpu.region"() ({
          %run_scoped3A = tpu.sem_alloc : memref<!tpu.dma_semaphore, #tpu.memory_space<semaphore_mem>>
          %dma_start3A_93 = arith.constant 64 : i32
          %dma_start3A_94 = tpu.memref_slice %arg8[%add3A_39, %dma_start3A_93] : memref<104x128xi32, #tpu.memory_space<vmem>> -> memref<1x32xi32, #tpu.memory_space<vmem>>
          %dma_start3A_95 = tpu.memref_squeeze %dma_start3A_94 : memref<1x32xi32, #tpu.memory_space<vmem>> -> memref<32xi32, #tpu.memory_space<vmem>>
          %dma_start3A_96 = arith.constant 0 : i32
          %dma_start3A_97 = arith.constant 0 : i32
          %dma_start3A_98 = tpu.memref_slice %arg13[%dma_start3A_96, %dma_start3A_97] : memref<10112x128xf32, #tpu.memory_space<vmem_shared>> -> memref<10112x128xf32, #tpu.memory_space<vmem_shared>>
          tpu.enqueue_indirect_dma source(%arg11 : memref<32x128xf32, #tpu.memory_space<vmem>>) target(%dma_start3A_98 : memref<10112x128xf32, #tpu.memory_space<vmem_shared>>) offsets(%dma_start3A_95 : memref<32xi32, #tpu.memory_space<vmem>>) semaphore(%run_scoped3A : memref<!tpu.dma_semaphore, #tpu.memory_space<semaphore_mem>>) {add = true}
          %dma_wait3A_99 = arith.constant 64 : i32
          %dma_wait3A_100 = tpu.memref_slice %arg8[%add3A_39, %dma_wait3A_99] : memref<104x128xi32, #tpu.memory_space<vmem>> -> memref<1x32xi32, #tpu.memory_space<vmem>>
          %dma_wait3A_101 = tpu.memref_squeeze %dma_wait3A_100 : memref<1x32xi32, #tpu.memory_space<vmem>> -> memref<32xi32, #tpu.memory_space<vmem>>
          %dma_wait3A_102 = arith.constant 0 : i32
          %dma_wait3A_103 = arith.constant 0 : i32
          %dma_wait3A_104 = tpu.memref_slice %arg13[%dma_wait3A_102, %dma_wait3A_103] : memref<10112x128xf32, #tpu.memory_space<vmem_shared>> -> memref<10112x128xf32, #tpu.memory_space<vmem_shared>>
          tpu.wait_indirect_dma semaphore(%run_scoped3A : memref<!tpu.dma_semaphore, #tpu.memory_space<semaphore_mem>>) src(%arg11 : memref<32x128xf32, #tpu.memory_space<vmem>>) dst(%dma_wait3A_104 : memref<10112x128xf32, #tpu.memory_space<vmem_shared>>)
          tpu.yield
        }) : () -> ()
        %dma_wait3A_79 = arith.constant 0 : i32
        %dma_wait3A_80 = arith.constant 0 : i32
        %dma_wait3A_81 = tpu.memref_slice %arg7[%dma_wait3A_79, %dma_wait3A_80] : memref<104x128xi32, #tpu.memory_space<vmem>> -> memref<1x32xi32, #tpu.memory_space<vmem>>
        %dma_wait3A_82 = tpu.memref_squeeze %dma_wait3A_81 : memref<1x32xi32, #tpu.memory_space<vmem>> -> memref<32xi32, #tpu.memory_space<vmem>>
        %dma_wait3A_83 = arith.constant 0 : i32
        %dma_wait3A_84 = arith.constant 0 : i32
        %dma_wait3A_85 = tpu.memref_slice %arg2[%dma_wait3A_83, %dma_wait3A_84] : memref<10000x128xf32, #tpu.memory_space<hbm>> -> memref<10000x128xf32, #tpu.memory_space<hbm>>
        tpu.wait_indirect_dma semaphore(%arg17 : memref<!tpu.dma_semaphore, #tpu.memory_space<semaphore_mem>>) src(%dma_wait3A_85 : memref<10000x128xf32, #tpu.memory_space<hbm>>) dst(%arg12 : memref<32x128xf32, #tpu.memory_space<vmem>>)
        %add3A_86 = arith.constant 1 : i32
        %add3A_87 = arith.addi %add3A_39, %add3A_86 : i32
        %lt3A_88 = arith.constant 54 : i32
        %lt3A_89 = arith.cmpi slt, %add3A_87, %lt3A_88 : i32
        %convert_element_type3A_90 = arith.extui %lt3A_89 : i1 to i32
        %cond3A_91 = arith.constant 0 : i32
        %cond3A_92 = arith.cmpi ne, %convert_element_type3A_90, %cond3A_91 : i32
        scf.if %cond3A_92 {
          %add3A_93 = arith.constant 1 : i32
          %add3A_94 = arith.addi %add3A_39, %add3A_93 : i32
          %dma_start3A_95 = arith.constant 64 : i32
          %dma_start3A_96 = tpu.memref_slice %arg7[%add3A_94, %dma_start3A_95] : memref<104x128xi32, #tpu.memory_space<vmem>> -> memref<1x32xi32, #tpu.memory_space<vmem>>
          %dma_start3A_97 = tpu.memref_squeeze %dma_start3A_96 : memref<1x32xi32, #tpu.memory_space<vmem>> -> memref<32xi32, #tpu.memory_space<vmem>>
          %dma_start3A_98 = arith.constant 0 : i32
          %dma_start3A_99 = arith.constant 0 : i32
          %dma_start3A_100 = tpu.memref_slice %arg2[%dma_start3A_98, %dma_start3A_99] : memref<10000x128xf32, #tpu.memory_space<hbm>> -> memref<10000x128xf32, #tpu.memory_space<hbm>>
          tpu.enqueue_indirect_dma source(%dma_start3A_100 : memref<10000x128xf32, #tpu.memory_space<hbm>>) target(%arg11 : memref<32x128xf32, #tpu.memory_space<vmem>>) offsets(%dma_start3A_97 : memref<32xi32, #tpu.memory_space<vmem>>) semaphore(%arg16 : memref<!tpu.dma_semaphore, #tpu.memory_space<semaphore_mem>>)
        } else {
        }
        "tpu.region"() ({
          %run_scoped3A = tpu.sem_alloc : memref<!tpu.dma_semaphore, #tpu.memory_space<semaphore_mem>>
          %dma_start3A_93 = arith.constant 96 : i32
          %dma_start3A_94 = tpu.memref_slice %arg8[%add3A_39, %dma_start3A_93] : memref<104x128xi32, #tpu.memory_space<vmem>> -> memref<1x32xi32, #tpu.memory_space<vmem>>
          %dma_start3A_95 = tpu.memref_squeeze %dma_start3A_94 : memref<1x32xi32, #tpu.memory_space<vmem>> -> memref<32xi32, #tpu.memory_space<vmem>>
          %dma_start3A_96 = arith.constant 0 : i32
          %dma_start3A_97 = arith.constant 0 : i32
          %dma_start3A_98 = tpu.memref_slice %arg13[%dma_start3A_96, %dma_start3A_97] : memref<10112x128xf32, #tpu.memory_space<vmem_shared>> -> memref<10112x128xf32, #tpu.memory_space<vmem_shared>>
          tpu.enqueue_indirect_dma source(%arg12 : memref<32x128xf32, #tpu.memory_space<vmem>>) target(%dma_start3A_98 : memref<10112x128xf32, #tpu.memory_space<vmem_shared>>) offsets(%dma_start3A_95 : memref<32xi32, #tpu.memory_space<vmem>>) semaphore(%run_scoped3A : memref<!tpu.dma_semaphore, #tpu.memory_space<semaphore_mem>>) {add = true}
          %dma_wait3A_99 = arith.constant 96 : i32
          %dma_wait3A_100 = tpu.memref_slice %arg8[%add3A_39, %dma_wait3A_99] : memref<104x128xi32, #tpu.memory_space<vmem>> -> memref<1x32xi32, #tpu.memory_space<vmem>>
          %dma_wait3A_101 = tpu.memref_squeeze %dma_wait3A_100 : memref<1x32xi32, #tpu.memory_space<vmem>> -> memref<32xi32, #tpu.memory_space<vmem>>
          %dma_wait3A_102 = arith.constant 0 : i32
          %dma_wait3A_103 = arith.constant 0 : i32
          %dma_wait3A_104 = tpu.memref_slice %arg13[%dma_wait3A_102, %dma_wait3A_103] : memref<10112x128xf32, #tpu.memory_space<vmem_shared>> -> memref<10112x128xf32, #tpu.memory_space<vmem_shared>>
          tpu.wait_indirect_dma semaphore(%run_scoped3A : memref<!tpu.dma_semaphore, #tpu.memory_space<semaphore_mem>>) src(%arg12 : memref<32x128xf32, #tpu.memory_space<vmem>>) dst(%dma_wait3A_104 : memref<10112x128xf32, #tpu.memory_space<vmem_shared>>)
          tpu.yield
        }) : () -> ()
      }
      %scan3A_34 = arith.constant 54 : i32
    } else {
    }
    %barrier3A_10 = arith.constant 0 : index
    tpu.barrier barrier_id(%barrier3A_10)
    "tpu.region"() ({
      %run_scoped3A = tpu.sem_alloc : memref<!tpu.dma_semaphore, #tpu.memory_space<semaphore_mem>>
      %dma_start3A = arith.constant 0 : i32
      %dma_start3A_11 = arith.constant 0 : i32
      %dma_start3A_12 = tpu.memref_slice %arg6[%arg0, %dma_start3A, %dma_start3A_11] : memref<2x10112x128xf32, #tpu.memory_space<hbm>> -> memref<1x10112x128xf32, #tpu.memory_space<hbm>>
      %dma_start3A_13 = tpu.memref_squeeze %dma_start3A_12 : memref<1x10112x128xf32, #tpu.memory_space<hbm>> -> memref<10112x128xf32, #tpu.memory_space<hbm>>
      %dma_start3A_14 = arith.constant 0 : i32
      %dma_start3A_15 = tpu.memref_slice %dma_start3A_13[%mul3A_2, %dma_start3A_14] : memref<10112x128xf32, #tpu.memory_space<hbm>> -> memref<632x128xf32, #tpu.memory_space<hbm>>
      %dma_start3A_16 = arith.constant 0 : i32
      %dma_start3A_17 = tpu.memref_slice %arg13[%mul3A_2, %dma_start3A_16] : memref<10112x128xf32, #tpu.memory_space<vmem_shared>> -> memref<632x128xf32, #tpu.memory_space<vmem_shared>>
      tpu.enqueue_dma source(%dma_start3A_17 : memref<632x128xf32, #tpu.memory_space<vmem_shared>>) target(%dma_start3A_15 : memref<632x128xf32, #tpu.memory_space<hbm>>) target_semaphore(%run_scoped3A : memref<!tpu.dma_semaphore, #tpu.memory_space<semaphore_mem>>)
      %dma_wait3A = arith.constant 0 : i32
      %dma_wait3A_18 = arith.constant 0 : i32
      %dma_wait3A_19 = tpu.memref_slice %arg6[%arg0, %dma_wait3A, %dma_wait3A_18] : memref<2x10112x128xf32, #tpu.memory_space<hbm>> -> memref<1x10112x128xf32, #tpu.memory_space<hbm>>
      %dma_wait3A_20 = tpu.memref_squeeze %dma_wait3A_19 : memref<1x10112x128xf32, #tpu.memory_space<hbm>> -> memref<10112x128xf32, #tpu.memory_space<hbm>>
      %dma_wait3A_21 = arith.constant 0 : i32
      %dma_wait3A_22 = tpu.memref_slice %dma_wait3A_20[%mul3A_2, %dma_wait3A_21] : memref<10112x128xf32, #tpu.memory_space<hbm>> -> memref<632x128xf32, #tpu.memory_space<hbm>>
      %dma_wait3A_23 = arith.constant 0 : i32
      %dma_wait3A_24 = tpu.memref_slice %arg13[%mul3A_2, %dma_wait3A_23] : memref<10112x128xf32, #tpu.memory_space<vmem_shared>> -> memref<632x128xf32, #tpu.memory_space<vmem_shared>>
      tpu.wait_dma2 semaphore(%run_scoped3A : memref<!tpu.dma_semaphore, #tpu.memory_space<semaphore_mem>>) src(%dma_wait3A_24 : memref<632x128xf32, #tpu.memory_space<vmem_shared>>) dst(%dma_wait3A_22 : memref<632x128xf32, #tpu.memory_space<hbm>>)
      tpu.yield
    }) : () -> ()
    return
  }
}

#map = affine_map<(d0, d1) -> (0, 0)>
#map1 = affine_map<(d0, d1) -> (0, 0, 0)>
module attributes {stable_mosaic.version = 14 : i64} {
  func.func @agg_kernel(%arg0: i32, %arg1: i32, %arg2: memref<10000x128xf32, #tpu.memory_space<hbm>>, %arg3: memref<32x104x128xi32, #tpu.memory_space<hbm>>, %arg4: memref<32x104x128xi32, #tpu.memory_space<hbm>>, %arg5: memref<10112x128xf32, #tpu.memory_space<hbm>>, %arg6: memref<2x10112x128xf32, #tpu.memory_space<hbm>>, %arg7: memref<104x128xi32, #tpu.memory_space<vmem>>, %arg8: memref<104x128xi32, #tpu.memory_space<vmem>>, %arg9: memref<32x128xf32, #tpu.memory_space<vmem>>, %arg10: memref<32x128xf32, #tpu.memory_space<vmem>>, %arg11: memref<32x128xf32, #tpu.memory_space<vmem>>, %arg12: memref<32x128xf32, #tpu.memory_space<vmem>>, %arg13: memref<10112x128xf32, #tpu.memory_space<vmem_shared>>, %arg14: memref<!tpu.dma_semaphore, #tpu.memory_space<semaphore_mem>>, %arg15: memref<!tpu.dma_semaphore, #tpu.memory_space<semaphore_mem>>, %arg16: memref<!tpu.dma_semaphore, #tpu.memory_space<semaphore_mem>>, %arg17: memref<!tpu.dma_semaphore, #tpu.memory_space<semaphore_mem>>) attributes {dimension_semantics = [#tpu.dimension_semantics<core_parallel>, #tpu.dimension_semantics<subcore_parallel>], iteration_bounds = array<i64: 2, 16>, scalar_prefetch = 0 : i64, scratch_operands = 11 : i64, tpu.core_type = #tpu.core_type<sc_vector_subcore>, window_params = [{transform_indices = #map}, {transform_indices = #map1}, {transform_indices = #map1}, {transform_indices = #map}, {transform_indices = #map1}]} {
    %mul3A = arith.constant 16 : i32
    %mul3A_0 = arith.muli %arg0, %mul3A : i32
    %add3A = arith.addi %mul3A_0, %arg1 : i32
    "tpu.region"() ({
      %run_scoped3A = tpu.sem_alloc : memref<!tpu.dma_semaphore, #tpu.memory_space<semaphore_mem>>
      %dma_start3A = arith.constant 0 : i32
      %dma_start3A_11 = arith.constant 0 : i32
      %dma_start3A_12 = tpu.memref_slice %arg3[%add3A, %dma_start3A, %dma_start3A_11] : memref<32x104x128xi32, #tpu.memory_space<hbm>> -> memref<1x104x128xi32, #tpu.memory_space<hbm>>
      %dma_start3A_13 = tpu.memref_squeeze %dma_start3A_12 : memref<1x104x128xi32, #tpu.memory_space<hbm>> -> memref<104x128xi32, #tpu.memory_space<hbm>>
      %dma_start3A_14 = arith.constant 0 : i32
      %dma_start3A_15 = arith.constant 0 : i32
      %dma_start3A_16 = tpu.memref_slice %arg3[%add3A, %dma_start3A_14, %dma_start3A_15] : memref<32x104x128xi32, #tpu.memory_space<hbm>> -> memref<1x104x128xi32, #tpu.memory_space<hbm>>
      %dma_start3A_17 = tpu.memref_squeeze %dma_start3A_16 : memref<1x104x128xi32, #tpu.memory_space<hbm>> -> memref<104x128xi32, #tpu.memory_space<hbm>>
      tpu.enqueue_dma source(%dma_start3A_17 : memref<104x128xi32, #tpu.memory_space<hbm>>) target(%arg7 : memref<104x128xi32, #tpu.memory_space<vmem>>) target_semaphore(%run_scoped3A : memref<!tpu.dma_semaphore, #tpu.memory_space<semaphore_mem>>)
      %dma_wait3A = arith.constant 0 : i32
      %dma_wait3A_18 = arith.constant 0 : i32
      %dma_wait3A_19 = tpu.memref_slice %arg3[%add3A, %dma_wait3A, %dma_wait3A_18] : memref<32x104x128xi32, #tpu.memory_space<hbm>> -> memref<1x104x128xi32, #tpu.memory_space<hbm>>
      %dma_wait3A_20 = tpu.memref_squeeze %dma_wait3A_19 : memref<1x104x128xi32, #tpu.memory_space<hbm>> -> memref<104x128xi32, #tpu.memory_space<hbm>>
      %dma_wait3A_21 = arith.constant 0 : i32
      %dma_wait3A_22 = arith.constant 0 : i32
      %dma_wait3A_23 = tpu.memref_slice %arg3[%add3A, %dma_wait3A_21, %dma_wait3A_22] : memref<32x104x128xi32, #tpu.memory_space<hbm>> -> memref<1x104x128xi32, #tpu.memory_space<hbm>>
      %dma_wait3A_24 = tpu.memref_squeeze %dma_wait3A_23 : memref<1x104x128xi32, #tpu.memory_space<hbm>> -> memref<104x128xi32, #tpu.memory_space<hbm>>
      tpu.wait_dma2 semaphore(%run_scoped3A : memref<!tpu.dma_semaphore, #tpu.memory_space<semaphore_mem>>) src(%dma_wait3A_24 : memref<104x128xi32, #tpu.memory_space<hbm>>) dst(%arg7 : memref<104x128xi32, #tpu.memory_space<vmem>>)
      tpu.yield
    }) : () -> ()
    "tpu.region"() ({
      %run_scoped3A = tpu.sem_alloc : memref<!tpu.dma_semaphore, #tpu.memory_space<semaphore_mem>>
      %dma_start3A = arith.constant 0 : i32
      %dma_start3A_11 = arith.constant 0 : i32
      %dma_start3A_12 = tpu.memref_slice %arg4[%add3A, %dma_start3A, %dma_start3A_11] : memref<32x104x128xi32, #tpu.memory_space<hbm>> -> memref<1x104x128xi32, #tpu.memory_space<hbm>>
      %dma_start3A_13 = tpu.memref_squeeze %dma_start3A_12 : memref<1x104x128xi32, #tpu.memory_space<hbm>> -> memref<104x128xi32, #tpu.memory_space<hbm>>
      %dma_start3A_14 = arith.constant 0 : i32
      %dma_start3A_15 = arith.constant 0 : i32
      %dma_start3A_16 = tpu.memref_slice %arg4[%add3A, %dma_start3A_14, %dma_start3A_15] : memref<32x104x128xi32, #tpu.memory_space<hbm>> -> memref<1x104x128xi32, #tpu.memory_space<hbm>>
      %dma_start3A_17 = tpu.memref_squeeze %dma_start3A_16 : memref<1x104x128xi32, #tpu.memory_space<hbm>> -> memref<104x128xi32, #tpu.memory_space<hbm>>
      tpu.enqueue_dma source(%dma_start3A_17 : memref<104x128xi32, #tpu.memory_space<hbm>>) target(%arg8 : memref<104x128xi32, #tpu.memory_space<vmem>>) target_semaphore(%run_scoped3A : memref<!tpu.dma_semaphore, #tpu.memory_space<semaphore_mem>>)
      %dma_wait3A = arith.constant 0 : i32
      %dma_wait3A_18 = arith.constant 0 : i32
      %dma_wait3A_19 = tpu.memref_slice %arg4[%add3A, %dma_wait3A, %dma_wait3A_18] : memref<32x104x128xi32, #tpu.memory_space<hbm>> -> memref<1x104x128xi32, #tpu.memory_space<hbm>>
      %dma_wait3A_20 = tpu.memref_squeeze %dma_wait3A_19 : memref<1x104x128xi32, #tpu.memory_space<hbm>> -> memref<104x128xi32, #tpu.memory_space<hbm>>
      %dma_wait3A_21 = arith.constant 0 : i32
      %dma_wait3A_22 = arith.constant 0 : i32
      %dma_wait3A_23 = tpu.memref_slice %arg4[%add3A, %dma_wait3A_21, %dma_wait3A_22] : memref<32x104x128xi32, #tpu.memory_space<hbm>> -> memref<1x104x128xi32, #tpu.memory_space<hbm>>
      %dma_wait3A_24 = tpu.memref_squeeze %dma_wait3A_23 : memref<1x104x128xi32, #tpu.memory_space<hbm>> -> memref<104x128xi32, #tpu.memory_space<hbm>>
      tpu.wait_dma2 semaphore(%run_scoped3A : memref<!tpu.dma_semaphore, #tpu.memory_space<semaphore_mem>>) src(%dma_wait3A_24 : memref<104x128xi32, #tpu.memory_space<hbm>>) dst(%arg8 : memref<104x128xi32, #tpu.memory_space<vmem>>)
      tpu.yield
    }) : () -> ()
    %mul3A_1 = arith.constant 632 : i32
    %mul3A_2 = arith.muli %arg1, %mul3A_1 : i32
    "tpu.region"() ({
      %run_scoped3A = tpu.sem_alloc : memref<!tpu.dma_semaphore, #tpu.memory_space<semaphore_mem>>
      %dma_start3A = arith.constant 0 : i32
      %dma_start3A_11 = tpu.memref_slice %arg13[%mul3A_2, %dma_start3A] : memref<10112x128xf32, #tpu.memory_space<vmem_shared>> -> memref<632x128xf32, #tpu.memory_space<vmem_shared>>
      %dma_start3A_12 = arith.constant 0 : i32
      %dma_start3A_13 = tpu.memref_slice %arg5[%mul3A_2, %dma_start3A_12] : memref<10112x128xf32, #tpu.memory_space<hbm>> -> memref<632x128xf32, #tpu.memory_space<hbm>>
      tpu.enqueue_dma source(%dma_start3A_13 : memref<632x128xf32, #tpu.memory_space<hbm>>) target(%dma_start3A_11 : memref<632x128xf32, #tpu.memory_space<vmem_shared>>) target_semaphore(%run_scoped3A : memref<!tpu.dma_semaphore, #tpu.memory_space<semaphore_mem>>)
      %dma_wait3A = arith.constant 0 : i32
      %dma_wait3A_14 = tpu.memref_slice %arg13[%mul3A_2, %dma_wait3A] : memref<10112x128xf32, #tpu.memory_space<vmem_shared>> -> memref<632x128xf32, #tpu.memory_space<vmem_shared>>
      %dma_wait3A_15 = arith.constant 0 : i32
      %dma_wait3A_16 = tpu.memref_slice %arg5[%mul3A_2, %dma_wait3A_15] : memref<10112x128xf32, #tpu.memory_space<hbm>> -> memref<632x128xf32, #tpu.memory_space<hbm>>
      tpu.wait_dma2 semaphore(%run_scoped3A : memref<!tpu.dma_semaphore, #tpu.memory_space<semaphore_mem>>) src(%dma_wait3A_16 : memref<632x128xf32, #tpu.memory_space<hbm>>) dst(%dma_wait3A_14 : memref<632x128xf32, #tpu.memory_space<vmem_shared>>)
      tpu.yield
    }) : () -> ()
    %barrier3A = arith.constant 0 : index
    tpu.barrier barrier_id(%barrier3A)
    %eq3A = arith.constant 0 : i32
    %eq3A_3 = arith.cmpi eq, %arg0, %eq3A : i32
    %convert_element_type3A = arith.extui %eq3A_3 : i1 to i32
    %cond3A = arith.constant 0 : i32
    %cond3A_4 = arith.cmpi ne, %convert_element_type3A, %cond3A : i32
    scf.if %cond3A_4 {
      %dma_start3A = arith.constant 0 : i32
      %dma_start3A_11 = arith.constant 0 : i32
      %dma_start3A_12 = tpu.memref_slice %arg7[%dma_start3A, %dma_start3A_11] : memref<104x128xi32, #tpu.memory_space<vmem>> -> memref<1x32xi32, #tpu.memory_space<vmem>>
      %dma_start3A_13 = tpu.memref_squeeze %dma_start3A_12 : memref<1x32xi32, #tpu.memory_space<vmem>> -> memref<32xi32, #tpu.memory_space<vmem>>
      %dma_start3A_14 = arith.constant 0 : i32
      %dma_start3A_15 = arith.constant 0 : i32
      %dma_start3A_16 = tpu.memref_slice %arg2[%dma_start3A_14, %dma_start3A_15] : memref<10000x128xf32, #tpu.memory_space<hbm>> -> memref<10000x128xf32, #tpu.memory_space<hbm>>
      tpu.enqueue_indirect_dma source(%dma_start3A_16 : memref<10000x128xf32, #tpu.memory_space<hbm>>) target(%arg9 : memref<32x128xf32, #tpu.memory_space<vmem>>) offsets(%dma_start3A_13 : memref<32xi32, #tpu.memory_space<vmem>>) semaphore(%arg14 : memref<!tpu.dma_semaphore, #tpu.memory_space<semaphore_mem>>)
      %dma_start3A_17 = arith.constant 0 : i32
      %dma_start3A_18 = arith.constant 32 : i32
      %dma_start3A_19 = tpu.memref_slice %arg7[%dma_start3A_17, %dma_start3A_18] : memref<104x128xi32, #tpu.memory_space<vmem>> -> memref<1x32xi32, #tpu.memory_space<vmem>>
      %dma_start3A_20 = tpu.memref_squeeze %dma_start3A_19 : memref<1x32xi32, #tpu.memory_space<vmem>> -> memref<32xi32, #tpu.memory_space<vmem>>
      %dma_start3A_21 = arith.constant 0 : i32
      %dma_start3A_22 = arith.constant 0 : i32
      %dma_start3A_23 = tpu.memref_slice %arg2[%dma_start3A_21, %dma_start3A_22] : memref<10000x128xf32, #tpu.memory_space<hbm>> -> memref<10000x128xf32, #tpu.memory_space<hbm>>
      tpu.enqueue_indirect_dma source(%dma_start3A_23 : memref<10000x128xf32, #tpu.memory_space<hbm>>) target(%arg10 : memref<32x128xf32, #tpu.memory_space<vmem>>) offsets(%dma_start3A_20 : memref<32xi32, #tpu.memory_space<vmem>>) semaphore(%arg15 : memref<!tpu.dma_semaphore, #tpu.memory_space<semaphore_mem>>)
      %dma_start3A_24 = arith.constant 0 : i32
      %dma_start3A_25 = arith.constant 64 : i32
      %dma_start3A_26 = tpu.memref_slice %arg7[%dma_start3A_24, %dma_start3A_25] : memref<104x128xi32, #tpu.memory_space<vmem>> -> memref<1x32xi32, #tpu.memory_space<vmem>>
      %dma_start3A_27 = tpu.memref_squeeze %dma_start3A_26 : memref<1x32xi32, #tpu.memory_space<vmem>> -> memref<32xi32, #tpu.memory_space<vmem>>
      %dma_start3A_28 = arith.constant 0 : i32
      %dma_start3A_29 = arith.constant 0 : i32
      %dma_start3A_30 = tpu.memref_slice %arg2[%dma_start3A_28, %dma_start3A_29] : memref<10000x128xf32, #tpu.memory_space<hbm>> -> memref<10000x128xf32, #tpu.memory_space<hbm>>
      tpu.enqueue_indirect_dma source(%dma_start3A_30 : memref<10000x128xf32, #tpu.memory_space<hbm>>) target(%arg11 : memref<32x128xf32, #tpu.memory_space<vmem>>) offsets(%dma_start3A_27 : memref<32xi32, #tpu.memory_space<vmem>>) semaphore(%arg16 : memref<!tpu.dma_semaphore, #tpu.memory_space<semaphore_mem>>)
      %scan3A = arith.constant 0 : i32
      %scan3A_31 = arith.constant 104 : i32
      %scan3A_32 = arith.addi %scan3A, %scan3A_31 : i32
      %scan3A_33 = arith.constant 1 : i32
      scf.for %scan3A_35 = %scan3A to %scan3A_32 step %scan3A_33  : i32 {
        %mul3A_36 = arith.constant 1 : i32
        %mul3A_37 = arith.muli %scan3A_35, %mul3A_36 : i32
        %add3A_38 = arith.constant 0 : i32
        %add3A_39 = arith.addi %add3A_38, %mul3A_37 : i32
        %dma_wait3A = arith.constant 0 : i32
        %dma_wait3A_40 = arith.constant 0 : i32
        %dma_wait3A_41 = tpu.memref_slice %arg7[%dma_wait3A, %dma_wait3A_40] : memref<104x128xi32, #tpu.memory_space<vmem>> -> memref<1x32xi32, #tpu.memory_space<vmem>>
        %dma_wait3A_42 = tpu.memref_squeeze %dma_wait3A_41 : memref<1x32xi32, #tpu.memory_space<vmem>> -> memref<32xi32, #tpu.memory_space<vmem>>
        %dma_wait3A_43 = arith.constant 0 : i32
        %dma_wait3A_44 = arith.constant 0 : i32
        %dma_wait3A_45 = tpu.memref_slice %arg2[%dma_wait3A_43, %dma_wait3A_44] : memref<10000x128xf32, #tpu.memory_space<hbm>> -> memref<10000x128xf32, #tpu.memory_space<hbm>>
        tpu.wait_indirect_dma semaphore(%arg14 : memref<!tpu.dma_semaphore, #tpu.memory_space<semaphore_mem>>) src(%dma_wait3A_45 : memref<10000x128xf32, #tpu.memory_space<hbm>>) dst(%arg9 : memref<32x128xf32, #tpu.memory_space<vmem>>)
        %dma_start3A_46 = arith.constant 96 : i32
        %dma_start3A_47 = tpu.memref_slice %arg7[%add3A_39, %dma_start3A_46] : memref<104x128xi32, #tpu.memory_space<vmem>> -> memref<1x32xi32, #tpu.memory_space<vmem>>
        %dma_start3A_48 = tpu.memref_squeeze %dma_start3A_47 : memref<1x32xi32, #tpu.memory_space<vmem>> -> memref<32xi32, #tpu.memory_space<vmem>>
        %dma_start3A_49 = arith.constant 0 : i32
        %dma_start3A_50 = arith.constant 0 : i32
        %dma_start3A_51 = tpu.memref_slice %arg2[%dma_start3A_49, %dma_start3A_50] : memref<10000x128xf32, #tpu.memory_space<hbm>> -> memref<10000x128xf32, #tpu.memory_space<hbm>>
        tpu.enqueue_indirect_dma source(%dma_start3A_51 : memref<10000x128xf32, #tpu.memory_space<hbm>>) target(%arg12 : memref<32x128xf32, #tpu.memory_space<vmem>>) offsets(%dma_start3A_48 : memref<32xi32, #tpu.memory_space<vmem>>) semaphore(%arg17 : memref<!tpu.dma_semaphore, #tpu.memory_space<semaphore_mem>>)
        "tpu.region"() ({
          %run_scoped3A = tpu.sem_alloc : memref<!tpu.dma_semaphore, #tpu.memory_space<semaphore_mem>>
          %dma_start3A_93 = arith.constant 0 : i32
          %dma_start3A_94 = tpu.memref_slice %arg8[%add3A_39, %dma_start3A_93] : memref<104x128xi32, #tpu.memory_space<vmem>> -> memref<1x32xi32, #tpu.memory_space<vmem>>
          %dma_start3A_95 = tpu.memref_squeeze %dma_start3A_94 : memref<1x32xi32, #tpu.memory_space<vmem>> -> memref<32xi32, #tpu.memory_space<vmem>>
          %dma_start3A_96 = arith.constant 0 : i32
          %dma_start3A_97 = arith.constant 0 : i32
          %dma_start3A_98 = tpu.memref_slice %arg13[%dma_start3A_96, %dma_start3A_97] : memref<10112x128xf32, #tpu.memory_space<vmem_shared>> -> memref<10112x128xf32, #tpu.memory_space<vmem_shared>>
          tpu.enqueue_indirect_dma source(%arg9 : memref<32x128xf32, #tpu.memory_space<vmem>>) target(%dma_start3A_98 : memref<10112x128xf32, #tpu.memory_space<vmem_shared>>) offsets(%dma_start3A_95 : memref<32xi32, #tpu.memory_space<vmem>>) semaphore(%run_scoped3A : memref<!tpu.dma_semaphore, #tpu.memory_space<semaphore_mem>>) {add = true}
          %dma_wait3A_99 = arith.constant 0 : i32
          %dma_wait3A_100 = tpu.memref_slice %arg8[%add3A_39, %dma_wait3A_99] : memref<104x128xi32, #tpu.memory_space<vmem>> -> memref<1x32xi32, #tpu.memory_space<vmem>>
          %dma_wait3A_101 = tpu.memref_squeeze %dma_wait3A_100 : memref<1x32xi32, #tpu.memory_space<vmem>> -> memref<32xi32, #tpu.memory_space<vmem>>
          %dma_wait3A_102 = arith.constant 0 : i32
          %dma_wait3A_103 = arith.constant 0 : i32
          %dma_wait3A_104 = tpu.memref_slice %arg13[%dma_wait3A_102, %dma_wait3A_103] : memref<10112x128xf32, #tpu.memory_space<vmem_shared>> -> memref<10112x128xf32, #tpu.memory_space<vmem_shared>>
          tpu.wait_indirect_dma semaphore(%run_scoped3A : memref<!tpu.dma_semaphore, #tpu.memory_space<semaphore_mem>>) src(%arg9 : memref<32x128xf32, #tpu.memory_space<vmem>>) dst(%dma_wait3A_104 : memref<10112x128xf32, #tpu.memory_space<vmem_shared>>)
          tpu.yield
        }) : () -> ()
        %dma_wait3A_52 = arith.constant 0 : i32
        %dma_wait3A_53 = arith.constant 0 : i32
        %dma_wait3A_54 = tpu.memref_slice %arg7[%dma_wait3A_52, %dma_wait3A_53] : memref<104x128xi32, #tpu.memory_space<vmem>> -> memref<1x32xi32, #tpu.memory_space<vmem>>
        %dma_wait3A_55 = tpu.memref_squeeze %dma_wait3A_54 : memref<1x32xi32, #tpu.memory_space<vmem>> -> memref<32xi32, #tpu.memory_space<vmem>>
        %dma_wait3A_56 = arith.constant 0 : i32
        %dma_wait3A_57 = arith.constant 0 : i32
        %dma_wait3A_58 = tpu.memref_slice %arg2[%dma_wait3A_56, %dma_wait3A_57] : memref<10000x128xf32, #tpu.memory_space<hbm>> -> memref<10000x128xf32, #tpu.memory_space<hbm>>
        tpu.wait_indirect_dma semaphore(%arg15 : memref<!tpu.dma_semaphore, #tpu.memory_space<semaphore_mem>>) src(%dma_wait3A_58 : memref<10000x128xf32, #tpu.memory_space<hbm>>) dst(%arg10 : memref<32x128xf32, #tpu.memory_space<vmem>>)
        %add3A_59 = arith.constant 1 : i32
        %add3A_60 = arith.addi %add3A_39, %add3A_59 : i32
        %lt3A = arith.constant 104 : i32
        %lt3A_61 = arith.cmpi slt, %add3A_60, %lt3A : i32
        %convert_element_type3A_62 = arith.extui %lt3A_61 : i1 to i32
        %cond3A_63 = arith.constant 0 : i32
        %cond3A_64 = arith.cmpi ne, %convert_element_type3A_62, %cond3A_63 : i32
        scf.if %cond3A_64 {
          %add3A_93 = arith.constant 1 : i32
          %add3A_94 = arith.addi %add3A_39, %add3A_93 : i32
          %dma_start3A_95 = arith.constant 0 : i32
          %dma_start3A_96 = tpu.memref_slice %arg7[%add3A_94, %dma_start3A_95] : memref<104x128xi32, #tpu.memory_space<vmem>> -> memref<1x32xi32, #tpu.memory_space<vmem>>
          %dma_start3A_97 = tpu.memref_squeeze %dma_start3A_96 : memref<1x32xi32, #tpu.memory_space<vmem>> -> memref<32xi32, #tpu.memory_space<vmem>>
          %dma_start3A_98 = arith.constant 0 : i32
          %dma_start3A_99 = arith.constant 0 : i32
          %dma_start3A_100 = tpu.memref_slice %arg2[%dma_start3A_98, %dma_start3A_99] : memref<10000x128xf32, #tpu.memory_space<hbm>> -> memref<10000x128xf32, #tpu.memory_space<hbm>>
          tpu.enqueue_indirect_dma source(%dma_start3A_100 : memref<10000x128xf32, #tpu.memory_space<hbm>>) target(%arg9 : memref<32x128xf32, #tpu.memory_space<vmem>>) offsets(%dma_start3A_97 : memref<32xi32, #tpu.memory_space<vmem>>) semaphore(%arg14 : memref<!tpu.dma_semaphore, #tpu.memory_space<semaphore_mem>>)
        } else {
        }
        "tpu.region"() ({
          %run_scoped3A = tpu.sem_alloc : memref<!tpu.dma_semaphore, #tpu.memory_space<semaphore_mem>>
          %dma_start3A_93 = arith.constant 32 : i32
          %dma_start3A_94 = tpu.memref_slice %arg8[%add3A_39, %dma_start3A_93] : memref<104x128xi32, #tpu.memory_space<vmem>> -> memref<1x32xi32, #tpu.memory_space<vmem>>
          %dma_start3A_95 = tpu.memref_squeeze %dma_start3A_94 : memref<1x32xi32, #tpu.memory_space<vmem>> -> memref<32xi32, #tpu.memory_space<vmem>>
          %dma_start3A_96 = arith.constant 0 : i32
          %dma_start3A_97 = arith.constant 0 : i32
          %dma_start3A_98 = tpu.memref_slice %arg13[%dma_start3A_96, %dma_start3A_97] : memref<10112x128xf32, #tpu.memory_space<vmem_shared>> -> memref<10112x128xf32, #tpu.memory_space<vmem_shared>>
          tpu.enqueue_indirect_dma source(%arg10 : memref<32x128xf32, #tpu.memory_space<vmem>>) target(%dma_start3A_98 : memref<10112x128xf32, #tpu.memory_space<vmem_shared>>) offsets(%dma_start3A_95 : memref<32xi32, #tpu.memory_space<vmem>>) semaphore(%run_scoped3A : memref<!tpu.dma_semaphore, #tpu.memory_space<semaphore_mem>>) {add = true}
          %dma_wait3A_99 = arith.constant 32 : i32
          %dma_wait3A_100 = tpu.memref_slice %arg8[%add3A_39, %dma_wait3A_99] : memref<104x128xi32, #tpu.memory_space<vmem>> -> memref<1x32xi32, #tpu.memory_space<vmem>>
          %dma_wait3A_101 = tpu.memref_squeeze %dma_wait3A_100 : memref<1x32xi32, #tpu.memory_space<vmem>> -> memref<32xi32, #tpu.memory_space<vmem>>
          %dma_wait3A_102 = arith.constant 0 : i32
          %dma_wait3A_103 = arith.constant 0 : i32
          %dma_wait3A_104 = tpu.memref_slice %arg13[%dma_wait3A_102, %dma_wait3A_103] : memref<10112x128xf32, #tpu.memory_space<vmem_shared>> -> memref<10112x128xf32, #tpu.memory_space<vmem_shared>>
          tpu.wait_indirect_dma semaphore(%run_scoped3A : memref<!tpu.dma_semaphore, #tpu.memory_space<semaphore_mem>>) src(%arg10 : memref<32x128xf32, #tpu.memory_space<vmem>>) dst(%dma_wait3A_104 : memref<10112x128xf32, #tpu.memory_space<vmem_shared>>)
          tpu.yield
        }) : () -> ()
        %dma_wait3A_65 = arith.constant 0 : i32
        %dma_wait3A_66 = arith.constant 0 : i32
        %dma_wait3A_67 = tpu.memref_slice %arg7[%dma_wait3A_65, %dma_wait3A_66] : memref<104x128xi32, #tpu.memory_space<vmem>> -> memref<1x32xi32, #tpu.memory_space<vmem>>
        %dma_wait3A_68 = tpu.memref_squeeze %dma_wait3A_67 : memref<1x32xi32, #tpu.memory_space<vmem>> -> memref<32xi32, #tpu.memory_space<vmem>>
        %dma_wait3A_69 = arith.constant 0 : i32
        %dma_wait3A_70 = arith.constant 0 : i32
        %dma_wait3A_71 = tpu.memref_slice %arg2[%dma_wait3A_69, %dma_wait3A_70] : memref<10000x128xf32, #tpu.memory_space<hbm>> -> memref<10000x128xf32, #tpu.memory_space<hbm>>
        tpu.wait_indirect_dma semaphore(%arg16 : memref<!tpu.dma_semaphore, #tpu.memory_space<semaphore_mem>>) src(%dma_wait3A_71 : memref<10000x128xf32, #tpu.memory_space<hbm>>) dst(%arg11 : memref<32x128xf32, #tpu.memory_space<vmem>>)
        %add3A_72 = arith.constant 1 : i32
        %add3A_73 = arith.addi %add3A_39, %add3A_72 : i32
        %lt3A_74 = arith.constant 104 : i32
        %lt3A_75 = arith.cmpi slt, %add3A_73, %lt3A_74 : i32
        %convert_element_type3A_76 = arith.extui %lt3A_75 : i1 to i32
        %cond3A_77 = arith.constant 0 : i32
        %cond3A_78 = arith.cmpi ne, %convert_element_type3A_76, %cond3A_77 : i32
        scf.if %cond3A_78 {
          %add3A_93 = arith.constant 1 : i32
          %add3A_94 = arith.addi %add3A_39, %add3A_93 : i32
          %dma_start3A_95 = arith.constant 32 : i32
          %dma_start3A_96 = tpu.memref_slice %arg7[%add3A_94, %dma_start3A_95] : memref<104x128xi32, #tpu.memory_space<vmem>> -> memref<1x32xi32, #tpu.memory_space<vmem>>
          %dma_start3A_97 = tpu.memref_squeeze %dma_start3A_96 : memref<1x32xi32, #tpu.memory_space<vmem>> -> memref<32xi32, #tpu.memory_space<vmem>>
          %dma_start3A_98 = arith.constant 0 : i32
          %dma_start3A_99 = arith.constant 0 : i32
          %dma_start3A_100 = tpu.memref_slice %arg2[%dma_start3A_98, %dma_start3A_99] : memref<10000x128xf32, #tpu.memory_space<hbm>> -> memref<10000x128xf32, #tpu.memory_space<hbm>>
          tpu.enqueue_indirect_dma source(%dma_start3A_100 : memref<10000x128xf32, #tpu.memory_space<hbm>>) target(%arg10 : memref<32x128xf32, #tpu.memory_space<vmem>>) offsets(%dma_start3A_97 : memref<32xi32, #tpu.memory_space<vmem>>) semaphore(%arg15 : memref<!tpu.dma_semaphore, #tpu.memory_space<semaphore_mem>>)
        } else {
        }
        "tpu.region"() ({
          %run_scoped3A = tpu.sem_alloc : memref<!tpu.dma_semaphore, #tpu.memory_space<semaphore_mem>>
          %dma_start3A_93 = arith.constant 64 : i32
          %dma_start3A_94 = tpu.memref_slice %arg8[%add3A_39, %dma_start3A_93] : memref<104x128xi32, #tpu.memory_space<vmem>> -> memref<1x32xi32, #tpu.memory_space<vmem>>
          %dma_start3A_95 = tpu.memref_squeeze %dma_start3A_94 : memref<1x32xi32, #tpu.memory_space<vmem>> -> memref<32xi32, #tpu.memory_space<vmem>>
          %dma_start3A_96 = arith.constant 0 : i32
          %dma_start3A_97 = arith.constant 0 : i32
          %dma_start3A_98 = tpu.memref_slice %arg13[%dma_start3A_96, %dma_start3A_97] : memref<10112x128xf32, #tpu.memory_space<vmem_shared>> -> memref<10112x128xf32, #tpu.memory_space<vmem_shared>>
          tpu.enqueue_indirect_dma source(%arg11 : memref<32x128xf32, #tpu.memory_space<vmem>>) target(%dma_start3A_98 : memref<10112x128xf32, #tpu.memory_space<vmem_shared>>) offsets(%dma_start3A_95 : memref<32xi32, #tpu.memory_space<vmem>>) semaphore(%run_scoped3A : memref<!tpu.dma_semaphore, #tpu.memory_space<semaphore_mem>>) {add = true}
          %dma_wait3A_99 = arith.constant 64 : i32
          %dma_wait3A_100 = tpu.memref_slice %arg8[%add3A_39, %dma_wait3A_99] : memref<104x128xi32, #tpu.memory_space<vmem>> -> memref<1x32xi32, #tpu.memory_space<vmem>>
          %dma_wait3A_101 = tpu.memref_squeeze %dma_wait3A_100 : memref<1x32xi32, #tpu.memory_space<vmem>> -> memref<32xi32, #tpu.memory_space<vmem>>
          %dma_wait3A_102 = arith.constant 0 : i32
          %dma_wait3A_103 = arith.constant 0 : i32
          %dma_wait3A_104 = tpu.memref_slice %arg13[%dma_wait3A_102, %dma_wait3A_103] : memref<10112x128xf32, #tpu.memory_space<vmem_shared>> -> memref<10112x128xf32, #tpu.memory_space<vmem_shared>>
          tpu.wait_indirect_dma semaphore(%run_scoped3A : memref<!tpu.dma_semaphore, #tpu.memory_space<semaphore_mem>>) src(%arg11 : memref<32x128xf32, #tpu.memory_space<vmem>>) dst(%dma_wait3A_104 : memref<10112x128xf32, #tpu.memory_space<vmem_shared>>)
          tpu.yield
        }) : () -> ()
        %dma_wait3A_79 = arith.constant 0 : i32
        %dma_wait3A_80 = arith.constant 0 : i32
        %dma_wait3A_81 = tpu.memref_slice %arg7[%dma_wait3A_79, %dma_wait3A_80] : memref<104x128xi32, #tpu.memory_space<vmem>> -> memref<1x32xi32, #tpu.memory_space<vmem>>
        %dma_wait3A_82 = tpu.memref_squeeze %dma_wait3A_81 : memref<1x32xi32, #tpu.memory_space<vmem>> -> memref<32xi32, #tpu.memory_space<vmem>>
        %dma_wait3A_83 = arith.constant 0 : i32
        %dma_wait3A_84 = arith.constant 0 : i32
        %dma_wait3A_85 = tpu.memref_slice %arg2[%dma_wait3A_83, %dma_wait3A_84] : memref<10000x128xf32, #tpu.memory_space<hbm>> -> memref<10000x128xf32, #tpu.memory_space<hbm>>
        tpu.wait_indirect_dma semaphore(%arg17 : memref<!tpu.dma_semaphore, #tpu.memory_space<semaphore_mem>>) src(%dma_wait3A_85 : memref<10000x128xf32, #tpu.memory_space<hbm>>) dst(%arg12 : memref<32x128xf32, #tpu.memory_space<vmem>>)
        %add3A_86 = arith.constant 1 : i32
        %add3A_87 = arith.addi %add3A_39, %add3A_86 : i32
        %lt3A_88 = arith.constant 104 : i32
        %lt3A_89 = arith.cmpi slt, %add3A_87, %lt3A_88 : i32
        %convert_element_type3A_90 = arith.extui %lt3A_89 : i1 to i32
        %cond3A_91 = arith.constant 0 : i32
        %cond3A_92 = arith.cmpi ne, %convert_element_type3A_90, %cond3A_91 : i32
        scf.if %cond3A_92 {
          %add3A_93 = arith.constant 1 : i32
          %add3A_94 = arith.addi %add3A_39, %add3A_93 : i32
          %dma_start3A_95 = arith.constant 64 : i32
          %dma_start3A_96 = tpu.memref_slice %arg7[%add3A_94, %dma_start3A_95] : memref<104x128xi32, #tpu.memory_space<vmem>> -> memref<1x32xi32, #tpu.memory_space<vmem>>
          %dma_start3A_97 = tpu.memref_squeeze %dma_start3A_96 : memref<1x32xi32, #tpu.memory_space<vmem>> -> memref<32xi32, #tpu.memory_space<vmem>>
          %dma_start3A_98 = arith.constant 0 : i32
          %dma_start3A_99 = arith.constant 0 : i32
          %dma_start3A_100 = tpu.memref_slice %arg2[%dma_start3A_98, %dma_start3A_99] : memref<10000x128xf32, #tpu.memory_space<hbm>> -> memref<10000x128xf32, #tpu.memory_space<hbm>>
          tpu.enqueue_indirect_dma source(%dma_start3A_100 : memref<10000x128xf32, #tpu.memory_space<hbm>>) target(%arg11 : memref<32x128xf32, #tpu.memory_space<vmem>>) offsets(%dma_start3A_97 : memref<32xi32, #tpu.memory_space<vmem>>) semaphore(%arg16 : memref<!tpu.dma_semaphore, #tpu.memory_space<semaphore_mem>>)
        } else {
        }
        "tpu.region"() ({
          %run_scoped3A = tpu.sem_alloc : memref<!tpu.dma_semaphore, #tpu.memory_space<semaphore_mem>>
          %dma_start3A_93 = arith.constant 96 : i32
          %dma_start3A_94 = tpu.memref_slice %arg8[%add3A_39, %dma_start3A_93] : memref<104x128xi32, #tpu.memory_space<vmem>> -> memref<1x32xi32, #tpu.memory_space<vmem>>
          %dma_start3A_95 = tpu.memref_squeeze %dma_start3A_94 : memref<1x32xi32, #tpu.memory_space<vmem>> -> memref<32xi32, #tpu.memory_space<vmem>>
          %dma_start3A_96 = arith.constant 0 : i32
          %dma_start3A_97 = arith.constant 0 : i32
          %dma_start3A_98 = tpu.memref_slice %arg13[%dma_start3A_96, %dma_start3A_97] : memref<10112x128xf32, #tpu.memory_space<vmem_shared>> -> memref<10112x128xf32, #tpu.memory_space<vmem_shared>>
          tpu.enqueue_indirect_dma source(%arg12 : memref<32x128xf32, #tpu.memory_space<vmem>>) target(%dma_start3A_98 : memref<10112x128xf32, #tpu.memory_space<vmem_shared>>) offsets(%dma_start3A_95 : memref<32xi32, #tpu.memory_space<vmem>>) semaphore(%run_scoped3A : memref<!tpu.dma_semaphore, #tpu.memory_space<semaphore_mem>>) {add = true}
          %dma_wait3A_99 = arith.constant 96 : i32
          %dma_wait3A_100 = tpu.memref_slice %arg8[%add3A_39, %dma_wait3A_99] : memref<104x128xi32, #tpu.memory_space<vmem>> -> memref<1x32xi32, #tpu.memory_space<vmem>>
          %dma_wait3A_101 = tpu.memref_squeeze %dma_wait3A_100 : memref<1x32xi32, #tpu.memory_space<vmem>> -> memref<32xi32, #tpu.memory_space<vmem>>
          %dma_wait3A_102 = arith.constant 0 : i32
          %dma_wait3A_103 = arith.constant 0 : i32
          %dma_wait3A_104 = tpu.memref_slice %arg13[%dma_wait3A_102, %dma_wait3A_103] : memref<10112x128xf32, #tpu.memory_space<vmem_shared>> -> memref<10112x128xf32, #tpu.memory_space<vmem_shared>>
          tpu.wait_indirect_dma semaphore(%run_scoped3A : memref<!tpu.dma_semaphore, #tpu.memory_space<semaphore_mem>>) src(%arg12 : memref<32x128xf32, #tpu.memory_space<vmem>>) dst(%dma_wait3A_104 : memref<10112x128xf32, #tpu.memory_space<vmem_shared>>)
          tpu.yield
        }) : () -> ()
      }
      %scan3A_34 = arith.constant 104 : i32
    } else {
    }
    %eq3A_5 = arith.constant 1 : i32
    %eq3A_6 = arith.cmpi eq, %arg0, %eq3A_5 : i32
    %convert_element_type3A_7 = arith.extui %eq3A_6 : i1 to i32
    %cond3A_8 = arith.constant 0 : i32
    %cond3A_9 = arith.cmpi ne, %convert_element_type3A_7, %cond3A_8 : i32
    scf.if %cond3A_9 {
      %dma_start3A = arith.constant 0 : i32
      %dma_start3A_11 = arith.constant 0 : i32
      %dma_start3A_12 = tpu.memref_slice %arg7[%dma_start3A, %dma_start3A_11] : memref<104x128xi32, #tpu.memory_space<vmem>> -> memref<1x32xi32, #tpu.memory_space<vmem>>
      %dma_start3A_13 = tpu.memref_squeeze %dma_start3A_12 : memref<1x32xi32, #tpu.memory_space<vmem>> -> memref<32xi32, #tpu.memory_space<vmem>>
      %dma_start3A_14 = arith.constant 0 : i32
      %dma_start3A_15 = arith.constant 0 : i32
      %dma_start3A_16 = tpu.memref_slice %arg2[%dma_start3A_14, %dma_start3A_15] : memref<10000x128xf32, #tpu.memory_space<hbm>> -> memref<10000x128xf32, #tpu.memory_space<hbm>>
      tpu.enqueue_indirect_dma source(%dma_start3A_16 : memref<10000x128xf32, #tpu.memory_space<hbm>>) target(%arg9 : memref<32x128xf32, #tpu.memory_space<vmem>>) offsets(%dma_start3A_13 : memref<32xi32, #tpu.memory_space<vmem>>) semaphore(%arg14 : memref<!tpu.dma_semaphore, #tpu.memory_space<semaphore_mem>>)
      %dma_start3A_17 = arith.constant 0 : i32
      %dma_start3A_18 = arith.constant 32 : i32
      %dma_start3A_19 = tpu.memref_slice %arg7[%dma_start3A_17, %dma_start3A_18] : memref<104x128xi32, #tpu.memory_space<vmem>> -> memref<1x32xi32, #tpu.memory_space<vmem>>
      %dma_start3A_20 = tpu.memref_squeeze %dma_start3A_19 : memref<1x32xi32, #tpu.memory_space<vmem>> -> memref<32xi32, #tpu.memory_space<vmem>>
      %dma_start3A_21 = arith.constant 0 : i32
      %dma_start3A_22 = arith.constant 0 : i32
      %dma_start3A_23 = tpu.memref_slice %arg2[%dma_start3A_21, %dma_start3A_22] : memref<10000x128xf32, #tpu.memory_space<hbm>> -> memref<10000x128xf32, #tpu.memory_space<hbm>>
      tpu.enqueue_indirect_dma source(%dma_start3A_23 : memref<10000x128xf32, #tpu.memory_space<hbm>>) target(%arg10 : memref<32x128xf32, #tpu.memory_space<vmem>>) offsets(%dma_start3A_20 : memref<32xi32, #tpu.memory_space<vmem>>) semaphore(%arg15 : memref<!tpu.dma_semaphore, #tpu.memory_space<semaphore_mem>>)
      %dma_start3A_24 = arith.constant 0 : i32
      %dma_start3A_25 = arith.constant 64 : i32
      %dma_start3A_26 = tpu.memref_slice %arg7[%dma_start3A_24, %dma_start3A_25] : memref<104x128xi32, #tpu.memory_space<vmem>> -> memref<1x32xi32, #tpu.memory_space<vmem>>
      %dma_start3A_27 = tpu.memref_squeeze %dma_start3A_26 : memref<1x32xi32, #tpu.memory_space<vmem>> -> memref<32xi32, #tpu.memory_space<vmem>>
      %dma_start3A_28 = arith.constant 0 : i32
      %dma_start3A_29 = arith.constant 0 : i32
      %dma_start3A_30 = tpu.memref_slice %arg2[%dma_start3A_28, %dma_start3A_29] : memref<10000x128xf32, #tpu.memory_space<hbm>> -> memref<10000x128xf32, #tpu.memory_space<hbm>>
      tpu.enqueue_indirect_dma source(%dma_start3A_30 : memref<10000x128xf32, #tpu.memory_space<hbm>>) target(%arg11 : memref<32x128xf32, #tpu.memory_space<vmem>>) offsets(%dma_start3A_27 : memref<32xi32, #tpu.memory_space<vmem>>) semaphore(%arg16 : memref<!tpu.dma_semaphore, #tpu.memory_space<semaphore_mem>>)
      %scan3A = arith.constant 0 : i32
      %scan3A_31 = arith.constant 54 : i32
      %scan3A_32 = arith.addi %scan3A, %scan3A_31 : i32
      %scan3A_33 = arith.constant 1 : i32
      scf.for %scan3A_35 = %scan3A to %scan3A_32 step %scan3A_33  : i32 {
        %mul3A_36 = arith.constant 1 : i32
        %mul3A_37 = arith.muli %scan3A_35, %mul3A_36 : i32
        %add3A_38 = arith.constant 0 : i32
        %add3A_39 = arith.addi %add3A_38, %mul3A_37 : i32
        %dma_wait3A = arith.constant 0 : i32
        %dma_wait3A_40 = arith.constant 0 : i32
        %dma_wait3A_41 = tpu.memref_slice %arg7[%dma_wait3A, %dma_wait3A_40] : memref<104x128xi32, #tpu.memory_space<vmem>> -> memref<1x32xi32, #tpu.memory_space<vmem>>
        %dma_wait3A_42 = tpu.memref_squeeze %dma_wait3A_41 : memref<1x32xi32, #tpu.memory_space<vmem>> -> memref<32xi32, #tpu.memory_space<vmem>>
        %dma_wait3A_43 = arith.constant 0 : i32
        %dma_wait3A_44 = arith.constant 0 : i32
        %dma_wait3A_45 = tpu.memref_slice %arg2[%dma_wait3A_43, %dma_wait3A_44] : memref<10000x128xf32, #tpu.memory_space<hbm>> -> memref<10000x128xf32, #tpu.memory_space<hbm>>
        tpu.wait_indirect_dma semaphore(%arg14 : memref<!tpu.dma_semaphore, #tpu.memory_space<semaphore_mem>>) src(%dma_wait3A_45 : memref<10000x128xf32, #tpu.memory_space<hbm>>) dst(%arg9 : memref<32x128xf32, #tpu.memory_space<vmem>>)
        %dma_start3A_46 = arith.constant 96 : i32
        %dma_start3A_47 = tpu.memref_slice %arg7[%add3A_39, %dma_start3A_46] : memref<104x128xi32, #tpu.memory_space<vmem>> -> memref<1x32xi32, #tpu.memory_space<vmem>>
        %dma_start3A_48 = tpu.memref_squeeze %dma_start3A_47 : memref<1x32xi32, #tpu.memory_space<vmem>> -> memref<32xi32, #tpu.memory_space<vmem>>
        %dma_start3A_49 = arith.constant 0 : i32
        %dma_start3A_50 = arith.constant 0 : i32
        %dma_start3A_51 = tpu.memref_slice %arg2[%dma_start3A_49, %dma_start3A_50] : memref<10000x128xf32, #tpu.memory_space<hbm>> -> memref<10000x128xf32, #tpu.memory_space<hbm>>
        tpu.enqueue_indirect_dma source(%dma_start3A_51 : memref<10000x128xf32, #tpu.memory_space<hbm>>) target(%arg12 : memref<32x128xf32, #tpu.memory_space<vmem>>) offsets(%dma_start3A_48 : memref<32xi32, #tpu.memory_space<vmem>>) semaphore(%arg17 : memref<!tpu.dma_semaphore, #tpu.memory_space<semaphore_mem>>)
        "tpu.region"() ({
          %run_scoped3A = tpu.sem_alloc : memref<!tpu.dma_semaphore, #tpu.memory_space<semaphore_mem>>
          %dma_start3A_93 = arith.constant 0 : i32
          %dma_start3A_94 = tpu.memref_slice %arg8[%add3A_39, %dma_start3A_93] : memref<104x128xi32, #tpu.memory_space<vmem>> -> memref<1x32xi32, #tpu.memory_space<vmem>>
          %dma_start3A_95 = tpu.memref_squeeze %dma_start3A_94 : memref<1x32xi32, #tpu.memory_space<vmem>> -> memref<32xi32, #tpu.memory_space<vmem>>
          %dma_start3A_96 = arith.constant 0 : i32
          %dma_start3A_97 = arith.constant 0 : i32
          %dma_start3A_98 = tpu.memref_slice %arg13[%dma_start3A_96, %dma_start3A_97] : memref<10112x128xf32, #tpu.memory_space<vmem_shared>> -> memref<10112x128xf32, #tpu.memory_space<vmem_shared>>
          tpu.enqueue_indirect_dma source(%arg9 : memref<32x128xf32, #tpu.memory_space<vmem>>) target(%dma_start3A_98 : memref<10112x128xf32, #tpu.memory_space<vmem_shared>>) offsets(%dma_start3A_95 : memref<32xi32, #tpu.memory_space<vmem>>) semaphore(%run_scoped3A : memref<!tpu.dma_semaphore, #tpu.memory_space<semaphore_mem>>) {add = true}
          %dma_wait3A_99 = arith.constant 0 : i32
          %dma_wait3A_100 = tpu.memref_slice %arg8[%add3A_39, %dma_wait3A_99] : memref<104x128xi32, #tpu.memory_space<vmem>> -> memref<1x32xi32, #tpu.memory_space<vmem>>
          %dma_wait3A_101 = tpu.memref_squeeze %dma_wait3A_100 : memref<1x32xi32, #tpu.memory_space<vmem>> -> memref<32xi32, #tpu.memory_space<vmem>>
          %dma_wait3A_102 = arith.constant 0 : i32
          %dma_wait3A_103 = arith.constant 0 : i32
          %dma_wait3A_104 = tpu.memref_slice %arg13[%dma_wait3A_102, %dma_wait3A_103] : memref<10112x128xf32, #tpu.memory_space<vmem_shared>> -> memref<10112x128xf32, #tpu.memory_space<vmem_shared>>
          tpu.wait_indirect_dma semaphore(%run_scoped3A : memref<!tpu.dma_semaphore, #tpu.memory_space<semaphore_mem>>) src(%arg9 : memref<32x128xf32, #tpu.memory_space<vmem>>) dst(%dma_wait3A_104 : memref<10112x128xf32, #tpu.memory_space<vmem_shared>>)
          tpu.yield
        }) : () -> ()
        %dma_wait3A_52 = arith.constant 0 : i32
        %dma_wait3A_53 = arith.constant 0 : i32
        %dma_wait3A_54 = tpu.memref_slice %arg7[%dma_wait3A_52, %dma_wait3A_53] : memref<104x128xi32, #tpu.memory_space<vmem>> -> memref<1x32xi32, #tpu.memory_space<vmem>>
        %dma_wait3A_55 = tpu.memref_squeeze %dma_wait3A_54 : memref<1x32xi32, #tpu.memory_space<vmem>> -> memref<32xi32, #tpu.memory_space<vmem>>
        %dma_wait3A_56 = arith.constant 0 : i32
        %dma_wait3A_57 = arith.constant 0 : i32
        %dma_wait3A_58 = tpu.memref_slice %arg2[%dma_wait3A_56, %dma_wait3A_57] : memref<10000x128xf32, #tpu.memory_space<hbm>> -> memref<10000x128xf32, #tpu.memory_space<hbm>>
        tpu.wait_indirect_dma semaphore(%arg15 : memref<!tpu.dma_semaphore, #tpu.memory_space<semaphore_mem>>) src(%dma_wait3A_58 : memref<10000x128xf32, #tpu.memory_space<hbm>>) dst(%arg10 : memref<32x128xf32, #tpu.memory_space<vmem>>)
        %add3A_59 = arith.constant 1 : i32
        %add3A_60 = arith.addi %add3A_39, %add3A_59 : i32
        %lt3A = arith.constant 54 : i32
        %lt3A_61 = arith.cmpi slt, %add3A_60, %lt3A : i32
        %convert_element_type3A_62 = arith.extui %lt3A_61 : i1 to i32
        %cond3A_63 = arith.constant 0 : i32
        %cond3A_64 = arith.cmpi ne, %convert_element_type3A_62, %cond3A_63 : i32
        scf.if %cond3A_64 {
          %add3A_93 = arith.constant 1 : i32
          %add3A_94 = arith.addi %add3A_39, %add3A_93 : i32
          %dma_start3A_95 = arith.constant 0 : i32
          %dma_start3A_96 = tpu.memref_slice %arg7[%add3A_94, %dma_start3A_95] : memref<104x128xi32, #tpu.memory_space<vmem>> -> memref<1x32xi32, #tpu.memory_space<vmem>>
          %dma_start3A_97 = tpu.memref_squeeze %dma_start3A_96 : memref<1x32xi32, #tpu.memory_space<vmem>> -> memref<32xi32, #tpu.memory_space<vmem>>
          %dma_start3A_98 = arith.constant 0 : i32
          %dma_start3A_99 = arith.constant 0 : i32
          %dma_start3A_100 = tpu.memref_slice %arg2[%dma_start3A_98, %dma_start3A_99] : memref<10000x128xf32, #tpu.memory_space<hbm>> -> memref<10000x128xf32, #tpu.memory_space<hbm>>
          tpu.enqueue_indirect_dma source(%dma_start3A_100 : memref<10000x128xf32, #tpu.memory_space<hbm>>) target(%arg9 : memref<32x128xf32, #tpu.memory_space<vmem>>) offsets(%dma_start3A_97 : memref<32xi32, #tpu.memory_space<vmem>>) semaphore(%arg14 : memref<!tpu.dma_semaphore, #tpu.memory_space<semaphore_mem>>)
        } else {
        }
        "tpu.region"() ({
          %run_scoped3A = tpu.sem_alloc : memref<!tpu.dma_semaphore, #tpu.memory_space<semaphore_mem>>
          %dma_start3A_93 = arith.constant 32 : i32
          %dma_start3A_94 = tpu.memref_slice %arg8[%add3A_39, %dma_start3A_93] : memref<104x128xi32, #tpu.memory_space<vmem>> -> memref<1x32xi32, #tpu.memory_space<vmem>>
          %dma_start3A_95 = tpu.memref_squeeze %dma_start3A_94 : memref<1x32xi32, #tpu.memory_space<vmem>> -> memref<32xi32, #tpu.memory_space<vmem>>
          %dma_start3A_96 = arith.constant 0 : i32
          %dma_start3A_97 = arith.constant 0 : i32
          %dma_start3A_98 = tpu.memref_slice %arg13[%dma_start3A_96, %dma_start3A_97] : memref<10112x128xf32, #tpu.memory_space<vmem_shared>> -> memref<10112x128xf32, #tpu.memory_space<vmem_shared>>
          tpu.enqueue_indirect_dma source(%arg10 : memref<32x128xf32, #tpu.memory_space<vmem>>) target(%dma_start3A_98 : memref<10112x128xf32, #tpu.memory_space<vmem_shared>>) offsets(%dma_start3A_95 : memref<32xi32, #tpu.memory_space<vmem>>) semaphore(%run_scoped3A : memref<!tpu.dma_semaphore, #tpu.memory_space<semaphore_mem>>) {add = true}
          %dma_wait3A_99 = arith.constant 32 : i32
          %dma_wait3A_100 = tpu.memref_slice %arg8[%add3A_39, %dma_wait3A_99] : memref<104x128xi32, #tpu.memory_space<vmem>> -> memref<1x32xi32, #tpu.memory_space<vmem>>
          %dma_wait3A_101 = tpu.memref_squeeze %dma_wait3A_100 : memref<1x32xi32, #tpu.memory_space<vmem>> -> memref<32xi32, #tpu.memory_space<vmem>>
          %dma_wait3A_102 = arith.constant 0 : i32
          %dma_wait3A_103 = arith.constant 0 : i32
          %dma_wait3A_104 = tpu.memref_slice %arg13[%dma_wait3A_102, %dma_wait3A_103] : memref<10112x128xf32, #tpu.memory_space<vmem_shared>> -> memref<10112x128xf32, #tpu.memory_space<vmem_shared>>
          tpu.wait_indirect_dma semaphore(%run_scoped3A : memref<!tpu.dma_semaphore, #tpu.memory_space<semaphore_mem>>) src(%arg10 : memref<32x128xf32, #tpu.memory_space<vmem>>) dst(%dma_wait3A_104 : memref<10112x128xf32, #tpu.memory_space<vmem_shared>>)
          tpu.yield
        }) : () -> ()
        %dma_wait3A_65 = arith.constant 0 : i32
        %dma_wait3A_66 = arith.constant 0 : i32
        %dma_wait3A_67 = tpu.memref_slice %arg7[%dma_wait3A_65, %dma_wait3A_66] : memref<104x128xi32, #tpu.memory_space<vmem>> -> memref<1x32xi32, #tpu.memory_space<vmem>>
        %dma_wait3A_68 = tpu.memref_squeeze %dma_wait3A_67 : memref<1x32xi32, #tpu.memory_space<vmem>> -> memref<32xi32, #tpu.memory_space<vmem>>
        %dma_wait3A_69 = arith.constant 0 : i32
        %dma_wait3A_70 = arith.constant 0 : i32
        %dma_wait3A_71 = tpu.memref_slice %arg2[%dma_wait3A_69, %dma_wait3A_70] : memref<10000x128xf32, #tpu.memory_space<hbm>> -> memref<10000x128xf32, #tpu.memory_space<hbm>>
        tpu.wait_indirect_dma semaphore(%arg16 : memref<!tpu.dma_semaphore, #tpu.memory_space<semaphore_mem>>) src(%dma_wait3A_71 : memref<10000x128xf32, #tpu.memory_space<hbm>>) dst(%arg11 : memref<32x128xf32, #tpu.memory_space<vmem>>)
        %add3A_72 = arith.constant 1 : i32
        %add3A_73 = arith.addi %add3A_39, %add3A_72 : i32
        %lt3A_74 = arith.constant 54 : i32
        %lt3A_75 = arith.cmpi slt, %add3A_73, %lt3A_74 : i32
        %convert_element_type3A_76 = arith.extui %lt3A_75 : i1 to i32
        %cond3A_77 = arith.constant 0 : i32
        %cond3A_78 = arith.cmpi ne, %convert_element_type3A_76, %cond3A_77 : i32
        scf.if %cond3A_78 {
          %add3A_93 = arith.constant 1 : i32
          %add3A_94 = arith.addi %add3A_39, %add3A_93 : i32
          %dma_start3A_95 = arith.constant 32 : i32
          %dma_start3A_96 = tpu.memref_slice %arg7[%add3A_94, %dma_start3A_95] : memref<104x128xi32, #tpu.memory_space<vmem>> -> memref<1x32xi32, #tpu.memory_space<vmem>>
          %dma_start3A_97 = tpu.memref_squeeze %dma_start3A_96 : memref<1x32xi32, #tpu.memory_space<vmem>> -> memref<32xi32, #tpu.memory_space<vmem>>
          %dma_start3A_98 = arith.constant 0 : i32
          %dma_start3A_99 = arith.constant 0 : i32
          %dma_start3A_100 = tpu.memref_slice %arg2[%dma_start3A_98, %dma_start3A_99] : memref<10000x128xf32, #tpu.memory_space<hbm>> -> memref<10000x128xf32, #tpu.memory_space<hbm>>
          tpu.enqueue_indirect_dma source(%dma_start3A_100 : memref<10000x128xf32, #tpu.memory_space<hbm>>) target(%arg10 : memref<32x128xf32, #tpu.memory_space<vmem>>) offsets(%dma_start3A_97 : memref<32xi32, #tpu.memory_space<vmem>>) semaphore(%arg15 : memref<!tpu.dma_semaphore, #tpu.memory_space<semaphore_mem>>)
        } else {
        }
        "tpu.region"() ({
          %run_scoped3A = tpu.sem_alloc : memref<!tpu.dma_semaphore, #tpu.memory_space<semaphore_mem>>
          %dma_start3A_93 = arith.constant 64 : i32
          %dma_start3A_94 = tpu.memref_slice %arg8[%add3A_39, %dma_start3A_93] : memref<104x128xi32, #tpu.memory_space<vmem>> -> memref<1x32xi32, #tpu.memory_space<vmem>>
          %dma_start3A_95 = tpu.memref_squeeze %dma_start3A_94 : memref<1x32xi32, #tpu.memory_space<vmem>> -> memref<32xi32, #tpu.memory_space<vmem>>
          %dma_start3A_96 = arith.constant 0 : i32
          %dma_start3A_97 = arith.constant 0 : i32
          %dma_start3A_98 = tpu.memref_slice %arg13[%dma_start3A_96, %dma_start3A_97] : memref<10112x128xf32, #tpu.memory_space<vmem_shared>> -> memref<10112x128xf32, #tpu.memory_space<vmem_shared>>
          tpu.enqueue_indirect_dma source(%arg11 : memref<32x128xf32, #tpu.memory_space<vmem>>) target(%dma_start3A_98 : memref<10112x128xf32, #tpu.memory_space<vmem_shared>>) offsets(%dma_start3A_95 : memref<32xi32, #tpu.memory_space<vmem>>) semaphore(%run_scoped3A : memref<!tpu.dma_semaphore, #tpu.memory_space<semaphore_mem>>) {add = true}
          %dma_wait3A_99 = arith.constant 64 : i32
          %dma_wait3A_100 = tpu.memref_slice %arg8[%add3A_39, %dma_wait3A_99] : memref<104x128xi32, #tpu.memory_space<vmem>> -> memref<1x32xi32, #tpu.memory_space<vmem>>
          %dma_wait3A_101 = tpu.memref_squeeze %dma_wait3A_100 : memref<1x32xi32, #tpu.memory_space<vmem>> -> memref<32xi32, #tpu.memory_space<vmem>>
          %dma_wait3A_102 = arith.constant 0 : i32
          %dma_wait3A_103 = arith.constant 0 : i32
          %dma_wait3A_104 = tpu.memref_slice %arg13[%dma_wait3A_102, %dma_wait3A_103] : memref<10112x128xf32, #tpu.memory_space<vmem_shared>> -> memref<10112x128xf32, #tpu.memory_space<vmem_shared>>
          tpu.wait_indirect_dma semaphore(%run_scoped3A : memref<!tpu.dma_semaphore, #tpu.memory_space<semaphore_mem>>) src(%arg11 : memref<32x128xf32, #tpu.memory_space<vmem>>) dst(%dma_wait3A_104 : memref<10112x128xf32, #tpu.memory_space<vmem_shared>>)
          tpu.yield
        }) : () -> ()
        %dma_wait3A_79 = arith.constant 0 : i32
        %dma_wait3A_80 = arith.constant 0 : i32
        %dma_wait3A_81 = tpu.memref_slice %arg7[%dma_wait3A_79, %dma_wait3A_80] : memref<104x128xi32, #tpu.memory_space<vmem>> -> memref<1x32xi32, #tpu.memory_space<vmem>>
        %dma_wait3A_82 = tpu.memref_squeeze %dma_wait3A_81 : memref<1x32xi32, #tpu.memory_space<vmem>> -> memref<32xi32, #tpu.memory_space<vmem>>
        %dma_wait3A_83 = arith.constant 0 : i32
        %dma_wait3A_84 = arith.constant 0 : i32
        %dma_wait3A_85 = tpu.memref_slice %arg2[%dma_wait3A_83, %dma_wait3A_84] : memref<10000x128xf32, #tpu.memory_space<hbm>> -> memref<10000x128xf32, #tpu.memory_space<hbm>>
        tpu.wait_indirect_dma semaphore(%arg17 : memref<!tpu.dma_semaphore, #tpu.memory_space<semaphore_mem>>) src(%dma_wait3A_85 : memref<10000x128xf32, #tpu.memory_space<hbm>>) dst(%arg12 : memref<32x128xf32, #tpu.memory_space<vmem>>)
        %add3A_86 = arith.constant 1 : i32
        %add3A_87 = arith.addi %add3A_39, %add3A_86 : i32
        %lt3A_88 = arith.constant 54 : i32
        %lt3A_89 = arith.cmpi slt, %add3A_87, %lt3A_88 : i32
        %convert_element_type3A_90 = arith.extui %lt3A_89 : i1 to i32
        %cond3A_91 = arith.constant 0 : i32
        %cond3A_92 = arith.cmpi ne, %convert_element_type3A_90, %cond3A_91 : i32
        scf.if %cond3A_92 {
          %add3A_93 = arith.constant 1 : i32
          %add3A_94 = arith.addi %add3A_39, %add3A_93 : i32
          %dma_start3A_95 = arith.constant 64 : i32
          %dma_start3A_96 = tpu.memref_slice %arg7[%add3A_94, %dma_start3A_95] : memref<104x128xi32, #tpu.memory_space<vmem>> -> memref<1x32xi32, #tpu.memory_space<vmem>>
          %dma_start3A_97 = tpu.memref_squeeze %dma_start3A_96 : memref<1x32xi32, #tpu.memory_space<vmem>> -> memref<32xi32, #tpu.memory_space<vmem>>
          %dma_start3A_98 = arith.constant 0 : i32
          %dma_start3A_99 = arith.constant 0 : i32
          %dma_start3A_100 = tpu.memref_slice %arg2[%dma_start3A_98, %dma_start3A_99] : memref<10000x128xf32, #tpu.memory_space<hbm>> -> memref<10000x128xf32, #tpu.memory_space<hbm>>
          tpu.enqueue_indirect_dma source(%dma_start3A_100 : memref<10000x128xf32, #tpu.memory_space<hbm>>) target(%arg11 : memref<32x128xf32, #tpu.memory_space<vmem>>) offsets(%dma_start3A_97 : memref<32xi32, #tpu.memory_space<vmem>>) semaphore(%arg16 : memref<!tpu.dma_semaphore, #tpu.memory_space<semaphore_mem>>)
        } else {
        }
        "tpu.region"() ({
          %run_scoped3A = tpu.sem_alloc : memref<!tpu.dma_semaphore, #tpu.memory_space<semaphore_mem>>
          %dma_start3A_93 = arith.constant 96 : i32
          %dma_start3A_94 = tpu.memref_slice %arg8[%add3A_39, %dma_start3A_93] : memref<104x128xi32, #tpu.memory_space<vmem>> -> memref<1x32xi32, #tpu.memory_space<vmem>>
          %dma_start3A_95 = tpu.memref_squeeze %dma_start3A_94 : memref<1x32xi32, #tpu.memory_space<vmem>> -> memref<32xi32, #tpu.memory_space<vmem>>
          %dma_start3A_96 = arith.constant 0 : i32
          %dma_start3A_97 = arith.constant 0 : i32
          %dma_start3A_98 = tpu.memref_slice %arg13[%dma_start3A_96, %dma_start3A_97] : memref<10112x128xf32, #tpu.memory_space<vmem_shared>> -> memref<10112x128xf32, #tpu.memory_space<vmem_shared>>
          tpu.enqueue_indirect_dma source(%arg12 : memref<32x128xf32, #tpu.memory_space<vmem>>) target(%dma_start3A_98 : memref<10112x128xf32, #tpu.memory_space<vmem_shared>>) offsets(%dma_start3A_95 : memref<32xi32, #tpu.memory_space<vmem>>) semaphore(%run_scoped3A : memref<!tpu.dma_semaphore, #tpu.memory_space<semaphore_mem>>) {add = true}
          %dma_wait3A_99 = arith.constant 96 : i32
          %dma_wait3A_100 = tpu.memref_slice %arg8[%add3A_39, %dma_wait3A_99] : memref<104x128xi32, #tpu.memory_space<vmem>> -> memref<1x32xi32, #tpu.memory_space<vmem>>
          %dma_wait3A_101 = tpu.memref_squeeze %dma_wait3A_100 : memref<1x32xi32, #tpu.memory_space<vmem>> -> memref<32xi32, #tpu.memory_space<vmem>>
          %dma_wait3A_102 = arith.constant 0 : i32
          %dma_wait3A_103 = arith.constant 0 : i32
          %dma_wait3A_104 = tpu.memref_slice %arg13[%dma_wait3A_102, %dma_wait3A_103] : memref<10112x128xf32, #tpu.memory_space<vmem_shared>> -> memref<10112x128xf32, #tpu.memory_space<vmem_shared>>
          tpu.wait_indirect_dma semaphore(%run_scoped3A : memref<!tpu.dma_semaphore, #tpu.memory_space<semaphore_mem>>) src(%arg12 : memref<32x128xf32, #tpu.memory_space<vmem>>) dst(%dma_wait3A_104 : memref<10112x128xf32, #tpu.memory_space<vmem_shared>>)
          tpu.yield
        }) : () -> ()
      }
      %scan3A_34 = arith.constant 54 : i32
    } else {
    }
    %barrier3A_10 = arith.constant 0 : index
    tpu.barrier barrier_id(%barrier3A_10)
    "tpu.region"() ({
      %run_scoped3A = tpu.sem_alloc : memref<!tpu.dma_semaphore, #tpu.memory_space<semaphore_mem>>
      %dma_start3A = arith.constant 0 : i32
      %dma_start3A_11 = arith.constant 0 : i32
      %dma_start3A_12 = tpu.memref_slice %arg6[%arg0, %dma_start3A, %dma_start3A_11] : memref<2x10112x128xf32, #tpu.memory_space<hbm>> -> memref<1x10112x128xf32, #tpu.memory_space<hbm>>
      %dma_start3A_13 = tpu.memref_squeeze %dma_start3A_12 : memref<1x10112x128xf32, #tpu.memory_space<hbm>> -> memref<10112x128xf32, #tpu.memory_space<hbm>>
      %dma_start3A_14 = arith.constant 0 : i32
      %dma_start3A_15 = tpu.memref_slice %dma_start3A_13[%mul3A_2, %dma_start3A_14] : memref<10112x128xf32, #tpu.memory_space<hbm>> -> memref<632x128xf32, #tpu.memory_space<hbm>>
      %dma_start3A_16 = arith.constant 0 : i32
      %dma_start3A_17 = tpu.memref_slice %arg13[%mul3A_2, %dma_start3A_16] : memref<10112x128xf32, #tpu.memory_space<vmem_shared>> -> memref<632x128xf32, #tpu.memory_space<vmem_shared>>
      tpu.enqueue_dma source(%dma_start3A_17 : memref<632x128xf32, #tpu.memory_space<vmem_shared>>) target(%dma_start3A_15 : memref<632x128xf32, #tpu.memory_space<hbm>>) target_semaphore(%run_scoped3A : memref<!tpu.dma_semaphore, #tpu.memory_space<semaphore_mem>>)
      %dma_wait3A = arith.constant 0 : i32
      %dma_wait3A_18 = arith.constant 0 : i32
      %dma_wait3A_19 = tpu.memref_slice %arg6[%arg0, %dma_wait3A, %dma_wait3A_18] : memref<2x10112x128xf32, #tpu.memory_space<hbm>> -> memref<1x10112x128xf32, #tpu.memory_space<hbm>>
      %dma_wait3A_20 = tpu.memref_squeeze %dma_wait3A_19 : memref<1x10112x128xf32, #tpu.memory_space<hbm>> -> memref<10112x128xf32, #tpu.memory_space<hbm>>
      %dma_wait3A_21 = arith.constant 0 : i32
      %dma_wait3A_22 = tpu.memref_slice %dma_wait3A_20[%mul3A_2, %dma_wait3A_21] : memref<10112x128xf32, #tpu.memory_space<hbm>> -> memref<632x128xf32, #tpu.memory_space<hbm>>
      %dma_wait3A_23 = arith.constant 0 : i32
      %dma_wait3A_24 = tpu.memref_slice %arg13[%mul3A_2, %dma_wait3A_23] : memref<10112x128xf32, #tpu.memory_space<vmem_shared>> -> memref<632x128xf32, #tpu.memory_space<vmem_shared>>
      tpu.wait_dma2 semaphore(%run_scoped3A : memref<!tpu.dma_semaphore, #tpu.memory_space<semaphore_mem>>) src(%dma_wait3A_24 : memref<632x128xf32, #tpu.memory_space<vmem_shared>>) dst(%dma_wait3A_22 : memref<632x128xf32, #tpu.memory_space<hbm>>)
      tpu.yield
    }) : () -> ()
    return
  }
}

module attributes {stable_mosaic.version = 14 : i64} {
  func.func @_tc_prep(%arg0: i32, %arg1: memref<1000x128xf32, #tpu.memory_space<vmem>>, %arg2: memref<128x128xf32, #tpu.memory_space<vmem>>, %arg3: memref<2x1000x128xf32, #tpu.memory_space<vmem>>, %arg4: memref<1000x1xf32, #tpu.memory_space<vmem>>, %arg5: memref<1000x128xf32, #tpu.memory_space<vmem>>) attributes {dimension_semantics = [#tpu.dimension_semantics<arbitrary>], iteration_bounds = array<i64: 10>, scalar_prefetch = 0 : i64, scratch_operands = 0 : i64, tpu.core_type = #tpu.core_type<tc>, window_params = [{transform_indices = @transform_0, window_bounds = array<i64: 1000, 128>}, {pipeline_mode = #tpu.pipeline_mode<synchronous>, transform_indices = @transform_1, window_bounds = array<i64: 128, 128>}, {transform_indices = @transform_2, window_bounds = array<i64: 2, 1000, 128>}, {transform_indices = @transform_3, window_bounds = array<i64: 1000, 1>}, {transform_indices = @transform_4, window_bounds = array<i64: 1000, 128>}]} {
    %get3A = arith.constant 0 : index
    %get3A_0 = arith.constant 0 : index
    %get3A_1 = arith.constant 0 : index
    %get3A_2 = vector.load %arg3[%get3A, %get3A_0, %get3A_1] : memref<2x1000x128xf32, #tpu.memory_space<vmem>>, vector<2x1000x128xf32>
    %slice3A = vector.extract_strided_slice %get3A_2 {offsets = [0, 0, 0], sizes = [1, 1000, 1], strides = [1, 1, 1]} : vector<2x1000x128xf32> to vector<1x1000x1xf32>
    %squeeze3A = vector.shape_cast %slice3A : vector<1x1000x1xf32> to vector<1000x1xf32>
    %add3A = arith.constant 1.000000e+00 : f32
    %add3A_3 = vector.broadcast %add3A : f32 to vector<1000x1xf32>
    %add3A_4 = arith.addf %add3A_3, %squeeze3A : vector<1000x1xf32>
    %slice3A_5 = vector.extract_strided_slice %get3A_2 {offsets = [1, 0, 0], sizes = [1, 1000, 1], strides = [1, 1, 1]} : vector<2x1000x128xf32> to vector<1x1000x1xf32>
    %squeeze3A_6 = vector.shape_cast %slice3A_5 : vector<1x1000x1xf32> to vector<1000x1xf32>
    %add3A_7 = arith.addf %add3A_4, %squeeze3A_6 : vector<1000x1xf32>
    %rsqrt3A = math.rsqrt %add3A_7 : vector<1000x1xf32>
    %swap3A = arith.constant 0 : index
    %swap3A_8 = arith.constant 0 : index
    %swap3A_9 = vector.load %arg4[%swap3A, %swap3A_8] : memref<1000x1xf32, #tpu.memory_space<vmem>>, vector<1000x1xf32>
    tpu.vector_store %arg4[%swap3A, %swap3A_8], %rsqrt3A {strides = array<i32>} : memref<1000x1xf32, #tpu.memory_space<vmem>>, vector<1000x1xf32>,
    %get3A_10 = arith.constant 0 : index
    %get3A_11 = arith.constant 0 : index
    %get3A_12 = vector.load %arg1[%get3A_10, %get3A_11] : memref<1000x128xf32, #tpu.memory_space<vmem>>, vector<1000x128xf32>
    %get3A_13 = arith.constant 0 : index
    %get3A_14 = arith.constant 0 : index
    %get3A_15 = vector.load %arg2[%get3A_13, %get3A_14] : memref<128x128xf32, #tpu.memory_space<vmem>>, vector<128x128xf32>
    %dot_general3A = arith.constant dense<0.000000e+00> : vector<1000x128xf32>
    %dot_general3A_16 = tpu.matmul %get3A_12, %get3A_15, %dot_general3A {dimension_numbers = #tpu.dot_dimension_numbers<[1], [0], [0], [1], [0, 0, 1, 1], [], []>, transpose_lhs_hint = false} : vector<1000x128xf32>, vector<128x128xf32>, vector<1000x128xf32> -> vector<1000x128xf32>
    %mul3A = vector.broadcast %rsqrt3A : vector<1000x1xf32> to vector<1000x128xf32>
    %mul3A_17 = arith.mulf %dot_general3A_16, %mul3A : vector<1000x128xf32>
    %swap3A_18 = arith.constant 0 : index
    %swap3A_19 = arith.constant 0 : index
    %swap3A_20 = vector.load %arg5[%swap3A_18, %swap3A_19] : memref<1000x128xf32, #tpu.memory_space<vmem>>, vector<1000x128xf32>
    tpu.vector_store %arg5[%swap3A_18, %swap3A_19], %mul3A_17 {strides = array<i32>} : memref<1000x128xf32, #tpu.memory_space<vmem>>, vector<1000x128xf32>,
    return
  }
  func.func @transform_0(%arg0: i32) -> (i32, i32) {
    %c0_i32 = arith.constant 0 : i32
    %c0_i32_0 = arith.constant 0 : i32
    return %arg0, %c0_i32 : i32, i32
  }
  func.func @transform_1(%arg0: i32) -> (i32, i32) {
    %c0_i32 = arith.constant 0 : i32
    %c0_i32_0 = arith.constant 0 : i32
    %c0_i32_1 = arith.constant 0 : i32
    return %c0_i32, %c0_i32_0 : i32, i32
  }
  func.func @transform_2(%arg0: i32) -> (i32, i32, i32) {
    %c0_i32 = arith.constant 0 : i32
    %c0_i32_0 = arith.constant 0 : i32
    %c0_i32_1 = arith.constant 0 : i32
    return %c0_i32, %arg0, %c0_i32_0 : i32, i32, i32
  }
  func.func @transform_3(%arg0: i32) -> (i32, i32) {
    %c0_i32 = arith.constant 0 : i32
    %c0_i32_0 = arith.constant 0 : i32
    return %arg0, %c0_i32 : i32, i32
  }
  func.func @transform_4(%arg0: i32) -> (i32, i32) {
    %c0_i32 = arith.constant 0 : i32
    %c0_i32_0 = arith.constant 0 : i32
    return %arg0, %c0_i32 : i32, i32
  }
}

module attributes {stable_mosaic.version = 14 : i64} {
  func.func @_tc_mid(%arg0: i32, %arg1: memref<2x1000x128xf32, #tpu.memory_space<vmem>>, %arg2: memref<1000x128xf32, #tpu.memory_space<vmem>>, %arg3: memref<1000x1xf32, #tpu.memory_space<vmem>>, %arg4: memref<1x128xf32, #tpu.memory_space<vmem>>, %arg5: memref<128x64xf32, #tpu.memory_space<vmem>>, %arg6: memref<1000x128xf32, #tpu.memory_space<vmem>>) attributes {dimension_semantics = [#tpu.dimension_semantics<arbitrary>], iteration_bounds = array<i64: 10>, scalar_prefetch = 0 : i64, scratch_operands = 0 : i64, tpu.core_type = #tpu.core_type<tc>, window_params = [{transform_indices = @transform_0, window_bounds = array<i64: 2, 1000, 128>}, {transform_indices = @transform_1, window_bounds = array<i64: 1000, 128>}, {transform_indices = @transform_2, window_bounds = array<i64: 1000, 1>}, {pipeline_mode = #tpu.pipeline_mode<synchronous>, transform_indices = @transform_3, window_bounds = array<i64: 1, 128>}, {pipeline_mode = #tpu.pipeline_mode<synchronous>, transform_indices = @transform_4, window_bounds = array<i64: 128, 64>}, {transform_indices = @transform_5, window_bounds = array<i64: 1000, 128>}]} {
    %get3A = arith.constant 0 : index
    %get3A_0 = arith.constant 0 : index
    %get3A_1 = arith.constant 0 : index
    %get3A_2 = vector.load %arg1[%get3A, %get3A_0, %get3A_1] : memref<2x1000x128xf32, #tpu.memory_space<vmem>>, vector<1x1000x128xf32>
    %get3A_3 = vector.shape_cast %get3A_2 : vector<1x1000x128xf32> to vector<1000x128xf32>
    %get3A_4 = arith.constant 1 : index
    %get3A_5 = arith.constant 0 : index
    %get3A_6 = arith.constant 0 : index
    %get3A_7 = vector.load %arg1[%get3A_4, %get3A_5, %get3A_6] : memref<2x1000x128xf32, #tpu.memory_space<vmem>>, vector<1x1000x128xf32>
    %get3A_8 = vector.shape_cast %get3A_7 : vector<1x1000x128xf32> to vector<1000x128xf32>
    %add3A = arith.addf %get3A_3, %get3A_8 : vector<1000x128xf32>
    %get3A_9 = arith.constant 0 : index
    %get3A_10 = arith.constant 0 : index
    %get3A_11 = vector.load %arg3[%get3A_9, %get3A_10] : memref<1000x1xf32, #tpu.memory_space<vmem>>, vector<1000x1xf32>
    %get3A_12 = arith.constant 0 : index
    %get3A_13 = arith.constant 0 : index
    %get3A_14 = vector.load %arg2[%get3A_12, %get3A_13] : memref<1000x128xf32, #tpu.memory_space<vmem>>, vector<1000x128xf32>
    %add3A_15 = arith.addf %add3A, %get3A_14 : vector<1000x128xf32>
    %mul3A = vector.broadcast %get3A_11 : vector<1000x1xf32> to vector<1000x128xf32>
    %mul3A_16 = arith.mulf %mul3A, %add3A_15 : vector<1000x128xf32>
    %get3A_17 = arith.constant 0 : index
    %get3A_18 = arith.constant 0 : index
    %get3A_19 = vector.load %arg4[%get3A_17, %get3A_18] : memref<1x128xf32, #tpu.memory_space<vmem>>, vector<1x128xf32>
    %add3A_20 = vector.broadcast %get3A_19 : vector<1x128xf32> to vector<1000x128xf32>
    %add3A_21 = arith.addf %mul3A_16, %add3A_20 : vector<1000x128xf32>
    %max3A = arith.constant 0.000000e+00 : f32
    %max3A_22 = vector.broadcast %max3A : f32 to vector<1000x128xf32>
    %max3A_23 = arith.maximumf %add3A_21, %max3A_22 : vector<1000x128xf32>
    %get3A_24 = arith.constant 0 : index
    %get3A_25 = arith.constant 0 : index
    %get3A_26 = vector.load %arg5[%get3A_24, %get3A_25] : memref<128x64xf32, #tpu.memory_space<vmem>>, vector<128x64xf32>
    %dot_general3A = arith.constant dense<0.000000e+00> : vector<1000x64xf32>
    %dot_general3A_27 = tpu.matmul %max3A_23, %get3A_26, %dot_general3A {dimension_numbers = #tpu.dot_dimension_numbers<[1], [0], [0], [1], [0, 0, 1, 1], [], []>, transpose_lhs_hint = false} : vector<1000x128xf32>, vector<128x64xf32>, vector<1000x64xf32> -> vector<1000x64xf32>
    %mul3A_28 = vector.broadcast %get3A_11 : vector<1000x1xf32> to vector<1000x64xf32>
    %mul3A_29 = arith.mulf %dot_general3A_27, %mul3A_28 : vector<1000x64xf32>
    %broadcast_in_dim3A = arith.constant 0.000000e+00 : f32
    %broadcast_in_dim3A_30 = vector.broadcast %broadcast_in_dim3A : f32 to vector<1000x64xf32>
    %concatenate3A = tpu.concatenate %mul3A_29, %broadcast_in_dim3A_30 in 1 : vector<1000x64xf32>, vector<1000x64xf32> -> vector<1000x128xf32>
    %swap3A = arith.constant 0 : index
    %swap3A_31 = arith.constant 0 : index
    %swap3A_32 = vector.load %arg6[%swap3A, %swap3A_31] : memref<1000x128xf32, #tpu.memory_space<vmem>>, vector<1000x128xf32>
    tpu.vector_store %arg6[%swap3A, %swap3A_31], %concatenate3A {strides = array<i32>} : memref<1000x128xf32, #tpu.memory_space<vmem>>, vector<1000x128xf32>,
    return
  }
  func.func @transform_0(%arg0: i32) -> (i32, i32, i32) {
    %c0_i32 = arith.constant 0 : i32
    %c0_i32_0 = arith.constant 0 : i32
    %c0_i32_1 = arith.constant 0 : i32
    return %c0_i32, %arg0, %c0_i32_0 : i32, i32, i32
  }
  func.func @transform_1(%arg0: i32) -> (i32, i32) {
    %c0_i32 = arith.constant 0 : i32
    %c0_i32_0 = arith.constant 0 : i32
    return %arg0, %c0_i32 : i32, i32
  }
  func.func @transform_2(%arg0: i32) -> (i32, i32) {
    %c0_i32 = arith.constant 0 : i32
    %c0_i32_0 = arith.constant 0 : i32
    return %arg0, %c0_i32 : i32, i32
  }
  func.func @transform_3(%arg0: i32) -> (i32, i32) {
    %c0_i32 = arith.constant 0 : i32
    %c0_i32_0 = arith.constant 0 : i32
    %c0_i32_1 = arith.constant 0 : i32
    return %c0_i32, %c0_i32_0 : i32, i32
  }
  func.func @transform_4(%arg0: i32) -> (i32, i32) {
    %c0_i32 = arith.constant 0 : i32
    %c0_i32_0 = arith.constant 0 : i32
    %c0_i32_1 = arith.constant 0 : i32
    return %c0_i32, %c0_i32_0 : i32, i32
  }
  func.func @transform_5(%arg0: i32) -> (i32, i32) {
    %c0_i32 = arith.constant 0 : i32
    %c0_i32_0 = arith.constant 0 : i32
    return %arg0, %c0_i32 : i32, i32
  }
}

module attributes {stable_mosaic.version = 14 : i64} {
  func.func @_tc_heads(%arg0: i32, %arg1: memref<2x1000x128xf32, #tpu.memory_space<vmem>>, %arg2: memref<1000x128xf32, #tpu.memory_space<vmem>>, %arg3: memref<1000x1xf32, #tpu.memory_space<vmem>>, %arg4: memref<1x32xf32, #tpu.memory_space<vmem>>, %arg5: memref<32x16xf32, #tpu.memory_space<vmem>>, %arg6: memref<1x16xf32, #tpu.memory_space<vmem>>, %arg7: memref<16x1xf32, #tpu.memory_space<vmem>>, %arg8: memref<1x1xf32, #tpu.memory_space<vmem>>, %arg9: memref<32x32xf32, #tpu.memory_space<vmem>>, %arg10: memref<1x32xf32, #tpu.memory_space<vmem>>, %arg11: memref<7x32xf32, #tpu.memory_space<vmem>>, %arg12: memref<1000x32xf32, #tpu.memory_space<vmem>>, %arg13: memref<1000x1xf32, #tpu.memory_space<vmem>>, %arg14: memref<1000x7xf32, #tpu.memory_space<vmem>>) attributes {dimension_semantics = [#tpu.dimension_semantics<arbitrary>], iteration_bounds = array<i64: 10>, scalar_prefetch = 0 : i64, scratch_operands = 0 : i64, tpu.core_type = #tpu.core_type<tc>, window_params = [{transform_indices = @transform_0, window_bounds = array<i64: 2, 1000, 128>}, {transform_indices = @transform_1, window_bounds = array<i64: 1000, 128>}, {transform_indices = @transform_2, window_bounds = array<i64: 1000, 1>}, {pipeline_mode = #tpu.pipeline_mode<synchronous>, transform_indices = @transform_3, window_bounds = array<i64: 1, 32>}, {pipeline_mode = #tpu.pipeline_mode<synchronous>, transform_indices = @transform_4, window_bounds = array<i64: 32, 16>}, {pipeline_mode = #tpu.pipeline_mode<synchronous>, transform_indices = @transform_5, window_bounds = array<i64: 1, 16>}, {pipeline_mode = #tpu.pipeline_mode<synchronous>, transform_indices = @transform_6, window_bounds = array<i64: 16, 1>}, {pipeline_mode = #tpu.pipeline_mode<synchronous>, transform_indices = @transform_7, window_bounds = array<i64: 1, 1>}, {pipeline_mode = #tpu.pipeline_mode<synchronous>, transform_indices = @transform_8, window_bounds = array<i64: 32, 32>}, {pipeline_mode = #tpu.pipeline_mode<synchronous>, transform_indices = @transform_9, window_bounds = array<i64: 1, 32>}, {pipeline_mode = #tpu.pipeline_mode<synchronous>, transform_indices = @transform_10, window_bounds = array<i64: 7, 32>}, {transform_indices = @transform_11, window_bounds = array<i64: 1000, 32>}, {transform_indices = @transform_12, window_bounds = array<i64: 1000, 1>}, {transform_indices = @transform_13, window_bounds = array<i64: 1000, 7>}]} {
    %get3A = arith.constant 0 : index
    %get3A_0 = arith.constant 0 : index
    %get3A_1 = arith.constant 0 : index
    %get3A_2 = vector.load %arg1[%get3A, %get3A_0, %get3A_1] : memref<2x1000x128xf32, #tpu.memory_space<vmem>>, vector<1x1000x32xf32>
    %get3A_3 = vector.shape_cast %get3A_2 : vector<1x1000x32xf32> to vector<1000x32xf32>
    %get3A_4 = arith.constant 1 : index
    %get3A_5 = arith.constant 0 : index
    %get3A_6 = arith.constant 0 : index
    %get3A_7 = vector.load %arg1[%get3A_4, %get3A_5, %get3A_6] : memref<2x1000x128xf32, #tpu.memory_space<vmem>>, vector<1x1000x32xf32>
    %get3A_8 = vector.shape_cast %get3A_7 : vector<1x1000x32xf32> to vector<1000x32xf32>
    %add3A = arith.addf %get3A_3, %get3A_8 : vector<1000x32xf32>
    %get3A_9 = arith.constant 0 : index
    %get3A_10 = arith.constant 0 : index
    %get3A_11 = vector.load %arg3[%get3A_9, %get3A_10] : memref<1000x1xf32, #tpu.memory_space<vmem>>, vector<1000x1xf32>
    %get3A_12 = arith.constant 0 : index
    %get3A_13 = arith.constant 0 : index
    %get3A_14 = vector.load %arg2[%get3A_12, %get3A_13] : memref<1000x128xf32, #tpu.memory_space<vmem>>, vector<1000x32xf32>
    %add3A_15 = arith.addf %add3A, %get3A_14 : vector<1000x32xf32>
    %mul3A = vector.broadcast %get3A_11 : vector<1000x1xf32> to vector<1000x32xf32>
    %mul3A_16 = arith.mulf %mul3A, %add3A_15 : vector<1000x32xf32>
    %get3A_17 = arith.constant 0 : index
    %get3A_18 = arith.constant 0 : index
    %get3A_19 = vector.load %arg4[%get3A_17, %get3A_18] : memref<1x32xf32, #tpu.memory_space<vmem>>, vector<1x32xf32>
    %add3A_20 = vector.broadcast %get3A_19 : vector<1x32xf32> to vector<1000x32xf32>
    %add3A_21 = arith.addf %mul3A_16, %add3A_20 : vector<1000x32xf32>
    %max3A = arith.constant 0.000000e+00 : f32
    %max3A_22 = vector.broadcast %max3A : f32 to vector<1000x32xf32>
    %max3A_23 = arith.maximumf %add3A_21, %max3A_22 : vector<1000x32xf32>
    %swap3A = arith.constant 0 : index
    %swap3A_24 = arith.constant 0 : index
    %swap3A_25 = vector.load %arg12[%swap3A, %swap3A_24] : memref<1000x32xf32, #tpu.memory_space<vmem>>, vector<1000x32xf32>
    tpu.vector_store %arg12[%swap3A, %swap3A_24], %max3A_23 {strides = array<i32>} : memref<1000x32xf32, #tpu.memory_space<vmem>>, vector<1000x32xf32>,
    %get3A_26 = arith.constant 0 : index
    %get3A_27 = arith.constant 0 : index
    %get3A_28 = vector.load %arg5[%get3A_26, %get3A_27] : memref<32x16xf32, #tpu.memory_space<vmem>>, vector<32x16xf32>
    %dot_general3A = arith.constant dense<0.000000e+00> : vector<1000x16xf32>
    %dot_general3A_29 = tpu.matmul %max3A_23, %get3A_28, %dot_general3A {dimension_numbers = #tpu.dot_dimension_numbers<[1], [0], [0], [1], [0, 0, 1, 1], [], []>, transpose_lhs_hint = false} : vector<1000x32xf32>, vector<32x16xf32>, vector<1000x16xf32> -> vector<1000x16xf32>
    %get3A_30 = arith.constant 0 : index
    %get3A_31 = arith.constant 0 : index
    %get3A_32 = vector.load %arg6[%get3A_30, %get3A_31] : memref<1x16xf32, #tpu.memory_space<vmem>>, vector<1x16xf32>
    %add3A_33 = vector.broadcast %get3A_32 : vector<1x16xf32> to vector<1000x16xf32>
    %add3A_34 = arith.addf %dot_general3A_29, %add3A_33 : vector<1000x16xf32>
    %max3A_35 = arith.constant 0.000000e+00 : f32
    %max3A_36 = vector.broadcast %max3A_35 : f32 to vector<1000x16xf32>
    %max3A_37 = arith.maximumf %add3A_34, %max3A_36 : vector<1000x16xf32>
    %get3A_38 = arith.constant 0 : index
    %get3A_39 = arith.constant 0 : index
    %get3A_40 = vector.load %arg7[%get3A_38, %get3A_39] : memref<16x1xf32, #tpu.memory_space<vmem>>, vector<16x1xf32>
    %dot_general3A_41 = arith.constant dense<0.000000e+00> : vector<1000x1xf32>
    %dot_general3A_42 = tpu.matmul %max3A_37, %get3A_40, %dot_general3A_41 {dimension_numbers = #tpu.dot_dimension_numbers<[1], [0], [0], [1], [0, 0, 1, 1], [], []>, transpose_lhs_hint = false} : vector<1000x16xf32>, vector<16x1xf32>, vector<1000x1xf32> -> vector<1000x1xf32>
    %get3A_43 = arith.constant 0 : index
    %get3A_44 = arith.constant 0 : index
    %get3A_45 = vector.load %arg8[%get3A_43, %get3A_44] : memref<1x1xf32, #tpu.memory_space<vmem>>, vector<1x1xf32>
    %add3A_46 = vector.broadcast %get3A_45 : vector<1x1xf32> to vector<1000x1xf32>
    %add3A_47 = arith.addf %dot_general3A_42, %add3A_46 : vector<1000x1xf32>
    %swap3A_48 = arith.constant 0 : index
    %swap3A_49 = arith.constant 0 : index
    %swap3A_50 = vector.load %arg13[%swap3A_48, %swap3A_49] : memref<1000x1xf32, #tpu.memory_space<vmem>>, vector<1000x1xf32>
    tpu.vector_store %arg13[%swap3A_48, %swap3A_49], %add3A_47 {strides = array<i32>} : memref<1000x1xf32, #tpu.memory_space<vmem>>, vector<1000x1xf32>,
    %get3A_51 = arith.constant 0 : index
    %get3A_52 = arith.constant 0 : index
    %get3A_53 = vector.load %arg9[%get3A_51, %get3A_52] : memref<32x32xf32, #tpu.memory_space<vmem>>, vector<32x32xf32>
    %dot_general3A_54 = arith.constant dense<0.000000e+00> : vector<1000x32xf32>
    %dot_general3A_55 = tpu.matmul %max3A_23, %get3A_53, %dot_general3A_54 {dimension_numbers = #tpu.dot_dimension_numbers<[1], [0], [0], [1], [0, 0, 1, 1], [], []>, transpose_lhs_hint = false} : vector<1000x32xf32>, vector<32x32xf32>, vector<1000x32xf32> -> vector<1000x32xf32>
    %get3A_56 = arith.constant 0 : index
    %get3A_57 = arith.constant 0 : index
    %get3A_58 = vector.load %arg10[%get3A_56, %get3A_57] : memref<1x32xf32, #tpu.memory_space<vmem>>, vector<1x32xf32>
    %add3A_59 = vector.broadcast %get3A_58 : vector<1x32xf32> to vector<1000x32xf32>
    %add3A_60 = arith.addf %dot_general3A_55, %add3A_59 : vector<1000x32xf32>
    %get3A_61 = arith.constant 0 : index
    %get3A_62 = arith.constant 0 : index
    %get3A_63 = vector.load %arg11[%get3A_61, %get3A_62] : memref<7x32xf32, #tpu.memory_space<vmem>>, vector<7x32xf32>
    %dot_general3A_64 = arith.constant dense<0.000000e+00> : vector<1000x7xf32>
    %dot_general3A_65 = tpu.matmul %add3A_60, %get3A_63, %dot_general3A_64 {dimension_numbers = #tpu.dot_dimension_numbers<[1], [1], [0], [0], [0, 0, 1, 0], [], []>, transpose_lhs_hint = false} : vector<1000x32xf32>, vector<7x32xf32>, vector<1000x7xf32> -> vector<1000x7xf32>
    %swap3A_66 = arith.constant 0 : index
    %swap3A_67 = arith.constant 0 : index
    %swap3A_68 = vector.load %arg14[%swap3A_66, %swap3A_67] : memref<1000x7xf32, #tpu.memory_space<vmem>>, vector<1000x7xf32>
    tpu.vector_store %arg14[%swap3A_66, %swap3A_67], %dot_general3A_65 {strides = array<i32>} : memref<1000x7xf32, #tpu.memory_space<vmem>>, vector<1000x7xf32>,
    return
  }
  func.func @transform_0(%arg0: i32) -> (i32, i32, i32) {
    %c0_i32 = arith.constant 0 : i32
    %c0_i32_0 = arith.constant 0 : i32
    %c0_i32_1 = arith.constant 0 : i32
    return %c0_i32, %arg0, %c0_i32_0 : i32, i32, i32
  }
  func.func @transform_1(%arg0: i32) -> (i32, i32) {
    %c0_i32 = arith.constant 0 : i32
    %c0_i32_0 = arith.constant 0 : i32
    return %arg0, %c0_i32 : i32, i32
  }
  func.func @transform_2(%arg0: i32) -> (i32, i32) {
    %c0_i32 = arith.constant 0 : i32
    %c0_i32_0 = arith.constant 0 : i32
    return %arg0, %c0_i32 : i32, i32
  }
  func.func @transform_3(%arg0: i32) -> (i32, i32) {
    %c0_i32 = arith.constant 0 : i32
    %c0_i32_0 = arith.constant 0 : i32
    %c0_i32_1 = arith.constant 0 : i32
    return %c0_i32, %c0_i32_0 : i32, i32
  }
  func.func @transform_4(%arg0: i32) -> (i32, i32) {
    %c0_i32 = arith.constant 0 : i32
    %c0_i32_0 = arith.constant 0 : i32
    %c0_i32_1 = arith.constant 0 : i32
    return %c0_i32, %c0_i32_0 : i32, i32
  }
  func.func @transform_5(%arg0: i32) -> (i32, i32) {
    %c0_i32 = arith.constant 0 : i32
    %c0_i32_0 = arith.constant 0 : i32
    %c0_i32_1 = arith.constant 0 : i32
    return %c0_i32, %c0_i32_0 : i32, i32
  }
  func.func @transform_6(%arg0: i32) -> (i32, i32) {
    %c0_i32 = arith.constant 0 : i32
    %c0_i32_0 = arith.constant 0 : i32
    %c0_i32_1 = arith.constant 0 : i32
    return %c0_i32, %c0_i32_0 : i32, i32
  }
  func.func @transform_7(%arg0: i32) -> (i32, i32) {
    %c0_i32 = arith.constant 0 : i32
    %c0_i32_0 = arith.constant 0 : i32
    %c0_i32_1 = arith.constant 0 : i32
    return %c0_i32, %c0_i32_0 : i32, i32
  }
  func.func @transform_8(%arg0: i32) -> (i32, i32) {
    %c0_i32 = arith.constant 0 : i32
    %c0_i32_0 = arith.constant 0 : i32
    %c0_i32_1 = arith.constant 0 : i32
    return %c0_i32, %c0_i32_0 : i32, i32
  }
  func.func @transform_9(%arg0: i32) -> (i32, i32) {
    %c0_i32 = arith.constant 0 : i32
    %c0_i32_0 = arith.constant 0 : i32
    %c0_i32_1 = arith.constant 0 : i32
    return %c0_i32, %c0_i32_0 : i32, i32
  }
  func.func @transform_10(%arg0: i32) -> (i32, i32) {
    %c0_i32 = arith.constant 0 : i32
    %c0_i32_0 = arith.constant 0 : i32
    %c0_i32_1 = arith.constant 0 : i32
    return %c0_i32, %c0_i32_0 : i32, i32
  }
  func.func @transform_11(%arg0: i32) -> (i32, i32) {
    %c0_i32 = arith.constant 0 : i32
    %c0_i32_0 = arith.constant 0 : i32
    return %arg0, %c0_i32 : i32, i32
  }
  func.func @transform_12(%arg0: i32) -> (i32, i32) {
    %c0_i32 = arith.constant 0 : i32
    %c0_i32_0 = arith.constant 0 : i32
    return %arg0, %c0_i32 : i32, i32
  }
  func.func @transform_13(%arg0: i32) -> (i32, i32) {
    %c0_i32 = arith.constant 0 : i32
    %c0_i32_0 = arith.constant 0 : i32
    return %arg0, %c0_i32 : i32, i32
  }
}

module attributes {stable_mosaic.version = 14 : i64} {
  func.func @_tc_mid(%arg0: i32, %arg1: memref<2x1000x128xf32, #tpu.memory_space<vmem>>, %arg2: memref<1000x128xf32, #tpu.memory_space<vmem>>, %arg3: memref<1000x1xf32, #tpu.memory_space<vmem>>, %arg4: memref<1x64xf32, #tpu.memory_space<vmem>>, %arg5: memref<64x32xf32, #tpu.memory_space<vmem>>, %arg6: memref<1000x128xf32, #tpu.memory_space<vmem>>) attributes {dimension_semantics = [#tpu.dimension_semantics<arbitrary>], iteration_bounds = array<i64: 10>, scalar_prefetch = 0 : i64, scratch_operands = 0 : i64, tpu.core_type = #tpu.core_type<tc>, window_params = [{transform_indices = @transform_0, window_bounds = array<i64: 2, 1000, 128>}, {transform_indices = @transform_1, window_bounds = array<i64: 1000, 128>}, {transform_indices = @transform_2, window_bounds = array<i64: 1000, 1>}, {pipeline_mode = #tpu.pipeline_mode<synchronous>, transform_indices = @transform_3, window_bounds = array<i64: 1, 64>}, {pipeline_mode = #tpu.pipeline_mode<synchronous>, transform_indices = @transform_4, window_bounds = array<i64: 64, 32>}, {transform_indices = @transform_5, window_bounds = array<i64: 1000, 128>}]} {
    %get3A = arith.constant 0 : index
    %get3A_0 = arith.constant 0 : index
    %get3A_1 = arith.constant 0 : index
    %get3A_2 = vector.load %arg1[%get3A, %get3A_0, %get3A_1] : memref<2x1000x128xf32, #tpu.memory_space<vmem>>, vector<1x1000x64xf32>
    %get3A_3 = vector.shape_cast %get3A_2 : vector<1x1000x64xf32> to vector<1000x64xf32>
    %get3A_4 = arith.constant 1 : index
    %get3A_5 = arith.constant 0 : index
    %get3A_6 = arith.constant 0 : index
    %get3A_7 = vector.load %arg1[%get3A_4, %get3A_5, %get3A_6] : memref<2x1000x128xf32, #tpu.memory_space<vmem>>, vector<1x1000x64xf32>
    %get3A_8 = vector.shape_cast %get3A_7 : vector<1x1000x64xf32> to vector<1000x64xf32>
    %add3A = arith.addf %get3A_3, %get3A_8 : vector<1000x64xf32>
    %get3A_9 = arith.constant 0 : index
    %get3A_10 = arith.constant 0 : index
    %get3A_11 = vector.load %arg3[%get3A_9, %get3A_10] : memref<1000x1xf32, #tpu.memory_space<vmem>>, vector<1000x1xf32>
    %get3A_12 = arith.constant 0 : index
    %get3A_13 = arith.constant 0 : index
    %get3A_14 = vector.load %arg2[%get3A_12, %get3A_13] : memref<1000x128xf32, #tpu.memory_space<vmem>>, vector<1000x64xf32>
    %add3A_15 = arith.addf %add3A, %get3A_14 : vector<1000x64xf32>
    %mul3A = vector.broadcast %get3A_11 : vector<1000x1xf32> to vector<1000x64xf32>
    %mul3A_16 = arith.mulf %mul3A, %add3A_15 : vector<1000x64xf32>
    %get3A_17 = arith.constant 0 : index
    %get3A_18 = arith.constant 0 : index
    %get3A_19 = vector.load %arg4[%get3A_17, %get3A_18] : memref<1x64xf32, #tpu.memory_space<vmem>>, vector<1x64xf32>
    %add3A_20 = vector.broadcast %get3A_19 : vector<1x64xf32> to vector<1000x64xf32>
    %add3A_21 = arith.addf %mul3A_16, %add3A_20 : vector<1000x64xf32>
    %max3A = arith.constant 0.000000e+00 : f32
    %max3A_22 = vector.broadcast %max3A : f32 to vector<1000x64xf32>
    %max3A_23 = arith.maximumf %add3A_21, %max3A_22 : vector<1000x64xf32>
    %get3A_24 = arith.constant 0 : index
    %get3A_25 = arith.constant 0 : index
    %get3A_26 = vector.load %arg5[%get3A_24, %get3A_25] : memref<64x32xf32, #tpu.memory_space<vmem>>, vector<64x32xf32>
    %dot_general3A = arith.constant dense<0.000000e+00> : vector<1000x32xf32>
    %dot_general3A_27 = tpu.matmul %max3A_23, %get3A_26, %dot_general3A {dimension_numbers = #tpu.dot_dimension_numbers<[1], [0], [0], [1], [0, 0, 1, 1], [], []>, transpose_lhs_hint = false} : vector<1000x64xf32>, vector<64x32xf32>, vector<1000x32xf32> -> vector<1000x32xf32>
    %mul3A_28 = vector.broadcast %get3A_11 : vector<1000x1xf32> to vector<1000x32xf32>
    %mul3A_29 = arith.mulf %dot_general3A_27, %mul3A_28 : vector<1000x32xf32>
    %broadcast_in_dim3A = arith.constant 0.000000e+00 : f32
    %broadcast_in_dim3A_30 = vector.broadcast %broadcast_in_dim3A : f32 to vector<1000x96xf32>
    %concatenate3A = tpu.concatenate %mul3A_29, %broadcast_in_dim3A_30 in 1 : vector<1000x32xf32>, vector<1000x96xf32> -> vector<1000x128xf32>
    %swap3A = arith.constant 0 : index
    %swap3A_31 = arith.constant 0 : index
    %swap3A_32 = vector.load %arg6[%swap3A, %swap3A_31] : memref<1000x128xf32, #tpu.memory_space<vmem>>, vector<1000x128xf32>
    tpu.vector_store %arg6[%swap3A, %swap3A_31], %concatenate3A {strides = array<i32>} : memref<1000x128xf32, #tpu.memory_space<vmem>>, vector<1000x128xf32>,
    return
  }
  func.func @transform_0(%arg0: i32) -> (i32, i32, i32) {
    %c0_i32 = arith.constant 0 : i32
    %c0_i32_0 = arith.constant 0 : i32
    %c0_i32_1 = arith.constant 0 : i32
    return %c0_i32, %arg0, %c0_i32_0 : i32, i32, i32
  }
  func.func @transform_1(%arg0: i32) -> (i32, i32) {
    %c0_i32 = arith.constant 0 : i32
    %c0_i32_0 = arith.constant 0 : i32
    return %arg0, %c0_i32 : i32, i32
  }
  func.func @transform_2(%arg0: i32) -> (i32, i32) {
    %c0_i32 = arith.constant 0 : i32
    %c0_i32_0 = arith.constant 0 : i32
    return %arg0, %c0_i32 : i32, i32
  }
  func.func @transform_3(%arg0: i32) -> (i32, i32) {
    %c0_i32 = arith.constant 0 : i32
    %c0_i32_0 = arith.constant 0 : i32
    %c0_i32_1 = arith.constant 0 : i32
    return %c0_i32, %c0_i32_0 : i32, i32
  }
  func.func @transform_4(%arg0: i32) -> (i32, i32) {
    %c0_i32 = arith.constant 0 : i32
    %c0_i32_0 = arith.constant 0 : i32
    %c0_i32_1 = arith.constant 0 : i32
    return %c0_i32, %c0_i32_0 : i32, i32
  }
  func.func @transform_5(%arg0: i32) -> (i32, i32) {
    %c0_i32 = arith.constant 0 : i32
    %c0_i32_0 = arith.constant 0 : i32
    return %arg0, %c0_i32 : i32, i32
  }
}

</mosaic_0001>

<sc_bundles>
// kernel: kernel.10.cloned.1.call-start
scs
__scs_entry_jumppad:
0x0: {  	(pc) =	sbr.rel $0x88, $3  }
0x1: {  	(tag) =	ssettag $0x0;
	lr =	simm.s32 $0x1  }
0x2: {  	[smem:$0x3F92] =	sst lr;
	_ =	strace $0xD0000000  }
0x3: {  	_ = 	snop  }
0x4: {  	_ = 	snop  }
0x5: {  	_ = 	snop  }
0x6: {  	_ = 	snop  }
0x7: {  	_ = 	snop  }
__scs_overlays_trampoline_lowered:
0x8: {  	[smem:$0x3FA1] =	sst s0  }
0x9: {  	[smem:$0x3FA2] =	sst s1  }
0xa: {  	[smem:$0x3FA3] =	sst s2  }
0xb: {  	[smem:$0x3FA4] =	sst s3  }
0xc: {  	[smem:$0x3FA5] =	sst s4  }
0xd: {  	[smem:$0x3FA6] =	sst s5  }
0xe: {  	[smem:$0x3FA7] =	sst s6  }
0xf: {  	[smem:$0x3FA8] =	sst s7  }
0x10: {  	[smem:$0x3FA9] =	sst s8  }
0x11: {  	[smem:$0x3FAA] =	sst s9;
	s0 =	simm.s32 @!p0 $0x0  }
0x12: {  	s1 =	sld [smem:$0x3F90];
	s0 =	simm.s32 @p0 $0x1  }
0x13: {  	[smem:$0x3FAB] =	sst s0;
	s0 =	simm.s32 @!p1 $0x0  }
0x14: {  	s2 =	sld [smem:$0x3F8F];
	s0 =	simm.s32 @p1 $0x1  }
0x15: {  	[smem:$0x3FAC] =	sst s0;
	s0 =	simm.s32 @!p2 $0x0  }
0x16: {  	s3 =	sld [smem:$0x3FDB];
	s0 =	simm.s32 @p2 $0x1  }
0x17: {  	s4 =	simm.s32 $0x1BF5;
	[smem:$0x3FAE] =	sst s0  }
0x18: {  	s0 =	sld [smem:$0x3F91];
	_ =	swait.ge [sflag:s4], $0x0  }
0x19: {  	s7 =	sld [smem:$0x3F92]  }
0x1a: {  	s8 =	sadd.s32 $0xFFFFE003, lr  }
0x1b: {  	s9 =	sadd.s32 $0xFFFFFEF7, lr;
	s5 =	simm.s32 $0xFFFFFFFF;
	p2 =	slt.u32 s8, $0xFFFFF086  }
0x1c: {  	p1 =	slt.u32 s9, $0xF7A;
	s5 =	simm.s32 @!p2 $0x0  }
0x1d: {  	s5 =	simm.s32 @p1 $0x1;
	p0 =	seq.s32 s7, s2  }
0x1e: {  	s7 =	smul.u32 @!p0 $0xF7A, s2;
	p2 =	seq.s32 @!p0 s5, $0x0  }
0x1f: {  	s9 =	smul.u32 $0xF7A, s1;
	s8 =	simm.s32 @!p0 $0x1BF5;
	p2 =	por !p2, p0  }
0x20: {  	[sflag:s8] =	ssyncset.s32 @!p0 $0xFFFFF086;
	s6 =	sadd.s32 @!p0 s3, s7;
	s7 =	simm.s32 @!p0 $0x108  }
0x21: {  	s3 =	sadd.s32 s3, s9;
	s6 =	sadd.s32 @!p0 $0x88, s6;
	s7 =	simm.s32 @p2 $0x1082  }
0x22: {  	[simem:s7], [sflag:s8] =	dma.local @!p0 [hbm:s6], $0xF7A  }
0x23: {  	s9 =	sor.u32 $0xD0000000, s2;
	s6 =	simm.s32 $0x108;
	_ =	swait.ge @!p0 [sflag:s8], $0x0  }
0x24: {  	s3 =	sadd.s32 $0x88, s3;
	s6 =	simm.s32 @!p1 $0x1082;
	[sflag:s4] =	ssyncset.s32 $0xFFFFF086  }
0x25: {  	[simem:s6], [sflag:s4] =	dma.local [hbm:s3], $0xF7A  }
0x26: {  	[smem:$0x3F92] =	sst s1;
	(tag) =	ssettag s2;
	_ =	strace s9  }
0x27: {  	s1 =	sld [smem:$0x3FA2]  }
0x28: {  	s2 =	sld [smem:$0x3FA3]  }
0x29: {  	s4 =	sld [smem:$0x3FA5]  }
0x2a: {  	p0 =	seq.s32 s5, $0x0;
	s5 =	sld [smem:$0x3FA6]  }
0x2b: {  	s6 =	sld [smem:$0x3FA7]  }
0x2c: {  	s7 =	sld [smem:$0x3FA8]  }
0x2d: {  	s3 =	simm.s32 $0x108;
	s8 =	sld [smem:$0x3FA9]  }
0x2e: {  	s3 =	simm.s32 @!p0 $0x1082;
	s9 =	sld [smem:$0x3FAA]  }
0x2f: {  	lr =	sadd.s32 s0, s3;
	s0 =	sld [smem:$0x3FA1]  }
0x30: {  	s3 =	sld [smem:$0x3FA4]  }
0x31: {  	[smem:$0x3FAD] =	sst s10  }
0x32: {  	s10 =	sld [smem:$0x3FAB];
	_ =	sdelay $0x3  }
0x33: {  	p0 =	seq.s32 s10, $0x1;
	s10 =	sld [smem:$0x3FAD];
	_ =	sdelay $0x3  }
0x34: {  	[smem:$0x3FAD] =	sst s10  }
0x35: {  	s10 =	sld [smem:$0x3FAC];
	_ =	sdelay $0x3  }
0x36: {  	p1 =	seq.s32 s10, $0x1;
	s10 =	sld [smem:$0x3FAD];
	_ =	sdelay $0x3  }
0x37: {  	[smem:$0x3FAD] =	sst s10  }
0x38: {  	s10 =	sld [smem:$0x3FAE]  }
0x39: {  	_ = 	snop;
	(pc) =	sbr.ind lr, $3  }
0x3a: {  	_ = 	snop  }
0x3b: {  	_ = 	snop  }
0x3c: {  	p2 =	seq.s32 s10, $0x1;
	s10 =	sld [smem:$0x3FAD]  }
0x3d: {  	_ =	shalt  }
0x3e: {  	_ =	shalt  }
0x3f: {  	_ =	shalt  }
0x40: {  	_ =	shalt  }
0x41: {  	_ =	shalt  }
0x42: {  	_ =	shalt  }
0x43: {  	_ =	shalt  }
0x44: {  	_ =	shalt  }
0x45: {  	_ =	shalt  }
0x46: {  	_ =	shalt  }
0x47: {  	_ =	shalt  }
0x48: {  	_ =	shalt  }
0x49: {  	_ =	shalt  }
0x4a: {  	_ =	shalt  }
0x4b: {  	_ =	shalt  }
0x4c: {  	_ =	shalt  }
0x4d: {  	_ =	shalt  }
0x4e: {  	_ =	shalt  }
0x4f: {  	_ =	shalt  }
0x50: {  	_ =	shalt  }
0x51: {  	_ =	shalt  }
0x52: {  	_ =	shalt  }
0x53: {  	_ =	shalt  }
0x54: {  	_ =	shalt  }
0x55: {  	_ =	shalt  }
0x56: {  	_ =	shalt  }
0x57: {  	_ =	shalt  }
0x58: {  	_ =	shalt  }
0x59: {  	_ =	shalt  }
0x5a: {  	_ =	shalt  }
0x5b: {  	_ =	shalt  }
0x5c: {  	_ =	shalt  }
0x5d: {  	_ =	shalt  }
0x5e: {  	_ =	shalt  }
0x5f: {  	_ =	shalt  }
0x60: {  	_ =	shalt  }
0x61: {  	_ =	shalt  }
0x62: {  	_ =	shalt  }
0x63: {  	_ =	shalt  }
0x64: {  	_ =	shalt  }
0x65: {  	_ =	shalt  }
0x66: {  	_ =	shalt  }
0x67: {  	_ =	shalt  }
0x68: {  	_ =	shalt  }
0x69: {  	_ =	shalt  }
0x6a: {  	_ =	shalt  }
0x6b: {  	_ =	shalt  }
0x6c: {  	_ =	shalt  }
0x6d: {  	_ =	shalt  }
0x6e: {  	_ =	shalt  }
0x6f: {  	_ =	shalt  }
0x70: {  	_ =	shalt  }
0x71: {  	_ =	shalt  }
0x72: {  	_ =	shalt  }
0x73: {  	_ =	shalt  }
0x74: {  	_ =	shalt  }
0x75: {  	_ =	shalt  }
0x76: {  	_ =	shalt  }
0x77: {  	_ =	shalt  }
0x78: {  	_ =	shalt  }
0x79: {  	_ =	shalt  }
0x7a: {  	_ =	shalt  }
0x7b: {  	_ =	shalt  }
0x7c: {  	_ =	shalt  }
0x7d: {  	_ =	shalt  }
0x7e: {  	_ =	shalt  }
0x7f: {  	_ =	shalt  }
0x80: {  	_ =	shalt  }
0x81: {  	_ =	shalt  }
0x82: {  	_ =	shalt  }
0x83: {  	_ =	shalt  }
0x84: {  	_ =	shalt  }
0x85: {  	_ =	shalt  }
0x86: {  	_ =	shalt  }
0x87: {  	_ =	shalt  }
.Lfunc_end0:
.L_simem_size_0:
called_computation_lowered:
.L_overlay_start_0:
0x88: {  	s2 =	sld [smem:$0x3FD9]  }
0x89: {  	s3 =	sld [smem:$0x3FFE];
	_ =	sdelay $0x1  }
0x8a: {  	s1 =	srdreg.scid  }
0x8b: {  	s0 =	sand.u32 $0x1, s1  }
0x8c: {  	s14 =	sshll.u32 s0, $0xA;
	s2 =	sadd.s32 s3, s2  }
0x8d: {  	s2 =	sadd.s32 s2, s14  }
0x8e: {  	[smem:$0x3FB9] =	sst s2  }
0x8f: {  	_ = 	snop  }
0x90: {  	s2 =	sld [smem:$0x3FD0];
	_ =	sdelay $0x2  }
0x91: {  	s15 =	simm.s32 $0xA;
	s4 =	simm.s32 $0x10  }
0x92: {  	[smem:s4], [sflag:s15] =	dma.local [hbm:s2], $0x1  }
0x93: {  	_ =	swait.eq [sflag:s15], $0x1  }
0x94: {  	[sflag:s15] =	ssyncset.done $0x0  }
0x95: {  	[sflag:s15] =	ssyncadd.s32 $0xFFFFFFFF  }
0x96: {  	s16 =	sld [smem:$0x12];
	(tm) =	ssettm $0x1  }
0x97: {  	s17 =	sld [smem:$0x3FFB];
	_ =	sdelay $0x3  }
0x98: {  	_ =	strace s17  }
0x99: {  	s3 =	sld [smem:$0x3FFC];
	_ =	sdelay $0x3  }
0x9a: {  	_ =	strace s3  }
0x9b: {  	s3 =	sld [smem:$0x3FFD];
	_ =	sdelay $0x3  }
0x9c: {  	_ =	strace s3  }
0x9d: {  	_ =	strace $0x8FFFFFFF  }
0x9e: {  	s18 =	sld [smem:$0x3FDB];
	_ =	sdelay $0x1  }
0x9f: {  	s19 =	simm.s32 $_scs_section_size  }
0xa0: {  	s5 =	simm.s32 $_size__tile_overlayer_lowered;
	s6 =	simm.s32 $_tile_overlayer_lowered  }
0xa1: {  	s22 =	simm.s32 $0x1BFF;
	s21 =	sshll.u32 s6, $0x1;
	s3 =	sadd.s32 s19, s18  }
0xa2: {  	s7 =	simm.s32 $0x0;
	s20 =	sshll.u32 s5, $0x1;
	s5 =	sadd.s32 s21, s3  }
0xa3: {  	[timem:s7], [sflag:s22] =	dma.local [hbm:s5], s20  }
0xa4: {  	_ =	swait.ge [sflag:s22], s20  }
0xa5: {  	s4 =	ssub.s32 $0x0, s20;
	[sflag:s22] =	ssyncset.done $0x0  }
0xa6: {  	[sflag:s22] =	ssyncadd.s32 s4;
	_ =	sdelay $0x1  }
0xa7: {  	s23 =	simm.s32 $0x1B8B  }
0xa8: {  	_ =	swait.ge [sflag:s23], $0x1  }
0xa9: {  	[sflag:s23] =	ssyncset.done $0x0  }
0xaa: {  	s25 =	simm.s32 $0x1B8E;
	s24 =	sld [smem:$0x3FFE];
	[sflag:s23] =	ssyncadd.s32 $0xFFFFFFFF  }
0xab: {  	s26 =	simm.s32 $execute0_lowered;
	[smem:$0x3FD2] =	sst s25  }
0xac: {  	s5 =	sshll.u32 s26, $0x1;
	_ =	strace $0x80000046;
	[dreg:$0x1] =	wrdreg $0xFFFFFFFF  }
0xad: {  	s28 =	simm.s32 $_size_execute0_lowered;
	s3 =	sadd.s32 s3, s5;
	[dreg:$0x0] =	wrdreg $0x0  }
0xae: {  	s5 =	sshll.u32 s28, $0x1;
	[dreg:$0x2] =	wrdreg s3  }
0xaf: {  	[dreg:$0x3] =	wrdreg s5  }
0xb0: {  	[dreg:$0x4] =	wrdreg $0xC0  }
0xb1: {  	_ =	task [dreg:s7], $0x5FFFF  }
0xb2: {  	[dreg:$0x1] =	wrdreg $0xFFFFFFFF  }
0xb3: {  	[dreg:$0x0] =	wrdreg $0x60  }
0xb4: {  	[dreg:$0x2] =	wrdreg s24  }
0xb5: {  	[dreg:$0x3] =	wrdreg s16  }
0xb6: {  	[dreg:$0x4] =	wrdreg $0x68000  }
0xb7: {  	[dreg:$0x5] =	wrdreg $0x9  }
0xb8: {  	_ =	task.clear_ibuf [dreg:s7], $0x6FFFF;
	_ =	strace $0x90000046  }
0xb9: {  	s29 =	simm.s32 $0x9;
	_ =	strace $0x80000048  }
0xba: {  	_ =	swait.ge [sflag:s29], $0x1  }
0xbb: {  	[sflag:s29] =	ssyncadd.s32 $0xFFFFFFFF  }
0xbc: {  	_ =	strace $0x90000048  }
0xbd: {  	_ =	sfence  }
0xbe: {  	s30 =	sld [smem:$0x0];
	_ =	sdelay $0x2  }
0xbf: {  	s31 =	sshll.u32 s1, $0xD;
	s1 =	sshrl.u32 s1, $0x2  }
0xc0: {  	s3 =	sand.u32 $0x4000, s31;
	s1 =	sadd.s32 s1, s30  }
0xc1: {  	s0 =	sor.u32 s3, s0;
	s1 =	sshll.u32 s1, $0x11  }
0xc2: {  	s0 =	sor.u32 s1, s0  }
0xc3: {  	s0 =	sadd.s32 $0x8F2B, s0  }
0xc4: {  	[sflag:s0] =	ssyncadd.remote.s32 $0x1  }
0xc5: {  	_ =	sfence.sel $0xFFFF  }
0xc6: {  	[dreg:$0x0] =	wrdreg $0xFFFFFFFF;
	(pc) =	sbr.abs _section_cstart, $3  }
0xc7: {  	[dreg:$0x1] =	wrdreg $0xFFFFFFFF  }
0xc8: {  	_ =	task.clear_ibuf [dreg:s7], $0x2FFFF;
	_ =	strace $0x9FFFFFFF  }
0xc9: {  	(tm) =	ssettm $0x7FFFFFFF  }
tec
execute0_lowered:
.L_overlay_start_1:
0x0: {  	(tag) =	ssettag $0x1  }
0x1: {  	s5 =	rddreg [dreg:$0x0]  }
0x2: {  	s2 =	rddreg [dreg:$0x1]  }
0x3: {  	s0 =	srdreg.scid;
	s3 =	rddreg [dreg:$0x2]  }
0x4: {  	s4 =	simm.s32 $0x0;
	s6 =	sand.u32 $0x1, s0;
	s0 =	stileid.u32  }
0x5: {  	[smem:$0x7FF] =	sst s4;
	s13 =	smul.u32 $0x2780, s0  }
0x6: {  	s1 =	sshll.u32 s6, $0x4;
	s8 =	smul.u32 $0x27800, s6;
	s6 =	ssub.s32 $0x2, s6  }
0x7: {  	s9 =	smul.u32 $0x4F000, s0;
	s31 =	sshll.u32 s0, $0x6;
	s7 =	sor.u32 s0, s1  }
0x8: {  	s1 =	rddreg [dreg:$0x3];
	_ =	strace $0x80000047;
	s29 =	sshrl.u32 s6, $0x1  }
0x9: {  	s7 =	smul.u32 $0x500, s7;
	s10 =	sadd.s32 s13, s5;
	s8 =	sadd.s32 s8, s5  }
0xa: {  	s11 =	ssub.s32 s6, s29;
	s30 =	sshrl.u32 s9, $0x2;
	s9 =	simm.s32 $0x2800  }
0xb: {  	s12 =	sadd.s32 s30, s3;
	s6 =	sadd.s32 $0xE000, s10;
	s14 =	sadd.s32 $0x35800, s8  }
0xc: {  	s8 =	simm.s32 $0x1;
	s10 =	sor.u32 $0x1C01, s31;
	s7 =	sadd.s32 s7, s5  }
0xd: {  	s13 =	sadd.s32 s13, s14;
	s14 =	simm.s32 $0x0;
	s5 =	sadd.s32 $0x4000, s7  }
0xe: {  	s7 =	smax.u32 s11, $0x1;
	s11 =	sshrl.u32 s12, $0x3;
	s12 =	simm.s32 $0x80  }
.LBB2_1:
0xf: {  	[tilespmem:s4], [sflag:$0x1] =	stream.linear.gather [hbm4b:s5+s4], $0x2780, $0x38;
	[tilespmem:$0x1A400] =	vst v63  }
0x10: {  	_ =	swait.ge [sflag:s8], $0x2780  }
0x11: {  	[sflag:s8] =	ssyncset.done $0x0  }
0x12: {  	[sflag:s8] =	ssyncadd.s32 $0xFFFFD880  }
0x13: {  	[tilespmem:s9], [sflag:$0x1] =	stream.linear.gather [hbm4b:s2+s4], $0x4000, $0x38;
	[tilespmem:$0x1A400] =	vst v63  }
0x14: {  	_ =	swait.ge [sflag:s8], $0x4000  }
0x15: {  	[sflag:s8] =	ssyncset.done $0x0  }
0x16: {  	[sflag:s8] =	ssyncadd.s32 $0xFFFFC000  }
0x17: {  	[spmem:s11], [sflag:s10] =	dma.local [hbm:s6], $0x2780  }
0x18: {  	_ =	swait.ge [sflag:s8], $0x2780  }
0x19: {  	[sflag:s8] =	ssyncset.done $0x0  }
0x1a: {  	[sflag:s8] =	ssyncadd.s32 $0xFFFFD880  }
0x1b: {  	s15 =	simm.s32 $0x0;
	[bflag:$0x0] =	sbarrier.arrive $0xFFFF  }
0x1c: {  	[spmem:s3] =	stream.indirect.scatter.add.f32 [tilespmem:s9], [sflag:$0x1], $0x80, s15, s12, $0xb8;
	[tilespmem:$0x1A400] =	vst v63  }
0x1d: {  	_ =	swait.ge [sflag:s8], $0x4000  }
0x1e: {  	s15 =	simm.s32 $0x200;
	[sflag:s8] =	ssyncset.done $0x0  }
.LBB2_2:
0x1f: {  	s16 =	sshra.s32 s15, $0x2;
	[sflag:s8] =	ssyncadd.s32 $0xFFFFC000;
	p0 =	sne.s32 s15, $0x9C00  }
0x20: {  	[spmem:s3] =	stream.indirect.scatter.add.f32 [tilespmem:s9], [sflag:$0x1], $0x80, s16, s12, $0xb8;
	[tilespmem:$0x1A400] =	vst v63  }
.Ltmp0:
0x21: {  	_ = 	snop;
	(pc) =	sbr.rel @p0 .LBB2_2-.Ltmp0, $4  }
0x22: {  	_ = 	snop  }
0x23: {  	s15 =	sadd.s32 $0x200, s15  }
0x24: {  	_ =	swait.ge [sflag:s8], $0x4000  }
0x25: {  	[sflag:s8] =	ssyncset.done $0x0  }
0x26: {  	s14 =	sadd.s32 $0x1, s14  }
0x27: {  	[sflag:s8] =	ssyncadd.s32 $0xFFFFC000;
	p0 =	sne.s32 s14, s7  }
.Ltmp1:
0x28: {  	[bflag:$0x0] =	sbarrier.arrive $0xFFFF;
	(pc) =	sbr.rel @p0 .LBB2_1-.Ltmp1, $4  }
0x29: {  	[hbm:s13], [sflag:s10] =	dma.local [spmem:s11], $0x2780  }
0x2a: {  	_ =	swait.ge [sflag:s8], $0x2780  }
0x2b: {  	[sflag:s8] =	ssyncset.done $0x0  }
0x2c: {  	[sflag:s8] =	ssyncadd.s32 $0xFFFFD880  }
0x2d: {  	_ =	sfence.sel $0x180000  }
0x2e: {  	[bflag:$0x0] =	sbarrier.arrive $0xFFFF  }
0x2f: {  	p0 =	sne.s32 s0, $0x0;
	_ =	strace $0x90000047  }
0x30: {  	s0 =	sadd.s32 @!p0 $0x100000, s1;
	[bflag:$0x2] =	sbarrier.arrive $0xFFFF  }
0x31: {  	[sflag:s0] =	ssyncadd.tile.s32 @!p0 $0x1;
	_ =	shalt  }
.Lfunc_end2:
_tile_overlayer_lowered:
.L_overlay_start_2:
0x32: {  	(tag) =	ssettag $0x2  }
0x33: {  	s0 =	rddreg [dreg:$0x0];
	s2 =	stileid.u32  }
0x34: {  	s1 =	rddreg [dreg:$0x1];
	p0 =	sne.s32 s2, $0x0  }
0x35: {  	s3 =	rddreg [dreg:$0x2];
	[bflag:$0x3] =	sbarrier.arrive $0xFFFF;
	s2 =	simm.s32 @!p0 $0x1C01  }
0x36: {  	[timem:s3], [sflag:s2] =	dma.local @!p0 [hbm:s0], s1  }
0x37: {  	s0 =	simm.s32 @!p0 $0x1  }
0x38: {  	_ =	swait.ge @!p0 [sflag:s0], s1  }
0x39: {  	s1 =	ssub.s32 @!p0 $0x0, s1;
	[sflag:s0] =	ssyncset.done @!p0 $0x0  }
0x3a: {  	[sflag:s0] =	ssyncadd.s32 @!p0 s1  }
0x3b: {  	[bflag:$0x3] =	sbarrier.arrive $0xFFFF  }
0x3c: {  	_ =	shalt  }

// kernel: kernel.13.cloned.1.call-start
scs
__scs_entry_jumppad:
0x0: {  	(pc) =	sbr.rel $0x88, $3  }
0x1: {  	(tag) =	ssettag $0x0;
	lr =	simm.s32 $0x1  }
0x2: {  	[smem:$0x3F92] =	sst lr;
	_ =	strace $0xD0000000  }
0x3: {  	_ = 	snop  }
0x4: {  	_ = 	snop  }
0x5: {  	_ = 	snop  }
0x6: {  	_ = 	snop  }
0x7: {  	_ = 	snop  }
__scs_overlays_trampoline_lowered:
0x8: {  	[smem:$0x3FA1] =	sst s0  }
0x9: {  	[smem:$0x3FA2] =	sst s1  }
0xa: {  	[smem:$0x3FA3] =	sst s2  }
0xb: {  	[smem:$0x3FA4] =	sst s3  }
0xc: {  	[smem:$0x3FA5] =	sst s4  }
0xd: {  	[smem:$0x3FA6] =	sst s5  }
0xe: {  	[smem:$0x3FA7] =	sst s6  }
0xf: {  	[smem:$0x3FA8] =	sst s7  }
0x10: {  	[smem:$0x3FA9] =	sst s8  }
0x11: {  	[smem:$0x3FAA] =	sst s9;
	s0 =	simm.s32 @!p0 $0x0  }
0x12: {  	s1 =	sld [smem:$0x3F90];
	s0 =	simm.s32 @p0 $0x1  }
0x13: {  	[smem:$0x3FAB] =	sst s0;
	s0 =	simm.s32 @!p1 $0x0  }
0x14: {  	s2 =	sld [smem:$0x3F8F];
	s0 =	simm.s32 @p1 $0x1  }
0x15: {  	[smem:$0x3FAC] =	sst s0;
	s0 =	simm.s32 @!p2 $0x0  }
0x16: {  	s3 =	sld [smem:$0x3FDB];
	s0 =	simm.s32 @p2 $0x1  }
0x17: {  	s4 =	simm.s32 $0x1BF5;
	[smem:$0x3FAE] =	sst s0  }
0x18: {  	s0 =	sld [smem:$0x3F91];
	_ =	swait.ge [sflag:s4], $0x0  }
0x19: {  	s7 =	sld [smem:$0x3F92]  }
0x1a: {  	s8 =	sadd.s32 $0xFFFFE003, lr  }
0x1b: {  	s9 =	sadd.s32 $0xFFFFFEF7, lr;
	s5 =	simm.s32 $0xFFFFFFFF;
	p2 =	slt.u32 s8, $0xFFFFF086  }
0x1c: {  	p1 =	slt.u32 s9, $0xF7A;
	s5 =	simm.s32 @!p2 $0x0  }
0x1d: {  	s5 =	simm.s32 @p1 $0x1;
	p0 =	seq.s32 s7, s2  }
0x1e: {  	s7 =	smul.u32 @!p0 $0xF7A, s2;
	p2 =	seq.s32 @!p0 s5, $0x0  }
0x1f: {  	s9 =	smul.u32 $0xF7A, s1;
	s8 =	simm.s32 @!p0 $0x1BF5;
	p2 =	por !p2, p0  }
0x20: {  	[sflag:s8] =	ssyncset.s32 @!p0 $0xFFFFF086;
	s6 =	sadd.s32 @!p0 s3, s7;
	s7 =	simm.s32 @!p0 $0x108  }
0x21: {  	s3 =	sadd.s32 s3, s9;
	s6 =	sadd.s32 @!p0 $0x88, s6;
	s7 =	simm.s32 @p2 $0x1082  }
0x22: {  	[simem:s7], [sflag:s8] =	dma.local @!p0 [hbm:s6], $0xF7A  }
0x23: {  	s9 =	sor.u32 $0xD0000000, s2;
	s6 =	simm.s32 $0x108;
	_ =	swait.ge @!p0 [sflag:s8], $0x0  }
0x24: {  	s3 =	sadd.s32 $0x88, s3;
	s6 =	simm.s32 @!p1 $0x1082;
	[sflag:s4] =	ssyncset.s32 $0xFFFFF086  }
0x25: {  	[simem:s6], [sflag:s4] =	dma.local [hbm:s3], $0xF7A  }
0x26: {  	[smem:$0x3F92] =	sst s1;
	(tag) =	ssettag s2;
	_ =	strace s9  }
0x27: {  	s1 =	sld [smem:$0x3FA2]  }
0x28: {  	s2 =	sld [smem:$0x3FA3]  }
0x29: {  	s4 =	sld [smem:$0x3FA5]  }
0x2a: {  	p0 =	seq.s32 s5, $0x0;
	s5 =	sld [smem:$0x3FA6]  }
0x2b: {  	s6 =	sld [smem:$0x3FA7]  }
0x2c: {  	s7 =	sld [smem:$0x3FA8]  }
0x2d: {  	s3 =	simm.s32 $0x108;
	s8 =	sld [smem:$0x3FA9]  }
0x2e: {  	s3 =	simm.s32 @!p0 $0x1082;
	s9 =	sld [smem:$0x3FAA]  }
0x2f: {  	lr =	sadd.s32 s0, s3;
	s0 =	sld [smem:$0x3FA1]  }
0x30: {  	s3 =	sld [smem:$0x3FA4]  }
0x31: {  	[smem:$0x3FAD] =	sst s10  }
0x32: {  	s10 =	sld [smem:$0x3FAB];
	_ =	sdelay $0x3  }
0x33: {  	p0 =	seq.s32 s10, $0x1;
	s10 =	sld [smem:$0x3FAD];
	_ =	sdelay $0x3  }
0x34: {  	[smem:$0x3FAD] =	sst s10  }
0x35: {  	s10 =	sld [smem:$0x3FAC];
	_ =	sdelay $0x3  }
0x36: {  	p1 =	seq.s32 s10, $0x1;
	s10 =	sld [smem:$0x3FAD];
	_ =	sdelay $0x3  }
0x37: {  	[smem:$0x3FAD] =	sst s10  }
0x38: {  	s10 =	sld [smem:$0x3FAE]  }
0x39: {  	_ = 	snop;
	(pc) =	sbr.ind lr, $3  }
0x3a: {  	_ = 	snop  }
0x3b: {  	_ = 	snop  }
0x3c: {  	p2 =	seq.s32 s10, $0x1;
	s10 =	sld [smem:$0x3FAD]  }
0x3d: {  	_ =	shalt  }
0x3e: {  	_ =	shalt  }
0x3f: {  	_ =	shalt  }
0x40: {  	_ =	shalt  }
0x41: {  	_ =	shalt  }
0x42: {  	_ =	shalt  }
0x43: {  	_ =	shalt  }
0x44: {  	_ =	shalt  }
0x45: {  	_ =	shalt  }
0x46: {  	_ =	shalt  }
0x47: {  	_ =	shalt  }
0x48: {  	_ =	shalt  }
0x49: {  	_ =	shalt  }
0x4a: {  	_ =	shalt  }
0x4b: {  	_ =	shalt  }
0x4c: {  	_ =	shalt  }
0x4d: {  	_ =	shalt  }
0x4e: {  	_ =	shalt  }
0x4f: {  	_ =	shalt  }
0x50: {  	_ =	shalt  }
0x51: {  	_ =	shalt  }
0x52: {  	_ =	shalt  }
0x53: {  	_ =	shalt  }
0x54: {  	_ =	shalt  }
0x55: {  	_ =	shalt  }
0x56: {  	_ =	shalt  }
0x57: {  	_ =	shalt  }
0x58: {  	_ =	shalt  }
0x59: {  	_ =	shalt  }
0x5a: {  	_ =	shalt  }
0x5b: {  	_ =	shalt  }
0x5c: {  	_ =	shalt  }
0x5d: {  	_ =	shalt  }
0x5e: {  	_ =	shalt  }
0x5f: {  	_ =	shalt  }
0x60: {  	_ =	shalt  }
0x61: {  	_ =	shalt  }
0x62: {  	_ =	shalt  }
0x63: {  	_ =	shalt  }
0x64: {  	_ =	shalt  }
0x65: {  	_ =	shalt  }
0x66: {  	_ =	shalt  }
0x67: {  	_ =	shalt  }
0x68: {  	_ =	shalt  }
0x69: {  	_ =	shalt  }
0x6a: {  	_ =	shalt  }
0x6b: {  	_ =	shalt  }
0x6c: {  	_ =	shalt  }
0x6d: {  	_ =	shalt  }
0x6e: {  	_ =	shalt  }
0x6f: {  	_ =	shalt  }
0x70: {  	_ =	shalt  }
0x71: {  	_ =	shalt  }
0x72: {  	_ =	shalt  }
0x73: {  	_ =	shalt  }
0x74: {  	_ =	shalt  }
0x75: {  	_ =	shalt  }
0x76: {  	_ =	shalt  }
0x77: {  	_ =	shalt  }
0x78: {  	_ =	shalt  }
0x79: {  	_ =	shalt  }
0x7a: {  	_ =	shalt  }
0x7b: {  	_ =	shalt  }
0x7c: {  	_ =	shalt  }
0x7d: {  	_ =	shalt  }
0x7e: {  	_ =	shalt  }
0x7f: {  	_ =	shalt  }
0x80: {  	_ =	shalt  }
0x81: {  	_ =	shalt  }
0x82: {  	_ =	shalt  }
0x83: {  	_ =	shalt  }
0x84: {  	_ =	shalt  }
0x85: {  	_ =	shalt  }
0x86: {  	_ =	shalt  }
0x87: {  	_ =	shalt  }
.Lfunc_end0:
.L_simem_size_0:
called_computation.1_lowered:
.L_overlay_start_0:
0x88: {  	s2 =	sld [smem:$0x3FD9]  }
0x89: {  	s3 =	sld [smem:$0x3FFE];
	_ =	sdelay $0x1  }
0x8a: {  	s1 =	srdreg.scid  }
0x8b: {  	s0 =	sand.u32 $0x1, s1  }
0x8c: {  	s16 =	sshll.u32 s0, $0xA;
	s2 =	sadd.s32 s3, s2  }
0x8d: {  	s2 =	sadd.s32 s2, s16  }
0x8e: {  	[smem:$0x3FB9] =	sst s2  }
0x8f: {  	_ = 	snop  }
0x90: {  	(tm) =	ssettm $0x1  }
0x91: {  	s17 =	sld [smem:$0x3FFB];
	_ =	sdelay $0x3  }
0x92: {  	_ =	strace s17  }
0x93: {  	s2 =	sld [smem:$0x3FFC];
	_ =	sdelay $0x3  }
0x94: {  	_ =	strace s2  }
0x95: {  	s2 =	sld [smem:$0x3FFD];
	_ =	sdelay $0x3  }
0x96: {  	_ =	strace s2  }
0x97: {  	_ =	strace $0x8FFFFFFF  }
0x98: {  	s18 =	sld [smem:$0x3FDB];
	_ =	sdelay $0x1  }
0x99: {  	s19 =	simm.s32 $_scs_section_size  }
0x9a: {  	s4 =	simm.s32 $_size__tile_overlayer_lowered;
	s5 =	simm.s32 $_tile_overlayer_lowered  }
0x9b: {  	s22 =	simm.s32 $0x1BFF;
	s21 =	sshll.u32 s5, $0x1;
	s2 =	sadd.s32 s19, s18  }
0x9c: {  	s6 =	simm.s32 $0x0;
	s20 =	sshll.u32 s4, $0x1;
	s4 =	sadd.s32 s21, s2  }
0x9d: {  	[timem:s6], [sflag:s22] =	dma.local [hbm:s4], s20  }
0x9e: {  	_ =	swait.ge [sflag:s22], s20  }
0x9f: {  	s3 =	ssub.s32 $0x0, s20;
	[sflag:s22] =	ssyncset.done $0x0  }
0xa0: {  	[sflag:s22] =	ssyncadd.s32 s3;
	_ =	sdelay $0x1  }
0xa1: {  	s23 =	simm.s32 $0x1B8B  }
0xa2: {  	_ =	swait.ge [sflag:s23], $0x1  }
0xa3: {  	[sflag:s23] =	ssyncset.done $0x0  }
0xa4: {  	s25 =	simm.s32 $0x1B8E;
	s24 =	sld [smem:$0x3FFE];
	[sflag:s23] =	ssyncadd.s32 $0xFFFFFFFF  }
0xa5: {  	s26 =	simm.s32 $execute0_lowered;
	[smem:$0x3FD2] =	sst s25  }
0xa6: {  	s4 =	sshll.u32 s26, $0x1;
	_ =	strace $0x80000049;
	[dreg:$0x1] =	wrdreg $0xFFFFFFFF  }
0xa7: {  	s28 =	simm.s32 $_size_execute0_lowered;
	s2 =	sadd.s32 s2, s4;
	[dreg:$0x0] =	wrdreg $0x0  }
0xa8: {  	s4 =	sshll.u32 s28, $0x1;
	[dreg:$0x2] =	wrdreg s2  }
0xa9: {  	[dreg:$0x3] =	wrdreg s4  }
0xaa: {  	[dreg:$0x4] =	wrdreg $0xC0  }
0xab: {  	_ =	task [dreg:s6], $0x5FFFF  }
0xac: {  	[dreg:$0x1] =	wrdreg $0xFFFFFFFF  }
0xad: {  	[dreg:$0x0] =	wrdreg $0x60  }
0xae: {  	[dreg:$0x2] =	wrdreg s24  }
0xaf: {  	[dreg:$0x3] =	wrdreg $0xA8000  }
0xb0: {  	[dreg:$0x4] =	wrdreg $0x9  }
0xb1: {  	_ =	task.clear_ibuf [dreg:s6], $0x5FFFF;
	_ =	strace $0x90000049  }
0xb2: {  	s29 =	simm.s32 $0x9;
	_ =	strace $0x8000004B  }
0xb3: {  	_ =	swait.ge [sflag:s29], $0x1  }
0xb4: {  	[sflag:s29] =	ssyncadd.s32 $0xFFFFFFFF  }
0xb5: {  	_ =	strace $0x9000004B  }
0xb6: {  	_ =	sfence  }
0xb7: {  	s30 =	sld [smem:$0x0];
	_ =	sdelay $0x2  }
0xb8: {  	s31 =	sshll.u32 s1, $0xD;
	s1 =	sshrl.u32 s1, $0x2  }
0xb9: {  	s3 =	sand.u32 $0x4000, s31;
	s1 =	sadd.s32 s1, s30  }
0xba: {  	s0 =	sor.u32 s3, s0;
	s1 =	sshll.u32 s1, $0x11  }
0xbb: {  	s0 =	sor.u32 s1, s0  }
0xbc: {  	s0 =	sadd.s32 $0x8F2B, s0  }
0xbd: {  	[sflag:s0] =	ssyncadd.remote.s32 $0x1  }
0xbe: {  	_ =	sfence.sel $0xFFFF  }
0xbf: {  	[dreg:$0x0] =	wrdreg $0xFFFFFFFF;
	(pc) =	sbr.abs _section_cstart, $3  }
0xc0: {  	[dreg:$0x1] =	wrdreg $0xFFFFFFFF  }
0xc1: {  	_ =	task.clear_ibuf [dreg:s6], $0x2FFFF;
	_ =	strace $0x9FFFFFFF  }
0xc2: {  	(tm) =	ssettm $0x7FFFFFFF  }
0xc3: {  	_ =	shalt  }
tec
execute0_lowered:
.L_overlay_start_1:
0x0: {  	(tag) =	ssettag $0x1  }
0x1: {  	s5 =	rddreg [dreg:$0x0]  }
0x2: {  	s0 =	srdreg.scid;
	s2 =	rddreg [dreg:$0x1]  }
0x3: {  	s3 =	simm.s32 $0x0;
	s14 =	simm.s32 $0x6800;
	s15 =	simm.s32 $0x7800  }
0x4: {  	s16 =	simm.s32 $0x40;
	s17 =	simm.s32 $0x8800;
	s18 =	simm.s32 $0x1  }
0x5: {  	s19 =	simm.s32 $0x9800;
	s8 =	sand.u32 $0x1, s0;
	s0 =	stileid.u32  }
0x6: {  	s20 =	simm.s32 $0x2;
	s21 =	simm.s32 $0x3;
	s23 =	smul.u32 $0x2780, s0  }
0x7: {  	s22 =	simm.s32 $0x4;
	[smem:$0x7FF] =	sst s3;
	s7 =	smul.u32 $0x27800, s8  }
0x8: {  	s1 =	sshll.u32 s8, $0x4;
	s9 =	ssub.s32 $0x2, s8;
	s10 =	smul.u32 $0x4F000, s0  }
0x9: {  	p0 =	seq.s32 s8, $0x1;
	s31 =	sshll.u32 s0, $0x6;
	s4 =	sor.u32 s0, s1  }
0xa: {  	s1 =	rddreg [dreg:$0x2];
	_ =	strace $0x8000004A;
	s12 =	sshrl.u32 s9, $0x1  }
0xb: {  	s6 =	smul.u32 $0x680, s4;
	s4 =	sadd.s32 $0x35800, s5;
	s11 =	sadd.s32 s23, s5  }
0xc: {  	s13 =	sadd.s32 s7, s5;
	s9 =	ssub.s32 s9, s12;
	s29 =	sshrl.u32 s10, $0x2  }
.Ltmp0:
0xd: {  	s10 =	simm.s32 $0x3400;
	s30 =	sadd.s32 s29, s2;
	(pc) =	sbr.rel .LBB2_1-.Ltmp0, $4  }
0xe: {  	s7 =	sadd.s32 $0xE000, s11;
	s24 =	sadd.s32 $0x9E800, s13;
	s8 =	smax.u32 s9, $0x1  }
0xf: {  	s9 =	simm.s32 $0x5;
	s11 =	sor.u32 $0x1C05, s31;
	s13 =	simm.s32 $0x20  }
0x10: {  	s6 =	sadd.s32 s6, s5;
	s12 =	sshrl.u32 s30, $0x3;
	s23 =	sadd.s32 s23, s24  }
0x11: {  	s24 =	simm.s32 $0x0;
	s5 =	sadd.s32 $0x84800, s6;
	s6 =	sadd.s32 $0x91800, s6  }
.LBB2_3:
0x12: {  	s25 =	simm.s32 $0x67E0;
	s26 =	simm.s32 $0x67C0  }
0x13: {  	s28 =	simm.s32 $0x67A0;
	s29 =	simm.s32 $0x6780;
	s30 =	simm.s32 $0x33E0  }
.LBB2_6:
0x14: {  	_ =	swait.ge [sflag:s18], $0x1000  }
0x15: {  	[sflag:s18] =	ssyncset.done $0x0  }
0x16: {  	[sflag:s18] =	ssyncadd.s32 $0xFFFFF000  }
0x17: {  	[tilespmem:s19], [sflag:$0x4] =	stream.indirect.gather [hbm4b:s4+s13], $0x80, s30, s13, $0xb8;
	[tilespmem:$0x1E400] =	vst v63  }
0x18: {  	_ = 	snop  }
0x19: {  	[spmem:s2] =	stream.indirect.scatter.add.f32 [tilespmem:s14], [sflag:$0x5], $0x80, s29, s13, $0xb8;
	[tilespmem:$0x1E400] =	vst v63  }
0x1a: {  	_ =	swait.ge [sflag:s9], $0x1000  }
0x1b: {  	[sflag:s9] =	ssyncset.done $0x0  }
0x1c: {  	[sflag:s9] =	ssyncadd.s32 $0xFFFFF000  }
0x1d: {  	_ =	swait.ge [sflag:s20], $0x1000  }
0x1e: {  	[sflag:s20] =	ssyncset.done $0x0  }
0x1f: {  	[sflag:s20] =	ssyncadd.s32 $0xFFFFF000  }
0x20: {  	[spmem:s2] =	stream.indirect.scatter.add.f32 [tilespmem:s15], [sflag:$0x5], $0x80, s28, s13, $0xb8;
	[tilespmem:$0x1E400] =	vst v63  }
0x21: {  	_ =	swait.ge [sflag:s9], $0x1000  }
0x22: {  	[sflag:s9] =	ssyncset.done $0x0  }
0x23: {  	[sflag:s9] =	ssyncadd.s32 $0xFFFFF000  }
0x24: {  	_ =	swait.ge [sflag:s21], $0x1000  }
0x25: {  	[sflag:s21] =	ssyncset.done $0x0  }
0x26: {  	[sflag:s21] =	ssyncadd.s32 $0xFFFFF000  }
0x27: {  	[spmem:s2] =	stream.indirect.scatter.add.f32 [tilespmem:s17], [sflag:$0x5], $0x80, s26, s13, $0xb8;
	[tilespmem:$0x1E400] =	vst v63  }
0x28: {  	_ =	swait.ge [sflag:s9], $0x1000  }
0x29: {  	[sflag:s9] =	ssyncset.done $0x0  }
0x2a: {  	[sflag:s9] =	ssyncadd.s32 $0xFFFFF000  }
0x2b: {  	_ =	swait.ge [sflag:s22], $0x1000  }
0x2c: {  	[sflag:s22] =	ssyncset.done $0x0  }
0x2d: {  	[sflag:s22] =	ssyncadd.s32 $0xFFFFF000  }
0x2e: {  	[spmem:s2] =	stream.indirect.scatter.add.f32 [tilespmem:s19], [sflag:$0x5], $0x80, s25, s13, $0xb8;
	[tilespmem:$0x1E400] =	vst v63  }
0x2f: {  	_ =	swait.ge [sflag:s9], $0x1000  }
0x30: {  	s24 =	sadd.s32 $0x1, s24;
	[sflag:s9] =	ssyncset.done $0x0  }
0x31: {  	p1 =	sne.s32 s24, s8;
	[sflag:s9] =	ssyncadd.s32 $0xFFFFF000  }
.Ltmp1:
0x32: {  	[bflag:$0x0] =	sbarrier.arrive $0xFFFF;
	(pc) =	sbr.rel @!p1 .LBB2_7-.Ltmp1, $4  }
0x33: {  	[hbm:s23], [sflag:s11] =	dma.local [spmem:s12], $0x2780  }
0x34: {  	_ =	swait.ge [sflag:s9], $0x2780  }
0x35: {  	[sflag:s9] =	ssyncset.done $0x0  }
0x36: {  	[sflag:s9] =	ssyncadd.s32 $0xFFFFD880  }
.LBB2_1:
0x37: {  	[tilespmem:s3], [sflag:$0x5] =	stream.linear.gather [hbm4b:s5+s3], $0x3400, $0x38;
	[tilespmem:$0x1E400] =	vst v63  }
0x38: {  	_ =	swait.ge [sflag:s9], $0x3400  }
0x39: {  	[sflag:s9] =	ssyncset.done $0x0  }
0x3a: {  	[sflag:s9] =	ssyncadd.s32 $0xFFFFCC00  }
0x3b: {  	[tilespmem:s10], [sflag:$0x5] =	stream.linear.gather [hbm4b:s6+s3], $0x3400, $0x38;
	[tilespmem:$0x1E400] =	vst v63  }
0x3c: {  	_ =	swait.ge [sflag:s9], $0x3400  }
0x3d: {  	[sflag:s9] =	ssyncset.done $0x0  }
0x3e: {  	[sflag:s9] =	ssyncadd.s32 $0xFFFFCC00  }
0x3f: {  	[spmem:s12], [sflag:s11] =	dma.local [hbm:s7], $0x2780  }
0x40: {  	_ =	swait.ge [sflag:s9], $0x2780  }
0x41: {  	[sflag:s9] =	ssyncset.done $0x0  }
0x42: {  	[sflag:s9] =	ssyncadd.s32 $0xFFFFD880  }
0x43: {  	[bflag:$0x0] =	sbarrier.arrive $0xFFFF  }
0x44: {  	[tilespmem:s14], [sflag:$0x1] =	stream.indirect.gather [hbm4b:s4+s13], $0x80, s3, s13, $0xb8;
	[tilespmem:$0x1E400] =	vst v63  }
.Ltmp2:
0x45: {  	_ = 	snop;
	(pc) =	sbr.rel @!p0 .LBB2_2-.Ltmp2, $4  }
0x46: {  	_ = 	snop  }
0x47: {  	[tilespmem:s15], [sflag:$0x2] =	stream.indirect.gather [hbm4b:s4+s13], $0x80, s13, s13, $0xb8;
	[tilespmem:$0x1E400] =	vst v63  }
0x48: {  	s25 =	simm.s32 $0x0;
	s26 =	simm.s32 $0x0  }
0x49: {  	[tilespmem:s17], [sflag:$0x3] =	stream.indirect.gather [hbm4b:s4+s13], $0x80, s16, s13, $0xb8;
	[tilespmem:$0x1E400] =	vst v63  }
.LBB2_4:
0x4a: {  	_ =	swait.ge [sflag:s18], $0x1000  }
0x4b: {  	s25 =	sshra.s32 s26, $0x2;
	[sflag:s18] =	ssyncset.done $0x0  }
0x4c: {  	s28 =	sadd.s32 $0x60, s25;
	[sflag:s18] =	ssyncadd.s32 $0xFFFFF000  }
0x4d: {  	[tilespmem:s19], [sflag:$0x4] =	stream.indirect.gather [hbm4b:s4+s13], $0x80, s28, s13, $0xb8;
	[tilespmem:$0x1E400] =	vst v63  }
0x4e: {  	s29 =	sadd.s32 $0x3400, s25  }
0x4f: {  	[spmem:s2] =	stream.indirect.scatter.add.f32 [tilespmem:s14], [sflag:$0x5], $0x80, s29, s13, $0xb8;
	[tilespmem:$0x1E400] =	vst v63  }
0x50: {  	_ =	swait.ge [sflag:s9], $0x1000  }
0x51: {  	[sflag:s9] =	ssyncset.done $0x0  }
0x52: {  	[sflag:s9] =	ssyncadd.s32 $0xFFFFF000  }
0x53: {  	_ =	swait.ge [sflag:s20], $0x1000  }
0x54: {  	[sflag:s20] =	ssyncset.done $0x0  }
0x55: {  	s30 =	sadd.s32 $0x80, s25;
	[sflag:s20] =	ssyncadd.s32 $0xFFFFF000  }
0x56: {  	[tilespmem:s14], [sflag:$0x1] =	stream.indirect.gather [hbm4b:s4+s13], $0x80, s30, s13, $0xb8;
	[tilespmem:$0x1E400] =	vst v63  }
0x57: {  	s31 =	sadd.s32 $0x3420, s25  }
0x58: {  	[spmem:s2] =	stream.indirect.scatter.add.f32 [tilespmem:s15], [sflag:$0x5], $0x80, s31, s13, $0xb8;
	[tilespmem:$0x1E400] =	vst v63  }
0x59: {  	_ =	swait.ge [sflag:s9], $0x1000  }
0x5a: {  	[sflag:s9] =	ssyncset.done $0x0  }
0x5b: {  	[sflag:s9] =	ssyncadd.s32 $0xFFFFF000  }
0x5c: {  	_ =	swait.ge [sflag:s21], $0x1000  }
0x5d: {  	[sflag:s21] =	ssyncset.done $0x0  }
0x5e: {  	s29 =	sadd.s32 $0xA0, s25;
	[sflag:s21] =	ssyncadd.s32 $0xFFFFF000  }
0x5f: {  	[tilespmem:s15], [sflag:$0x2] =	stream.indirect.gather [hbm4b:s4+s13], $0x80, s29, s13, $0xb8;
	[tilespmem:$0x1E400] =	vst v63  }
0x60: {  	s30 =	sadd.s32 $0x3440, s25  }
0x61: {  	[spmem:s2] =	stream.indirect.scatter.add.f32 [tilespmem:s17], [sflag:$0x5], $0x80, s30, s13, $0xb8;
	[tilespmem:$0x1E400] =	vst v63  }
0x62: {  	_ =	swait.ge [sflag:s9], $0x1000  }
0x63: {  	[sflag:s9] =	ssyncset.done $0x0  }
0x64: {  	[sflag:s9] =	ssyncadd.s32 $0xFFFFF000  }
0x65: {  	_ =	swait.ge [sflag:s22], $0x1000  }
0x66: {  	[sflag:s22] =	ssyncset.done $0x0  }
0x67: {  	p1 =	sne.s32 s26, $0x6800;
	s31 =	sadd.s32 $0xC0, s25;
	[sflag:s22] =	ssyncadd.s32 $0xFFFFF000  }
0x68: {  	[tilespmem:s17], [sflag:$0x3] =	stream.indirect.gather [hbm4b:s4+s13], $0x80, s31, s13, $0xb8;
	[tilespmem:$0x1E400] =	vst v63  }
.Ltmp3:
0x69: {  	s25 =	sadd.s32 $0x3460, s25;
	(pc) =	sbr.rel @p1 .LBB2_4-.Ltmp3, $4  }
0x6a: {  	[spmem:s2] =	stream.indirect.scatter.add.f32 [tilespmem:s19], [sflag:$0x5], $0x80, s25, s13, $0xb8;
	[tilespmem:$0x1E400] =	vst v63  }
0x6b: {  	_ =	swait.ge [sflag:s9], $0x1000  }
0x6c: {  	[sflag:s9] =	ssyncset.done $0x0  }
0x6d: {  	s26 =	sadd.s32 $0x200, s26;
	[sflag:s9] =	ssyncadd.s32 $0xFFFFF000  }
.Ltmp4:
0x6e: {  	(pc) =	sbr.rel .LBB2_6-.Ltmp4, $3  }
0x6f: {  	_ =	sdelay $0x1  }
0x70: {  	s25 =	simm.s32 $0x4EE0;
	s26 =	simm.s32 $0x4EC0  }
0x71: {  	s28 =	simm.s32 $0x4EA0;
	s29 =	simm.s32 $0x4E80;
	s30 =	simm.s32 $0x1AE0  }
.LBB2_2:
0x72: {  	_ =	swait.ge [sflag:s18], $0x1000  }
0x73: {  	s26 =	sshra.s32 s25, $0x2;
	[sflag:s18] =	ssyncset.done $0x0  }
0x74: {  	s28 =	sadd.s32 $0x60, s26;
	[sflag:s18] =	ssyncadd.s32 $0xFFFFF000  }
0x75: {  	[tilespmem:s19], [sflag:$0x4] =	stream.indirect.gather [hbm4b:s4+s13], $0x80, s28, s13, $0xb8;
	[tilespmem:$0x1E400] =	vst v63  }
0x76: {  	s29 =	sadd.s32 $0x3400, s26  }
0x77: {  	[spmem:s2] =	stream.indirect.scatter.add.f32 [tilespmem:s14], [sflag:$0x5], $0x80, s29, s13, $0xb8;
	[tilespmem:$0x1E400] =	vst v63  }
0x78: {  	_ =	swait.ge [sflag:s9], $0x1000  }
0x79: {  	[sflag:s9] =	ssyncset.done $0x0  }
0x7a: {  	[sflag:s9] =	ssyncadd.s32 $0xFFFFF000  }
0x7b: {  	_ =	swait.ge [sflag:s20], $0x1000  }
0x7c: {  	[sflag:s20] =	ssyncset.done $0x0  }
0x7d: {  	s30 =	sadd.s32 $0x80, s26;
	[sflag:s20] =	ssyncadd.s32 $0xFFFFF000  }
0x7e: {  	[tilespmem:s14], [sflag:$0x1] =	stream.indirect.gather [hbm4b:s4+s13], $0x80, s30, s13, $0xb8;
	[tilespmem:$0x1E400] =	vst v63  }
0x7f: {  	s31 =	sadd.s32 $0x3420, s26  }
0x80: {  	[spmem:s2] =	stream.indirect.scatter.add.f32 [tilespmem:s15], [sflag:$0x5], $0x80, s31, s13, $0xb8;
	[tilespmem:$0x1E400] =	vst v63  }
0x81: {  	_ =	swait.ge [sflag:s9], $0x1000  }
0x82: {  	[sflag:s9] =	ssyncset.done $0x0  }
0x83: {  	[sflag:s9] =	ssyncadd.s32 $0xFFFFF000  }
0x84: {  	_ =	swait.ge [sflag:s21], $0x1000  }
0x85: {  	[sflag:s21] =	ssyncset.done $0x0  }
0x86: {  	s29 =	sadd.s32 $0xA0, s26;
	[sflag:s21] =	ssyncadd.s32 $0xFFFFF000  }
0x87: {  	[tilespmem:s15], [sflag:$0x2] =	stream.indirect.gather [hbm4b:s4+s13], $0x80, s29, s13, $0xb8;
	[tilespmem:$0x1E400] =	vst v63  }
0x88: {  	s30 =	sadd.s32 $0x3440, s26  }
0x89: {  	[spmem:s2] =	stream.indirect.scatter.add.f32 [tilespmem:s17], [sflag:$0x5], $0x80, s30, s13, $0xb8;
	[tilespmem:$0x1E400] =	vst v63  }
0x8a: {  	_ =	swait.ge [sflag:s9], $0x1000  }
0x8b: {  	[sflag:s9] =	ssyncset.done $0x0  }
0x8c: {  	[sflag:s9] =	ssyncadd.s32 $0xFFFFF000  }
0x8d: {  	_ =	swait.ge [sflag:s22], $0x1000  }
0x8e: {  	[sflag:s22] =	ssyncset.done $0x0  }
0x8f: {  	p1 =	seq.s32 s25, $0xCC00;
	s31 =	sadd.s32 $0xC0, s26;
	[sflag:s22] =	ssyncadd.s32 $0xFFFFF000  }
0x90: {  	[tilespmem:s17], [sflag:$0x3] =	stream.indirect.gather [hbm4b:s4+s13], $0x80, s31, s13, $0xb8;
	[tilespmem:$0x1E400] =	vst v63  }
.Ltmp5:
0x91: {  	s26 =	sadd.s32 $0x3460, s26;
	(pc) =	sbr.rel @!p1 .LBB2_2-.Ltmp5, $4  }
0x92: {  	[spmem:s2] =	stream.indirect.scatter.add.f32 [tilespmem:s19], [sflag:$0x5], $0x80, s26, s13, $0xb8;
	[tilespmem:$0x1E400] =	vst v63  }
0x93: {  	_ =	swait.ge [sflag:s9], $0x1000  }
0x94: {  	[sflag:s9] =	ssyncset.done $0x0  }
0x95: {  	s25 =	sadd.s32 $0x200, s25;
	[sflag:s9] =	ssyncadd.s32 $0xFFFFF000  }
.Ltmp6:
0x96: {  	_ = 	snop;
	(pc) =	sbr.rel .LBB2_3-.Ltmp6, $1  }
0x97: {  	_ =	sdelay $0x3  }
.LBB2_7:
0x98: {  	_ =	sfence.sel $0x180000  }
0x99: {  	[bflag:$0x0] =	sbarrier.arrive $0xFFFF  }
0x9a: {  	p0 =	sne.s32 s0, $0x0;
	_ =	strace $0x9000004A  }
0x9b: {  	s0 =	sadd.s32 @!p0 $0x100000, s1;
	[bflag:$0x2] =	sbarrier.arrive $0xFFFF  }
0x9c: {  	[sflag:s0] =	ssyncadd.tile.s32 @!p0 $0x1;
	_ =	shalt  }
.Lfunc_end2:
_tile_overlayer_lowered:
.L_overlay_start_2:
0x9d: {  	(tag) =	ssettag $0x2  }
0x9e: {  	s0 =	rddreg [dreg:$0x0];
	s2 =	stileid.u32  }
0x9f: {  	s1 =	rddreg [dreg:$0x1];
	p0 =	sne.s32 s2, $0x0  }
0xa0: {  	s3 =	rddreg [dreg:$0x2];
	[bflag:$0x3] =	sbarrier.arrive $0xFFFF;
	s2 =	simm.s32 @!p0 $0x1C05  }
0xa1: {  	[timem:s3], [sflag:s2] =	dma.local @!p0 [hbm:s0], s1  }
0xa2: {  	s0 =	simm.s32 @!p0 $0x5  }
0xa3: {  	_ =	swait.ge @!p0 [sflag:s0], s1  }
0xa4: {  	s1 =	ssub.s32 @!p0 $0x0, s1;
	[sflag:s0] =	ssyncset.done @!p0 $0x0  }
0xa5: {  	[sflag:s0] =	ssyncadd.s32 @!p0 s1  }
0xa6: {  	[bflag:$0x3] =	sbarrier.arrive $0xFFFF  }
0xa7: {  	_ =	shalt  }

// kernel: kernel.16.cloned.1.call-start
scs
__scs_entry_jumppad:
0x0: {  	(pc) =	sbr.rel $0x88, $3  }
0x1: {  	(tag) =	ssettag $0x0;
	lr =	simm.s32 $0x1  }
0x2: {  	[smem:$0x3F92] =	sst lr;
	_ =	strace $0xD0000000  }
0x3: {  	_ = 	snop  }
0x4: {  	_ = 	snop  }
0x5: {  	_ = 	snop  }
0x6: {  	_ = 	snop  }
0x7: {  	_ = 	snop  }
__scs_overlays_trampoline_lowered:
0x8: {  	[smem:$0x3FA1] =	sst s0  }
0x9: {  	[smem:$0x3FA2] =	sst s1  }
0xa: {  	[smem:$0x3FA3] =	sst s2  }
0xb: {  	[smem:$0x3FA4] =	sst s3  }
0xc: {  	[smem:$0x3FA5] =	sst s4  }
0xd: {  	[smem:$0x3FA6] =	sst s5  }
0xe: {  	[smem:$0x3FA7] =	sst s6  }
0xf: {  	[smem:$0x3FA8] =	sst s7  }
0x10: {  	[smem:$0x3FA9] =	sst s8  }
0x11: {  	[smem:$0x3FAA] =	sst s9;
	s0 =	simm.s32 @!p0 $0x0  }
0x12: {  	s1 =	sld [smem:$0x3F90];
	s0 =	simm.s32 @p0 $0x1  }
0x13: {  	[smem:$0x3FAB] =	sst s0;
	s0 =	simm.s32 @!p1 $0x0  }
0x14: {  	s2 =	sld [smem:$0x3F8F];
	s0 =	simm.s32 @p1 $0x1  }
0x15: {  	[smem:$0x3FAC] =	sst s0;
	s0 =	simm.s32 @!p2 $0x0  }
0x16: {  	s3 =	sld [smem:$0x3FDB];
	s0 =	simm.s32 @p2 $0x1  }
0x17: {  	s4 =	simm.s32 $0x1BF5;
	[smem:$0x3FAE] =	sst s0  }
0x18: {  	s0 =	sld [smem:$0x3F91];
	_ =	swait.ge [sflag:s4], $0x0  }
0x19: {  	s7 =	sld [smem:$0x3F92]  }
0x1a: {  	s8 =	sadd.s32 $0xFFFFE003, lr  }
0x1b: {  	s9 =	sadd.s32 $0xFFFFFEF7, lr;
	s5 =	simm.s32 $0xFFFFFFFF;
	p2 =	slt.u32 s8, $0xFFFFF086  }
0x1c: {  	p1 =	slt.u32 s9, $0xF7A;
	s5 =	simm.s32 @!p2 $0x0  }
0x1d: {  	s5 =	simm.s32 @p1 $0x1;
	p0 =	seq.s32 s7, s2  }
0x1e: {  	s7 =	smul.u32 @!p0 $0xF7A, s2;
	p2 =	seq.s32 @!p0 s5, $0x0  }
0x1f: {  	s9 =	smul.u32 $0xF7A, s1;
	s8 =	simm.s32 @!p0 $0x1BF5;
	p2 =	por !p2, p0  }
0x20: {  	[sflag:s8] =	ssyncset.s32 @!p0 $0xFFFFF086;
	s6 =	sadd.s32 @!p0 s3, s7;
	s7 =	simm.s32 @!p0 $0x108  }
0x21: {  	s3 =	sadd.s32 s3, s9;
	s6 =	sadd.s32 @!p0 $0x88, s6;
	s7 =	simm.s32 @p2 $0x1082  }
0x22: {  	[simem:s7], [sflag:s8] =	dma.local @!p0 [hbm:s6], $0xF7A  }
0x23: {  	s9 =	sor.u32 $0xD0000000, s2;
	s6 =	simm.s32 $0x108;
	_ =	swait.ge @!p0 [sflag:s8], $0x0  }
0x24: {  	s3 =	sadd.s32 $0x88, s3;
	s6 =	simm.s32 @!p1 $0x1082;
	[sflag:s4] =	ssyncset.s32 $0xFFFFF086  }
0x25: {  	[simem:s6], [sflag:s4] =	dma.local [hbm:s3], $0xF7A  }
0x26: {  	[smem:$0x3F92] =	sst s1;
	(tag) =	ssettag s2;
	_ =	strace s9  }
0x27: {  	s1 =	sld [smem:$0x3FA2]  }
0x28: {  	s2 =	sld [smem:$0x3FA3]  }
0x29: {  	s4 =	sld [smem:$0x3FA5]  }
0x2a: {  	p0 =	seq.s32 s5, $0x0;
	s5 =	sld [smem:$0x3FA6]  }
0x2b: {  	s6 =	sld [smem:$0x3FA7]  }
0x2c: {  	s7 =	sld [smem:$0x3FA8]  }
0x2d: {  	s3 =	simm.s32 $0x108;
	s8 =	sld [smem:$0x3FA9]  }
0x2e: {  	s3 =	simm.s32 @!p0 $0x1082;
	s9 =	sld [smem:$0x3FAA]  }
0x2f: {  	lr =	sadd.s32 s0, s3;
	s0 =	sld [smem:$0x3FA1]  }
0x30: {  	s3 =	sld [smem:$0x3FA4]  }
0x31: {  	[smem:$0x3FAD] =	sst s10  }
0x32: {  	s10 =	sld [smem:$0x3FAB];
	_ =	sdelay $0x3  }
0x33: {  	p0 =	seq.s32 s10, $0x1;
	s10 =	sld [smem:$0x3FAD];
	_ =	sdelay $0x3  }
0x34: {  	[smem:$0x3FAD] =	sst s10  }
0x35: {  	s10 =	sld [smem:$0x3FAC];
	_ =	sdelay $0x3  }
0x36: {  	p1 =	seq.s32 s10, $0x1;
	s10 =	sld [smem:$0x3FAD];
	_ =	sdelay $0x3  }
0x37: {  	[smem:$0x3FAD] =	sst s10  }
0x38: {  	s10 =	sld [smem:$0x3FAE]  }
0x39: {  	_ = 	snop;
	(pc) =	sbr.ind lr, $3  }
0x3a: {  	_ = 	snop  }
0x3b: {  	_ = 	snop  }
0x3c: {  	p2 =	seq.s32 s10, $0x1;
	s10 =	sld [smem:$0x3FAD]  }
0x3d: {  	_ =	shalt  }
0x3e: {  	_ =	shalt  }
0x3f: {  	_ =	shalt  }
0x40: {  	_ =	shalt  }
0x41: {  	_ =	shalt  }
0x42: {  	_ =	shalt  }
0x43: {  	_ =	shalt  }
0x44: {  	_ =	shalt  }
0x45: {  	_ =	shalt  }
0x46: {  	_ =	shalt  }
0x47: {  	_ =	shalt  }
0x48: {  	_ =	shalt  }
0x49: {  	_ =	shalt  }
0x4a: {  	_ =	shalt  }
0x4b: {  	_ =	shalt  }
0x4c: {  	_ =	shalt  }
0x4d: {  	_ =	shalt  }
0x4e: {  	_ =	shalt  }
0x4f: {  	_ =	shalt  }
0x50: {  	_ =	shalt  }
0x51: {  	_ =	shalt  }
0x52: {  	_ =	shalt  }
0x53: {  	_ =	shalt  }
0x54: {  	_ =	shalt  }
0x55: {  	_ =	shalt  }
0x56: {  	_ =	shalt  }
0x57: {  	_ =	shalt  }
0x58: {  	_ =	shalt  }
0x59: {  	_ =	shalt  }
0x5a: {  	_ =	shalt  }
0x5b: {  	_ =	shalt  }
0x5c: {  	_ =	shalt  }
0x5d: {  	_ =	shalt  }
0x5e: {  	_ =	shalt  }
0x5f: {  	_ =	shalt  }
0x60: {  	_ =	shalt  }
0x61: {  	_ =	shalt  }
0x62: {  	_ =	shalt  }
0x63: {  	_ =	shalt  }
0x64: {  	_ =	shalt  }
0x65: {  	_ =	shalt  }
0x66: {  	_ =	shalt  }
0x67: {  	_ =	shalt  }
0x68: {  	_ =	shalt  }
0x69: {  	_ =	shalt  }
0x6a: {  	_ =	shalt  }
0x6b: {  	_ =	shalt  }
0x6c: {  	_ =	shalt  }
0x6d: {  	_ =	shalt  }
0x6e: {  	_ =	shalt  }
0x6f: {  	_ =	shalt  }
0x70: {  	_ =	shalt  }
0x71: {  	_ =	shalt  }
0x72: {  	_ =	shalt  }
0x73: {  	_ =	shalt  }
0x74: {  	_ =	shalt  }
0x75: {  	_ =	shalt  }
0x76: {  	_ =	shalt  }
0x77: {  	_ =	shalt  }
0x78: {  	_ =	shalt  }
0x79: {  	_ =	shalt  }
0x7a: {  	_ =	shalt  }
0x7b: {  	_ =	shalt  }
0x7c: {  	_ =	shalt  }
0x7d: {  	_ =	shalt  }
0x7e: {  	_ =	shalt  }
0x7f: {  	_ =	shalt  }
0x80: {  	_ =	shalt  }
0x81: {  	_ =	shalt  }
0x82: {  	_ =	shalt  }
0x83: {  	_ =	shalt  }
0x84: {  	_ =	shalt  }
0x85: {  	_ =	shalt  }
0x86: {  	_ =	shalt  }
0x87: {  	_ =	shalt  }
.Lfunc_end0:
.L_simem_size_0:
called_computation.2_lowered:
.L_overlay_start_0:
0x88: {  	s2 =	sld [smem:$0x3FD9]  }
0x89: {  	s3 =	sld [smem:$0x3FFE];
	_ =	sdelay $0x1  }
0x8a: {  	s1 =	srdreg.scid  }
0x8b: {  	s0 =	sand.u32 $0x1, s1  }
0x8c: {  	s16 =	sshll.u32 s0, $0xA;
	s2 =	sadd.s32 s3, s2  }
0x8d: {  	s2 =	sadd.s32 s2, s16  }
0x8e: {  	[smem:$0x3FB9] =	sst s2  }
0x8f: {  	_ = 	snop  }
0x90: {  	(tm) =	ssettm $0x1  }
0x91: {  	s17 =	sld [smem:$0x3FFB];
	_ =	sdelay $0x3  }
0x92: {  	_ =	strace s17  }
0x93: {  	s2 =	sld [smem:$0x3FFC];
	_ =	sdelay $0x3  }
0x94: {  	_ =	strace s2  }
0x95: {  	s2 =	sld [smem:$0x3FFD];
	_ =	sdelay $0x3  }
0x96: {  	_ =	strace s2  }
0x97: {  	_ =	strace $0x8FFFFFFF  }
0x98: {  	s18 =	sld [smem:$0x3FDB];
	_ =	sdelay $0x1  }
0x99: {  	s19 =	simm.s32 $_scs_section_size  }
0x9a: {  	s4 =	simm.s32 $_size__tile_overlayer_lowered;
	s5 =	simm.s32 $_tile_overlayer_lowered  }
0x9b: {  	s22 =	simm.s32 $0x1BFF;
	s21 =	sshll.u32 s5, $0x1;
	s2 =	sadd.s32 s19, s18  }
0x9c: {  	s6 =	simm.s32 $0x0;
	s20 =	sshll.u32 s4, $0x1;
	s4 =	sadd.s32 s21, s2  }
0x9d: {  	[timem:s6], [sflag:s22] =	dma.local [hbm:s4], s20  }
0x9e: {  	_ =	swait.ge [sflag:s22], s20  }
0x9f: {  	s3 =	ssub.s32 $0x0, s20;
	[sflag:s22] =	ssyncset.done $0x0  }
0xa0: {  	[sflag:s22] =	ssyncadd.s32 s3;
	_ =	sdelay $0x1  }
0xa1: {  	s23 =	simm.s32 $0x1B8B  }
0xa2: {  	_ =	swait.ge [sflag:s23], $0x1  }
0xa3: {  	[sflag:s23] =	ssyncset.done $0x0  }
0xa4: {  	s25 =	simm.s32 $0x1B8E;
	s24 =	sld [smem:$0x3FFE];
	[sflag:s23] =	ssyncadd.s32 $0xFFFFFFFF  }
0xa5: {  	s26 =	simm.s32 $execute0_lowered;
	[smem:$0x3FD2] =	sst s25  }
0xa6: {  	s4 =	sshll.u32 s26, $0x1;
	_ =	strace $0x8000004C;
	[dreg:$0x1] =	wrdreg $0xFFFFFFFF  }
0xa7: {  	s28 =	simm.s32 $_size_execute0_lowered;
	s2 =	sadd.s32 s2, s4;
	[dreg:$0x0] =	wrdreg $0x0  }
0xa8: {  	s4 =	sshll.u32 s28, $0x1;
	[dreg:$0x2] =	wrdreg s2  }
0xa9: {  	[dreg:$0x3] =	wrdreg s4  }
0xaa: {  	[dreg:$0x4] =	wrdreg $0xC0  }
0xab: {  	_ =	task [dreg:s6], $0x5FFFF  }
0xac: {  	[dreg:$0x1] =	wrdreg $0xFFFFFFFF  }
0xad: {  	[dreg:$0x0] =	wrdreg $0x60  }
0xae: {  	[dreg:$0x2] =	wrdreg s24  }
0xaf: {  	[dreg:$0x3] =	wrdreg $0xA8000  }
0xb0: {  	[dreg:$0x4] =	wrdreg $0x9  }
0xb1: {  	_ =	task.clear_ibuf [dreg:s6], $0x5FFFF;
	_ =	strace $0x9000004C  }
0xb2: {  	s29 =	simm.s32 $0x9;
	_ =	strace $0x8000004E  }
0xb3: {  	_ =	swait.ge [sflag:s29], $0x1  }
0xb4: {  	[sflag:s29] =	ssyncadd.s32 $0xFFFFFFFF  }
0xb5: {  	_ =	strace $0x9000004E  }
0xb6: {  	_ =	sfence  }
0xb7: {  	s30 =	sld [smem:$0x0];
	_ =	sdelay $0x2  }
0xb8: {  	s31 =	sshll.u32 s1, $0xD;
	s1 =	sshrl.u32 s1, $0x2  }
0xb9: {  	s3 =	sand.u32 $0x4000, s31;
	s1 =	sadd.s32 s1, s30  }
0xba: {  	s0 =	sor.u32 s3, s0;
	s1 =	sshll.u32 s1, $0x11  }
0xbb: {  	s0 =	sor.u32 s1, s0  }
0xbc: {  	s0 =	sadd.s32 $0x8F2B, s0  }
0xbd: {  	[sflag:s0] =	ssyncadd.remote.s32 $0x1  }
0xbe: {  	_ =	sfence.sel $0xFFFF  }
0xbf: {  	[dreg:$0x0] =	wrdreg $0xFFFFFFFF;
	(pc) =	sbr.abs _section_cstart, $3  }
0xc0: {  	[dreg:$0x1] =	wrdreg $0xFFFFFFFF  }
0xc1: {  	_ =	task.clear_ibuf [dreg:s6], $0x2FFFF;
	_ =	strace $0x9FFFFFFF  }
0xc2: {  	(tm) =	ssettm $0x7FFFFFFF  }
0xc3: {  	_ =	shalt  }
tec
execute0_lowered:
.L_overlay_start_1:
0x0: {  	(tag) =	ssettag $0x1  }
0x1: {  	s5 =	rddreg [dreg:$0x0]  }
0x2: {  	s0 =	srdreg.scid;
	s2 =	rddreg [dreg:$0x1]  }
0x3: {  	s3 =	simm.s32 $0x0;
	s14 =	simm.s32 $0x6800;
	s15 =	simm.s32 $0x7800  }
0x4: {  	s16 =	simm.s32 $0x40;
	s17 =	simm.s32 $0x8800;
	s18 =	simm.s32 $0x1  }
0x5: {  	s19 =	simm.s32 $0x9800;
	s8 =	sand.u32 $0x1, s0;
	s0 =	stileid.u32  }
0x6: {  	s20 =	simm.s32 $0x2;
	s21 =	simm.s32 $0x3;
	s23 =	smul.u32 $0x2780, s0  }
0x7: {  	s22 =	simm.s32 $0x4;
	[smem:$0x7FF] =	sst s3;
	s7 =	smul.u32 $0x27800, s8  }
0x8: {  	s1 =	sshll.u32 s8, $0x4;
	s9 =	ssub.s32 $0x2, s8;
	s10 =	smul.u32 $0x4F000, s0  }
0x9: {  	p0 =	seq.s32 s8, $0x1;
	s31 =	sshll.u32 s0, $0x6;
	s4 =	sor.u32 s0, s1  }
0xa: {  	s1 =	rddreg [dreg:$0x2];
	_ =	strace $0x8000004D;
	s12 =	sshrl.u32 s9, $0x1  }
0xb: {  	s6 =	smul.u32 $0x680, s4;
	s4 =	sadd.s32 $0x35800, s5;
	s11 =	sadd.s32 s23, s5  }
0xc: {  	s13 =	sadd.s32 s7, s5;
	s9 =	ssub.s32 s9, s12;
	s29 =	sshrl.u32 s10, $0x2  }
.Ltmp0:
0xd: {  	s10 =	simm.s32 $0x3400;
	s30 =	sadd.s32 s29, s2;
	(pc) =	sbr.rel .LBB2_1-.Ltmp0, $4  }
0xe: {  	s7 =	sadd.s32 $0xE000, s11;
	s24 =	sadd.s32 $0x9E800, s13;
	s8 =	smax.u32 s9, $0x1  }
0xf: {  	s9 =	simm.s32 $0x5;
	s11 =	sor.u32 $0x1C05, s31;
	s13 =	simm.s32 $0x20  }
0x10: {  	s6 =	sadd.s32 s6, s5;
	s12 =	sshrl.u32 s30, $0x3;
	s23 =	sadd.s32 s23, s24  }
0x11: {  	s24 =	simm.s32 $0x0;
	s5 =	sadd.s32 $0x84800, s6;
	s6 =	sadd.s32 $0x91800, s6  }
.LBB2_3:
0x12: {  	s25 =	simm.s32 $0x67E0;
	s26 =	simm.s32 $0x67C0  }
0x13: {  	s28 =	simm.s32 $0x67A0;
	s29 =	simm.s32 $0x6780;
	s30 =	simm.s32 $0x33E0  }
.LBB2_6:
0x14: {  	_ =	swait.ge [sflag:s18], $0x1000  }
0x15: {  	[sflag:s18] =	ssyncset.done $0x0  }
0x16: {  	[sflag:s18] =	ssyncadd.s32 $0xFFFFF000  }
0x17: {  	[tilespmem:s19], [sflag:$0x4] =	stream.indirect.gather [hbm4b:s4+s13], $0x80, s30, s13, $0xb8;
	[tilespmem:$0x1E400] =	vst v63  }
0x18: {  	_ = 	snop  }
0x19: {  	[spmem:s2] =	stream.indirect.scatter.add.f32 [tilespmem:s14], [sflag:$0x5], $0x80, s29, s13, $0xb8;
	[tilespmem:$0x1E400] =	vst v63  }
0x1a: {  	_ =	swait.ge [sflag:s9], $0x1000  }
0x1b: {  	[sflag:s9] =	ssyncset.done $0x0  }
0x1c: {  	[sflag:s9] =	ssyncadd.s32 $0xFFFFF000  }
0x1d: {  	_ =	swait.ge [sflag:s20], $0x1000  }
0x1e: {  	[sflag:s20] =	ssyncset.done $0x0  }
0x1f: {  	[sflag:s20] =	ssyncadd.s32 $0xFFFFF000  }
0x20: {  	[spmem:s2] =	stream.indirect.scatter.add.f32 [tilespmem:s15], [sflag:$0x5], $0x80, s28, s13, $0xb8;
	[tilespmem:$0x1E400] =	vst v63  }
0x21: {  	_ =	swait.ge [sflag:s9], $0x1000  }
0x22: {  	[sflag:s9] =	ssyncset.done $0x0  }
0x23: {  	[sflag:s9] =	ssyncadd.s32 $0xFFFFF000  }
0x24: {  	_ =	swait.ge [sflag:s21], $0x1000  }
0x25: {  	[sflag:s21] =	ssyncset.done $0x0  }
0x26: {  	[sflag:s21] =	ssyncadd.s32 $0xFFFFF000  }
0x27: {  	[spmem:s2] =	stream.indirect.scatter.add.f32 [tilespmem:s17], [sflag:$0x5], $0x80, s26, s13, $0xb8;
	[tilespmem:$0x1E400] =	vst v63  }
0x28: {  	_ =	swait.ge [sflag:s9], $0x1000  }
0x29: {  	[sflag:s9] =	ssyncset.done $0x0  }
0x2a: {  	[sflag:s9] =	ssyncadd.s32 $0xFFFFF000  }
0x2b: {  	_ =	swait.ge [sflag:s22], $0x1000  }
0x2c: {  	[sflag:s22] =	ssyncset.done $0x0  }
0x2d: {  	[sflag:s22] =	ssyncadd.s32 $0xFFFFF000  }
0x2e: {  	[spmem:s2] =	stream.indirect.scatter.add.f32 [tilespmem:s19], [sflag:$0x5], $0x80, s25, s13, $0xb8;
	[tilespmem:$0x1E400] =	vst v63  }
0x2f: {  	_ =	swait.ge [sflag:s9], $0x1000  }
0x30: {  	s24 =	sadd.s32 $0x1, s24;
	[sflag:s9] =	ssyncset.done $0x0  }
0x31: {  	p1 =	sne.s32 s24, s8;
	[sflag:s9] =	ssyncadd.s32 $0xFFFFF000  }
.Ltmp1:
0x32: {  	[bflag:$0x0] =	sbarrier.arrive $0xFFFF;
	(pc) =	sbr.rel @!p1 .LBB2_7-.Ltmp1, $4  }
0x33: {  	[hbm:s23], [sflag:s11] =	dma.local [spmem:s12], $0x2780  }
0x34: {  	_ =	swait.ge [sflag:s9], $0x2780  }
0x35: {  	[sflag:s9] =	ssyncset.done $0x0  }
0x36: {  	[sflag:s9] =	ssyncadd.s32 $0xFFFFD880  }
.LBB2_1:
0x37: {  	[tilespmem:s3], [sflag:$0x5] =	stream.linear.gather [hbm4b:s5+s3], $0x3400, $0x38;
	[tilespmem:$0x1E400] =	vst v63  }
0x38: {  	_ =	swait.ge [sflag:s9], $0x3400  }
0x39: {  	[sflag:s9] =	ssyncset.done $0x0  }
0x3a: {  	[sflag:s9] =	ssyncadd.s32 $0xFFFFCC00  }
0x3b: {  	[tilespmem:s10], [sflag:$0x5] =	stream.linear.gather [hbm4b:s6+s3], $0x3400, $0x38;
	[tilespmem:$0x1E400] =	vst v63  }
0x3c: {  	_ =	swait.ge [sflag:s9], $0x3400  }
0x3d: {  	[sflag:s9] =	ssyncset.done $0x0  }
0x3e: {  	[sflag:s9] =	ssyncadd.s32 $0xFFFFCC00  }
0x3f: {  	[spmem:s12], [sflag:s11] =	dma.local [hbm:s7], $0x2780  }
0x40: {  	_ =	swait.ge [sflag:s9], $0x2780  }
0x41: {  	[sflag:s9] =	ssyncset.done $0x0  }
0x42: {  	[sflag:s9] =	ssyncadd.s32 $0xFFFFD880  }
0x43: {  	[bflag:$0x0] =	sbarrier.arrive $0xFFFF  }
0x44: {  	[tilespmem:s14], [sflag:$0x1] =	stream.indirect.gather [hbm4b:s4+s13], $0x80, s3, s13, $0xb8;
	[tilespmem:$0x1E400] =	vst v63  }
.Ltmp2:
0x45: {  	_ = 	snop;
	(pc) =	sbr.rel @!p0 .LBB2_2-.Ltmp2, $4  }
0x46: {  	_ = 	snop  }
0x47: {  	[tilespmem:s15], [sflag:$0x2] =	stream.indirect.gather [hbm4b:s4+s13], $0x80, s13, s13, $0xb8;
	[tilespmem:$0x1E400] =	vst v63  }
0x48: {  	s25 =	simm.s32 $0x0;
	s26 =	simm.s32 $0x0  }
0x49: {  	[tilespmem:s17], [sflag:$0x3] =	stream.indirect.gather [hbm4b:s4+s13], $0x80, s16, s13, $0xb8;
	[tilespmem:$0x1E400] =	vst v63  }
.LBB2_4:
0x4a: {  	_ =	swait.ge [sflag:s18], $0x1000  }
0x4b: {  	s25 =	sshra.s32 s26, $0x2;
	[sflag:s18] =	ssyncset.done $0x0  }
0x4c: {  	s28 =	sadd.s32 $0x60, s25;
	[sflag:s18] =	ssyncadd.s32 $0xFFFFF000  }
0x4d: {  	[tilespmem:s19], [sflag:$0x4] =	stream.indirect.gather [hbm4b:s4+s13], $0x80, s28, s13, $0xb8;
	[tilespmem:$0x1E400] =	vst v63  }
0x4e: {  	s29 =	sadd.s32 $0x3400, s25  }
0x4f: {  	[spmem:s2] =	stream.indirect.scatter.add.f32 [tilespmem:s14], [sflag:$0x5], $0x80, s29, s13, $0xb8;
	[tilespmem:$0x1E400] =	vst v63  }
0x50: {  	_ =	swait.ge [sflag:s9], $0x1000  }
0x51: {  	[sflag:s9] =	ssyncset.done $0x0  }
0x52: {  	[sflag:s9] =	ssyncadd.s32 $0xFFFFF000  }
0x53: {  	_ =	swait.ge [sflag:s20], $0x1000  }
0x54: {  	[sflag:s20] =	ssyncset.done $0x0  }
0x55: {  	s30 =	sadd.s32 $0x80, s25;
	[sflag:s20] =	ssyncadd.s32 $0xFFFFF000  }
0x56: {  	[tilespmem:s14], [sflag:$0x1] =	stream.indirect.gather [hbm4b:s4+s13], $0x80, s30, s13, $0xb8;
	[tilespmem:$0x1E400] =	vst v63  }
0x57: {  	s31 =	sadd.s32 $0x3420, s25  }
0x58: {  	[spmem:s2] =	stream.indirect.scatter.add.f32 [tilespmem:s15], [sflag:$0x5], $0x80, s31, s13, $0xb8;
	[tilespmem:$0x1E400] =	vst v63  }
0x59: {  	_ =	swait.ge [sflag:s9], $0x1000  }
0x5a: {  	[sflag:s9] =	ssyncset.done $0x0  }
0x5b: {  	[sflag:s9] =	ssyncadd.s32 $0xFFFFF000  }
0x5c: {  	_ =	swait.ge [sflag:s21], $0x1000  }
0x5d: {  	[sflag:s21] =	ssyncset.done $0x0  }
0x5e: {  	s29 =	sadd.s32 $0xA0, s25;
	[sflag:s21] =	ssyncadd.s32 $0xFFFFF000  }
0x5f: {  	[tilespmem:s15], [sflag:$0x2] =	stream.indirect.gather [hbm4b:s4+s13], $0x80, s29, s13, $0xb8;
	[tilespmem:$0x1E400] =	vst v63  }
0x60: {  	s30 =	sadd.s32 $0x3440, s25  }
0x61: {  	[spmem:s2] =	stream.indirect.scatter.add.f32 [tilespmem:s17], [sflag:$0x5], $0x80, s30, s13, $0xb8;
	[tilespmem:$0x1E400] =	vst v63  }
0x62: {  	_ =	swait.ge [sflag:s9], $0x1000  }
0x63: {  	[sflag:s9] =	ssyncset.done $0x0  }
0x64: {  	[sflag:s9] =	ssyncadd.s32 $0xFFFFF000  }
0x65: {  	_ =	swait.ge [sflag:s22], $0x1000  }
0x66: {  	[sflag:s22] =	ssyncset.done $0x0  }
0x67: {  	p1 =	sne.s32 s26, $0x6800;
	s31 =	sadd.s32 $0xC0, s25;
	[sflag:s22] =	ssyncadd.s32 $0xFFFFF000  }
0x68: {  	[tilespmem:s17], [sflag:$0x3] =	stream.indirect.gather [hbm4b:s4+s13], $0x80, s31, s13, $0xb8;
	[tilespmem:$0x1E400] =	vst v63  }
.Ltmp3:
0x69: {  	s25 =	sadd.s32 $0x3460, s25;
	(pc) =	sbr.rel @p1 .LBB2_4-.Ltmp3, $4  }
0x6a: {  	[spmem:s2] =	stream.indirect.scatter.add.f32 [tilespmem:s19], [sflag:$0x5], $0x80, s25, s13, $0xb8;
	[tilespmem:$0x1E400] =	vst v63  }
0x6b: {  	_ =	swait.ge [sflag:s9], $0x1000  }
0x6c: {  	[sflag:s9] =	ssyncset.done $0x0  }
0x6d: {  	s26 =	sadd.s32 $0x200, s26;
	[sflag:s9] =	ssyncadd.s32 $0xFFFFF000  }
.Ltmp4:
0x6e: {  	(pc) =	sbr.rel .LBB2_6-.Ltmp4, $3  }
0x6f: {  	_ =	sdelay $0x1  }
0x70: {  	s25 =	simm.s32 $0x4EE0;
	s26 =	simm.s32 $0x4EC0  }
0x71: {  	s28 =	simm.s32 $0x4EA0;
	s29 =	simm.s32 $0x4E80;
	s30 =	simm.s32 $0x1AE0  }
.LBB2_2:
0x72: {  	_ =	swait.ge [sflag:s18], $0x1000  }
0x73: {  	s26 =	sshra.s32 s25, $0x2;
	[sflag:s18] =	ssyncset.done $0x0  }
0x74: {  	s28 =	sadd.s32 $0x60, s26;
	[sflag:s18] =	ssyncadd.s32 $0xFFFFF000  }
0x75: {  	[tilespmem:s19], [sflag:$0x4] =	stream.indirect.gather [hbm4b:s4+s13], $0x80, s28, s13, $0xb8;
	[tilespmem:$0x1E400] =	vst v63  }
0x76: {  	s29 =	sadd.s32 $0x3400, s26  }
0x77: {  	[spmem:s2] =	stream.indirect.scatter.add.f32 [tilespmem:s14], [sflag:$0x5], $0x80, s29, s13, $0xb8;
	[tilespmem:$0x1E400] =	vst v63  }
0x78: {  	_ =	swait.ge [sflag:s9], $0x1000  }
0x79: {  	[sflag:s9] =	ssyncset.done $0x0  }
0x7a: {  	[sflag:s9] =	ssyncadd.s32 $0xFFFFF000  }
0x7b: {  	_ =	swait.ge [sflag:s20], $0x1000  }
0x7c: {  	[sflag:s20] =	ssyncset.done $0x0  }
0x7d: {  	s30 =	sadd.s32 $0x80, s26;
	[sflag:s20] =	ssyncadd.s32 $0xFFFFF000  }
0x7e: {  	[tilespmem:s14], [sflag:$0x1] =	stream.indirect.gather [hbm4b:s4+s13], $0x80, s30, s13, $0xb8;
	[tilespmem:$0x1E400] =	vst v63  }
0x7f: {  	s31 =	sadd.s32 $0x3420, s26  }
0x80: {  	[spmem:s2] =	stream.indirect.scatter.add.f32 [tilespmem:s15], [sflag:$0x5], $0x80, s31, s13, $0xb8;
	[tilespmem:$0x1E400] =	vst v63  }
0x81: {  	_ =	swait.ge [sflag:s9], $0x1000  }
0x82: {  	[sflag:s9] =	ssyncset.done $0x0  }
0x83: {  	[sflag:s9] =	ssyncadd.s32 $0xFFFFF000  }
0x84: {  	_ =	swait.ge [sflag:s21], $0x1000  }
0x85: {  	[sflag:s21] =	ssyncset.done $0x0  }
0x86: {  	s29 =	sadd.s32 $0xA0, s26;
	[sflag:s21] =	ssyncadd.s32 $0xFFFFF000  }
0x87: {  	[tilespmem:s15], [sflag:$0x2] =	stream.indirect.gather [hbm4b:s4+s13], $0x80, s29, s13, $0xb8;
	[tilespmem:$0x1E400] =	vst v63  }
0x88: {  	s30 =	sadd.s32 $0x3440, s26  }
0x89: {  	[spmem:s2] =	stream.indirect.scatter.add.f32 [tilespmem:s17], [sflag:$0x5], $0x80, s30, s13, $0xb8;
	[tilespmem:$0x1E400] =	vst v63  }
0x8a: {  	_ =	swait.ge [sflag:s9], $0x1000  }
0x8b: {  	[sflag:s9] =	ssyncset.done $0x0  }
0x8c: {  	[sflag:s9] =	ssyncadd.s32 $0xFFFFF000  }
0x8d: {  	_ =	swait.ge [sflag:s22], $0x1000  }
0x8e: {  	[sflag:s22] =	ssyncset.done $0x0  }
0x8f: {  	p1 =	seq.s32 s25, $0xCC00;
	s31 =	sadd.s32 $0xC0, s26;
	[sflag:s22] =	ssyncadd.s32 $0xFFFFF000  }
0x90: {  	[tilespmem:s17], [sflag:$0x3] =	stream.indirect.gather [hbm4b:s4+s13], $0x80, s31, s13, $0xb8;
	[tilespmem:$0x1E400] =	vst v63  }
.Ltmp5:
0x91: {  	s26 =	sadd.s32 $0x3460, s26;
	(pc) =	sbr.rel @!p1 .LBB2_2-.Ltmp5, $4  }
0x92: {  	[spmem:s2] =	stream.indirect.scatter.add.f32 [tilespmem:s19], [sflag:$0x5], $0x80, s26, s13, $0xb8;
	[tilespmem:$0x1E400] =	vst v63  }
0x93: {  	_ =	swait.ge [sflag:s9], $0x1000  }
0x94: {  	[sflag:s9] =	ssyncset.done $0x0  }
0x95: {  	s25 =	sadd.s32 $0x200, s25;
	[sflag:s9] =	ssyncadd.s32 $0xFFFFF000  }
.Ltmp6:
0x96: {  	_ = 	snop;
	(pc) =	sbr.rel .LBB2_3-.Ltmp6, $1  }
0x97: {  	_ =	sdelay $0x3  }
.LBB2_7:
0x98: {  	_ =	sfence.sel $0x180000  }
0x99: {  	[bflag:$0x0] =	sbarrier.arrive $0xFFFF  }
0x9a: {  	p0 =	sne.s32 s0, $0x0;
	_ =	strace $0x9000004D  }
0x9b: {  	s0 =	sadd.s32 @!p0 $0x100000, s1;
	[bflag:$0x2] =	sbarrier.arrive $0xFFFF  }
0x9c: {  	[sflag:s0] =	ssyncadd.tile.s32 @!p0 $0x1;
	_ =	shalt  }
.Lfunc_end2:
_tile_overlayer_lowered:
.L_overlay_start_2:
0x9d: {  	(tag) =	ssettag $0x2  }
0x9e: {  	s0 =	rddreg [dreg:$0x0];
	s2 =	stileid.u32  }
0x9f: {  	s1 =	rddreg [dreg:$0x1];
	p0 =	sne.s32 s2, $0x0  }
0xa0: {  	s3 =	rddreg [dreg:$0x2];
	[bflag:$0x3] =	sbarrier.arrive $0xFFFF;
	s2 =	simm.s32 @!p0 $0x1C05  }
0xa1: {  	[timem:s3], [sflag:s2] =	dma.local @!p0 [hbm:s0], s1  }
0xa2: {  	s0 =	simm.s32 @!p0 $0x5  }
0xa3: {  	_ =	swait.ge @!p0 [sflag:s0], s1  }
0xa4: {  	s1 =	ssub.s32 @!p0 $0x0, s1;
	[sflag:s0] =	ssyncset.done @!p0 $0x0  }
0xa5: {  	[sflag:s0] =	ssyncadd.s32 @!p0 s1  }
0xa6: {  	[bflag:$0x3] =	sbarrier.arrive $0xFFFF  }
0xa7: {  	_ =	shalt  }

// kernel: kernel.19.cloned.1.call-start
scs
__scs_entry_jumppad:
0x0: {  	(pc) =	sbr.rel $0x88, $3  }
0x1: {  	(tag) =	ssettag $0x0;
	lr =	simm.s32 $0x1  }
0x2: {  	[smem:$0x3F92] =	sst lr;
	_ =	strace $0xD0000000  }
0x3: {  	_ = 	snop  }
0x4: {  	_ = 	snop  }
0x5: {  	_ = 	snop  }
0x6: {  	_ = 	snop  }
0x7: {  	_ = 	snop  }
__scs_overlays_trampoline_lowered:
0x8: {  	[smem:$0x3FA1] =	sst s0  }
0x9: {  	[smem:$0x3FA2] =	sst s1  }
0xa: {  	[smem:$0x3FA3] =	sst s2  }
0xb: {  	[smem:$0x3FA4] =	sst s3  }
0xc: {  	[smem:$0x3FA5] =	sst s4  }
0xd: {  	[smem:$0x3FA6] =	sst s5  }
0xe: {  	[smem:$0x3FA7] =	sst s6  }
0xf: {  	[smem:$0x3FA8] =	sst s7  }
0x10: {  	[smem:$0x3FA9] =	sst s8  }
0x11: {  	[smem:$0x3FAA] =	sst s9;
	s0 =	simm.s32 @!p0 $0x0  }
0x12: {  	s1 =	sld [smem:$0x3F90];
	s0 =	simm.s32 @p0 $0x1  }
0x13: {  	[smem:$0x3FAB] =	sst s0;
	s0 =	simm.s32 @!p1 $0x0  }
0x14: {  	s2 =	sld [smem:$0x3F8F];
	s0 =	simm.s32 @p1 $0x1  }
0x15: {  	[smem:$0x3FAC] =	sst s0;
	s0 =	simm.s32 @!p2 $0x0  }
0x16: {  	s3 =	sld [smem:$0x3FDB];
	s0 =	simm.s32 @p2 $0x1  }
0x17: {  	s4 =	simm.s32 $0x1BF5;
	[smem:$0x3FAE] =	sst s0  }
0x18: {  	s0 =	sld [smem:$0x3F91];
	_ =	swait.ge [sflag:s4], $0x0  }
0x19: {  	s7 =	sld [smem:$0x3F92]  }
0x1a: {  	s8 =	sadd.s32 $0xFFFFE003, lr  }
0x1b: {  	s9 =	sadd.s32 $0xFFFFFEF7, lr;
	s5 =	simm.s32 $0xFFFFFFFF;
	p2 =	slt.u32 s8, $0xFFFFF086  }
0x1c: {  	p1 =	slt.u32 s9, $0xF7A;
	s5 =	simm.s32 @!p2 $0x0  }
0x1d: {  	s5 =	simm.s32 @p1 $0x1;
	p0 =	seq.s32 s7, s2  }
0x1e: {  	s7 =	smul.u32 @!p0 $0xF7A, s2;
	p2 =	seq.s32 @!p0 s5, $0x0  }
0x1f: {  	s9 =	smul.u32 $0xF7A, s1;
	s8 =	simm.s32 @!p0 $0x1BF5;
	p2 =	por !p2, p0  }
0x20: {  	[sflag:s8] =	ssyncset.s32 @!p0 $0xFFFFF086;
	s6 =	sadd.s32 @!p0 s3, s7;
	s7 =	simm.s32 @!p0 $0x108  }
0x21: {  	s3 =	sadd.s32 s3, s9;
	s6 =	sadd.s32 @!p0 $0x88, s6;
	s7 =	simm.s32 @p2 $0x1082  }
0x22: {  	[simem:s7], [sflag:s8] =	dma.local @!p0 [hbm:s6], $0xF7A  }
0x23: {  	s9 =	sor.u32 $0xD0000000, s2;
	s6 =	simm.s32 $0x108;
	_ =	swait.ge @!p0 [sflag:s8], $0x0  }
0x24: {  	s3 =	sadd.s32 $0x88, s3;
	s6 =	simm.s32 @!p1 $0x1082;
	[sflag:s4] =	ssyncset.s32 $0xFFFFF086  }
0x25: {  	[simem:s6], [sflag:s4] =	dma.local [hbm:s3], $0xF7A  }
0x26: {  	[smem:$0x3F92] =	sst s1;
	(tag) =	ssettag s2;
	_ =	strace s9  }
0x27: {  	s1 =	sld [smem:$0x3FA2]  }
0x28: {  	s2 =	sld [smem:$0x3FA3]  }
0x29: {  	s4 =	sld [smem:$0x3FA5]  }
0x2a: {  	p0 =	seq.s32 s5, $0x0;
	s5 =	sld [smem:$0x3FA6]  }
0x2b: {  	s6 =	sld [smem:$0x3FA7]  }
0x2c: {  	s7 =	sld [smem:$0x3FA8]  }
0x2d: {  	s3 =	simm.s32 $0x108;
	s8 =	sld [smem:$0x3FA9]  }
0x2e: {  	s3 =	simm.s32 @!p0 $0x1082;
	s9 =	sld [smem:$0x3FAA]  }
0x2f: {  	lr =	sadd.s32 s0, s3;
	s0 =	sld [smem:$0x3FA1]  }
0x30: {  	s3 =	sld [smem:$0x3FA4]  }
0x31: {  	[smem:$0x3FAD] =	sst s10  }
0x32: {  	s10 =	sld [smem:$0x3FAB];
	_ =	sdelay $0x3  }
0x33: {  	p0 =	seq.s32 s10, $0x1;
	s10 =	sld [smem:$0x3FAD];
	_ =	sdelay $0x3  }
0x34: {  	[smem:$0x3FAD] =	sst s10  }
0x35: {  	s10 =	sld [smem:$0x3FAC];
	_ =	sdelay $0x3  }
0x36: {  	p1 =	seq.s32 s10, $0x1;
	s10 =	sld [smem:$0x3FAD];
	_ =	sdelay $0x3  }
0x37: {  	[smem:$0x3FAD] =	sst s10  }
0x38: {  	s10 =	sld [smem:$0x3FAE]  }
0x39: {  	_ = 	snop;
	(pc) =	sbr.ind lr, $3  }
0x3a: {  	_ = 	snop  }
0x3b: {  	_ = 	snop  }
0x3c: {  	p2 =	seq.s32 s10, $0x1;
	s10 =	sld [smem:$0x3FAD]  }
0x3d: {  	_ =	shalt  }
0x3e: {  	_ =	shalt  }
0x3f: {  	_ =	shalt  }
0x40: {  	_ =	shalt  }
0x41: {  	_ =	shalt  }
0x42: {  	_ =	shalt  }
0x43: {  	_ =	shalt  }
0x44: {  	_ =	shalt  }
0x45: {  	_ =	shalt  }
0x46: {  	_ =	shalt  }
0x47: {  	_ =	shalt  }
0x48: {  	_ =	shalt  }
0x49: {  	_ =	shalt  }
0x4a: {  	_ =	shalt  }
0x4b: {  	_ =	shalt  }
0x4c: {  	_ =	shalt  }
0x4d: {  	_ =	shalt  }
0x4e: {  	_ =	shalt  }
0x4f: {  	_ =	shalt  }
0x50: {  	_ =	shalt  }
0x51: {  	_ =	shalt  }
0x52: {  	_ =	shalt  }
0x53: {  	_ =	shalt  }
0x54: {  	_ =	shalt  }
0x55: {  	_ =	shalt  }
0x56: {  	_ =	shalt  }
0x57: {  	_ =	shalt  }
0x58: {  	_ =	shalt  }
0x59: {  	_ =	shalt  }
0x5a: {  	_ =	shalt  }
0x5b: {  	_ =	shalt  }
0x5c: {  	_ =	shalt  }
0x5d: {  	_ =	shalt  }
0x5e: {  	_ =	shalt  }
0x5f: {  	_ =	shalt  }
0x60: {  	_ =	shalt  }
0x61: {  	_ =	shalt  }
0x62: {  	_ =	shalt  }
0x63: {  	_ =	shalt  }
0x64: {  	_ =	shalt  }
0x65: {  	_ =	shalt  }
0x66: {  	_ =	shalt  }
0x67: {  	_ =	shalt  }
0x68: {  	_ =	shalt  }
0x69: {  	_ =	shalt  }
0x6a: {  	_ =	shalt  }
0x6b: {  	_ =	shalt  }
0x6c: {  	_ =	shalt  }
0x6d: {  	_ =	shalt  }
0x6e: {  	_ =	shalt  }
0x6f: {  	_ =	shalt  }
0x70: {  	_ =	shalt  }
0x71: {  	_ =	shalt  }
0x72: {  	_ =	shalt  }
0x73: {  	_ =	shalt  }
0x74: {  	_ =	shalt  }
0x75: {  	_ =	shalt  }
0x76: {  	_ =	shalt  }
0x77: {  	_ =	shalt  }
0x78: {  	_ =	shalt  }
0x79: {  	_ =	shalt  }
0x7a: {  	_ =	shalt  }
0x7b: {  	_ =	shalt  }
0x7c: {  	_ =	shalt  }
0x7d: {  	_ =	shalt  }
0x7e: {  	_ =	shalt  }
0x7f: {  	_ =	shalt  }
0x80: {  	_ =	shalt  }
0x81: {  	_ =	shalt  }
0x82: {  	_ =	shalt  }
0x83: {  	_ =	shalt  }
0x84: {  	_ =	shalt  }
0x85: {  	_ =	shalt  }
0x86: {  	_ =	shalt  }
0x87: {  	_ =	shalt  }
.Lfunc_end0:
.L_simem_size_0:
called_computation.3_lowered:
.L_overlay_start_0:
0x88: {  	s2 =	sld [smem:$0x3FD9]  }
0x89: {  	s3 =	sld [smem:$0x3FFE];
	_ =	sdelay $0x1  }
0x8a: {  	s1 =	srdreg.scid  }
0x8b: {  	s0 =	sand.u32 $0x1, s1  }
0x8c: {  	s16 =	sshll.u32 s0, $0xA;
	s2 =	sadd.s32 s3, s2  }
0x8d: {  	s2 =	sadd.s32 s2, s16  }
0x8e: {  	[smem:$0x3FB9] =	sst s2  }
0x8f: {  	_ = 	snop  }
0x90: {  	(tm) =	ssettm $0x1  }
0x91: {  	s17 =	sld [smem:$0x3FFB];
	_ =	sdelay $0x3  }
0x92: {  	_ =	strace s17  }
0x93: {  	s2 =	sld [smem:$0x3FFC];
	_ =	sdelay $0x3  }
0x94: {  	_ =	strace s2  }
0x95: {  	s2 =	sld [smem:$0x3FFD];
	_ =	sdelay $0x3  }
0x96: {  	_ =	strace s2  }
0x97: {  	_ =	strace $0x8FFFFFFF  }
0x98: {  	s18 =	sld [smem:$0x3FDB];
	_ =	sdelay $0x1  }
0x99: {  	s19 =	simm.s32 $_scs_section_size  }
0x9a: {  	s4 =	simm.s32 $_size__tile_overlayer_lowered;
	s5 =	simm.s32 $_tile_overlayer_lowered  }
0x9b: {  	s22 =	simm.s32 $0x1BFF;
	s21 =	sshll.u32 s5, $0x1;
	s2 =	sadd.s32 s19, s18  }
0x9c: {  	s6 =	simm.s32 $0x0;
	s20 =	sshll.u32 s4, $0x1;
	s4 =	sadd.s32 s21, s2  }
0x9d: {  	[timem:s6], [sflag:s22] =	dma.local [hbm:s4], s20  }
0x9e: {  	_ =	swait.ge [sflag:s22], s20  }
0x9f: {  	s3 =	ssub.s32 $0x0, s20;
	[sflag:s22] =	ssyncset.done $0x0  }
0xa0: {  	[sflag:s22] =	ssyncadd.s32 s3;
	_ =	sdelay $0x1  }
0xa1: {  	s23 =	simm.s32 $0x1B8B  }
0xa2: {  	_ =	swait.ge [sflag:s23], $0x1  }
0xa3: {  	[sflag:s23] =	ssyncset.done $0x0  }
0xa4: {  	s25 =	simm.s32 $0x1B8E;
	s24 =	sld [smem:$0x3FFE];
	[sflag:s23] =	ssyncadd.s32 $0xFFFFFFFF  }
0xa5: {  	s26 =	simm.s32 $execute0_lowered;
	[smem:$0x3FD2] =	sst s25  }
0xa6: {  	s4 =	sshll.u32 s26, $0x1;
	_ =	strace $0x8000004F;
	[dreg:$0x1] =	wrdreg $0xFFFFFFFF  }
0xa7: {  	s28 =	simm.s32 $_size_execute0_lowered;
	s2 =	sadd.s32 s2, s4;
	[dreg:$0x0] =	wrdreg $0x0  }
0xa8: {  	s4 =	sshll.u32 s28, $0x1;
	[dreg:$0x2] =	wrdreg s2  }
0xa9: {  	[dreg:$0x3] =	wrdreg s4  }
0xaa: {  	[dreg:$0x4] =	wrdreg $0xC0  }
0xab: {  	_ =	task [dreg:s6], $0x5FFFF  }
0xac: {  	[dreg:$0x1] =	wrdreg $0xFFFFFFFF  }
0xad: {  	[dreg:$0x0] =	wrdreg $0x60  }
0xae: {  	[dreg:$0x2] =	wrdreg s24  }
0xaf: {  	[dreg:$0x3] =	wrdreg $0xA8000  }
0xb0: {  	[dreg:$0x4] =	wrdreg $0x9  }
0xb1: {  	_ =	task.clear_ibuf [dreg:s6], $0x5FFFF;
	_ =	strace $0x9000004F  }
0xb2: {  	s29 =	simm.s32 $0x9;
	_ =	strace $0x80000051  }
0xb3: {  	_ =	swait.ge [sflag:s29], $0x1  }
0xb4: {  	[sflag:s29] =	ssyncadd.s32 $0xFFFFFFFF  }
0xb5: {  	_ =	strace $0x90000051  }
0xb6: {  	_ =	sfence  }
0xb7: {  	s30 =	sld [smem:$0x0];
	_ =	sdelay $0x2  }
0xb8: {  	s31 =	sshll.u32 s1, $0xD;
	s1 =	sshrl.u32 s1, $0x2  }
0xb9: {  	s3 =	sand.u32 $0x4000, s31;
	s1 =	sadd.s32 s1, s30  }
0xba: {  	s0 =	sor.u32 s3, s0;
	s1 =	sshll.u32 s1, $0x11  }
0xbb: {  	s0 =	sor.u32 s1, s0  }
0xbc: {  	s0 =	sadd.s32 $0x8F2B, s0  }
0xbd: {  	[sflag:s0] =	ssyncadd.remote.s32 $0x1  }
0xbe: {  	_ =	sfence.sel $0xFFFF  }
0xbf: {  	[dreg:$0x0] =	wrdreg $0xFFFFFFFF;
	(pc) =	sbr.abs _section_cstart, $3  }
0xc0: {  	[dreg:$0x1] =	wrdreg $0xFFFFFFFF  }
0xc1: {  	_ =	task.clear_ibuf [dreg:s6], $0x2FFFF;
	_ =	strace $0x9FFFFFFF  }
0xc2: {  	(tm) =	ssettm $0x7FFFFFFF  }
0xc3: {  	_ =	shalt  }
tec
execute0_lowered:
.L_overlay_start_1:
0x0: {  	(tag) =	ssettag $0x1  }
0x1: {  	s5 =	rddreg [dreg:$0x0]  }
0x2: {  	s0 =	srdreg.scid;
	s2 =	rddreg [dreg:$0x1]  }
0x3: {  	s3 =	simm.s32 $0x0;
	s14 =	simm.s32 $0x6800;
	s15 =	simm.s32 $0x7800  }
0x4: {  	s16 =	simm.s32 $0x40;
	s17 =	simm.s32 $0x8800;
	s18 =	simm.s32 $0x1  }
0x5: {  	s19 =	simm.s32 $0x9800;
	s8 =	sand.u32 $0x1, s0;
	s0 =	stileid.u32  }
0x6: {  	s20 =	simm.s32 $0x2;
	s21 =	simm.s32 $0x3;
	s23 =	smul.u32 $0x2780, s0  }
0x7: {  	s22 =	simm.s32 $0x4;
	[smem:$0x7FF] =	sst s3;
	s7 =	smul.u32 $0x27800, s8  }
0x8: {  	s1 =	sshll.u32 s8, $0x4;
	s9 =	ssub.s32 $0x2, s8;
	s10 =	smul.u32 $0x4F000, s0  }
0x9: {  	p0 =	seq.s32 s8, $0x1;
	s31 =	sshll.u32 s0, $0x6;
	s4 =	sor.u32 s0, s1  }
0xa: {  	s1 =	rddreg [dreg:$0x2];
	_ =	strace $0x80000050;
	s12 =	sshrl.u32 s9, $0x1  }
0xb: {  	s6 =	smul.u32 $0x680, s4;
	s4 =	sadd.s32 $0x35800, s5;
	s11 =	sadd.s32 s23, s5  }
0xc: {  	s13 =	sadd.s32 s7, s5;
	s9 =	ssub.s32 s9, s12;
	s29 =	sshrl.u32 s10, $0x2  }
.Ltmp0:
0xd: {  	s10 =	simm.s32 $0x3400;
	s30 =	sadd.s32 s29, s2;
	(pc) =	sbr.rel .LBB2_1-.Ltmp0, $4  }
0xe: {  	s7 =	sadd.s32 $0xE000, s11;
	s24 =	sadd.s32 $0x9E800, s13;
	s8 =	smax.u32 s9, $0x1  }
0xf: {  	s9 =	simm.s32 $0x5;
	s11 =	sor.u32 $0x1C05, s31;
	s13 =	simm.s32 $0x20  }
0x10: {  	s6 =	sadd.s32 s6, s5;
	s12 =	sshrl.u32 s30, $0x3;
	s23 =	sadd.s32 s23, s24  }
0x11: {  	s24 =	simm.s32 $0x0;
	s5 =	sadd.s32 $0x84800, s6;
	s6 =	sadd.s32 $0x91800, s6  }
.LBB2_3:
0x12: {  	s25 =	simm.s32 $0x67E0;
	s26 =	simm.s32 $0x67C0  }
0x13: {  	s28 =	simm.s32 $0x67A0;
	s29 =	simm.s32 $0x6780;
	s30 =	simm.s32 $0x33E0  }
.LBB2_6:
0x14: {  	_ =	swait.ge [sflag:s18], $0x1000  }
0x15: {  	[sflag:s18] =	ssyncset.done $0x0  }
0x16: {  	[sflag:s18] =	ssyncadd.s32 $0xFFFFF000  }
0x17: {  	[tilespmem:s19], [sflag:$0x4] =	stream.indirect.gather [hbm4b:s4+s13], $0x80, s30, s13, $0xb8;
	[tilespmem:$0x1E400] =	vst v63  }
0x18: {  	_ = 	snop  }
0x19: {  	[spmem:s2] =	stream.indirect.scatter.add.f32 [tilespmem:s14], [sflag:$0x5], $0x80, s29, s13, $0xb8;
	[tilespmem:$0x1E400] =	vst v63  }
0x1a: {  	_ =	swait.ge [sflag:s9], $0x1000  }
0x1b: {  	[sflag:s9] =	ssyncset.done $0x0  }
0x1c: {  	[sflag:s9] =	ssyncadd.s32 $0xFFFFF000  }
0x1d: {  	_ =	swait.ge [sflag:s20], $0x1000  }
0x1e: {  	[sflag:s20] =	ssyncset.done $0x0  }
0x1f: {  	[sflag:s20] =	ssyncadd.s32 $0xFFFFF000  }
0x20: {  	[spmem:s2] =	stream.indirect.scatter.add.f32 [tilespmem:s15], [sflag:$0x5], $0x80, s28, s13, $0xb8;
	[tilespmem:$0x1E400] =	vst v63  }
0x21: {  	_ =	swait.ge [sflag:s9], $0x1000  }
0x22: {  	[sflag:s9] =	ssyncset.done $0x0  }
0x23: {  	[sflag:s9] =	ssyncadd.s32 $0xFFFFF000  }
0x24: {  	_ =	swait.ge [sflag:s21], $0x1000  }
0x25: {  	[sflag:s21] =	ssyncset.done $0x0  }
0x26: {  	[sflag:s21] =	ssyncadd.s32 $0xFFFFF000  }
0x27: {  	[spmem:s2] =	stream.indirect.scatter.add.f32 [tilespmem:s17], [sflag:$0x5], $0x80, s26, s13, $0xb8;
	[tilespmem:$0x1E400] =	vst v63  }
0x28: {  	_ =	swait.ge [sflag:s9], $0x1000  }
0x29: {  	[sflag:s9] =	ssyncset.done $0x0  }
0x2a: {  	[sflag:s9] =	ssyncadd.s32 $0xFFFFF000  }
0x2b: {  	_ =	swait.ge [sflag:s22], $0x1000  }
0x2c: {  	[sflag:s22] =	ssyncset.done $0x0  }
0x2d: {  	[sflag:s22] =	ssyncadd.s32 $0xFFFFF000  }
0x2e: {  	[spmem:s2] =	stream.indirect.scatter.add.f32 [tilespmem:s19], [sflag:$0x5], $0x80, s25, s13, $0xb8;
	[tilespmem:$0x1E400] =	vst v63  }
0x2f: {  	_ =	swait.ge [sflag:s9], $0x1000  }
0x30: {  	s24 =	sadd.s32 $0x1, s24;
	[sflag:s9] =	ssyncset.done $0x0  }
0x31: {  	p1 =	sne.s32 s24, s8;
	[sflag:s9] =	ssyncadd.s32 $0xFFFFF000  }
.Ltmp1:
0x32: {  	[bflag:$0x0] =	sbarrier.arrive $0xFFFF;
	(pc) =	sbr.rel @!p1 .LBB2_7-.Ltmp1, $4  }
0x33: {  	[hbm:s23], [sflag:s11] =	dma.local [spmem:s12], $0x2780  }
0x34: {  	_ =	swait.ge [sflag:s9], $0x2780  }
0x35: {  	[sflag:s9] =	ssyncset.done $0x0  }
0x36: {  	[sflag:s9] =	ssyncadd.s32 $0xFFFFD880  }
.LBB2_1:
0x37: {  	[tilespmem:s3], [sflag:$0x5] =	stream.linear.gather [hbm4b:s5+s3], $0x3400, $0x38;
	[tilespmem:$0x1E400] =	vst v63  }
0x38: {  	_ =	swait.ge [sflag:s9], $0x3400  }
0x39: {  	[sflag:s9] =	ssyncset.done $0x0  }
0x3a: {  	[sflag:s9] =	ssyncadd.s32 $0xFFFFCC00  }
0x3b: {  	[tilespmem:s10], [sflag:$0x5] =	stream.linear.gather [hbm4b:s6+s3], $0x3400, $0x38;
	[tilespmem:$0x1E400] =	vst v63  }
0x3c: {  	_ =	swait.ge [sflag:s9], $0x3400  }
0x3d: {  	[sflag:s9] =	ssyncset.done $0x0  }
0x3e: {  	[sflag:s9] =	ssyncadd.s32 $0xFFFFCC00  }
0x3f: {  	[spmem:s12], [sflag:s11] =	dma.local [hbm:s7], $0x2780  }
0x40: {  	_ =	swait.ge [sflag:s9], $0x2780  }
0x41: {  	[sflag:s9] =	ssyncset.done $0x0  }
0x42: {  	[sflag:s9] =	ssyncadd.s32 $0xFFFFD880  }
0x43: {  	[bflag:$0x0] =	sbarrier.arrive $0xFFFF  }
0x44: {  	[tilespmem:s14], [sflag:$0x1] =	stream.indirect.gather [hbm4b:s4+s13], $0x80, s3, s13, $0xb8;
	[tilespmem:$0x1E400] =	vst v63  }
.Ltmp2:
0x45: {  	_ = 	snop;
	(pc) =	sbr.rel @!p0 .LBB2_2-.Ltmp2, $4  }
0x46: {  	_ = 	snop  }
0x47: {  	[tilespmem:s15], [sflag:$0x2] =	stream.indirect.gather [hbm4b:s4+s13], $0x80, s13, s13, $0xb8;
	[tilespmem:$0x1E400] =	vst v63  }
0x48: {  	s25 =	simm.s32 $0x0;
	s26 =	simm.s32 $0x0  }
0x49: {  	[tilespmem:s17], [sflag:$0x3] =	stream.indirect.gather [hbm4b:s4+s13], $0x80, s16, s13, $0xb8;
	[tilespmem:$0x1E400] =	vst v63  }
.LBB2_4:
0x4a: {  	_ =	swait.ge [sflag:s18], $0x1000  }
0x4b: {  	s25 =	sshra.s32 s26, $0x2;
	[sflag:s18] =	ssyncset.done $0x0  }
0x4c: {  	s28 =	sadd.s32 $0x60, s25;
	[sflag:s18] =	ssyncadd.s32 $0xFFFFF000  }
0x4d: {  	[tilespmem:s19], [sflag:$0x4] =	stream.indirect.gather [hbm4b:s4+s13], $0x80, s28, s13, $0xb8;
	[tilespmem:$0x1E400] =	vst v63  }
0x4e: {  	s29 =	sadd.s32 $0x3400, s25  }
0x4f: {  	[spmem:s2] =	stream.indirect.scatter.add.f32 [tilespmem:s14], [sflag:$0x5], $0x80, s29, s13, $0xb8;
	[tilespmem:$0x1E400] =	vst v63  }
0x50: {  	_ =	swait.ge [sflag:s9], $0x1000  }
0x51: {  	[sflag:s9] =	ssyncset.done $0x0  }
0x52: {  	[sflag:s9] =	ssyncadd.s32 $0xFFFFF000  }
0x53: {  	_ =	swait.ge [sflag:s20], $0x1000  }
0x54: {  	[sflag:s20] =	ssyncset.done $0x0  }
0x55: {  	s30 =	sadd.s32 $0x80, s25;
	[sflag:s20] =	ssyncadd.s32 $0xFFFFF000  }
0x56: {  	[tilespmem:s14], [sflag:$0x1] =	stream.indirect.gather [hbm4b:s4+s13], $0x80, s30, s13, $0xb8;
	[tilespmem:$0x1E400] =	vst v63  }
0x57: {  	s31 =	sadd.s32 $0x3420, s25  }
0x58: {  	[spmem:s2] =	stream.indirect.scatter.add.f32 [tilespmem:s15], [sflag:$0x5], $0x80, s31, s13, $0xb8;
	[tilespmem:$0x1E400] =	vst v63  }
0x59: {  	_ =	swait.ge [sflag:s9], $0x1000  }
0x5a: {  	[sflag:s9] =	ssyncset.done $0x0  }
0x5b: {  	[sflag:s9] =	ssyncadd.s32 $0xFFFFF000  }
0x5c: {  	_ =	swait.ge [sflag:s21], $0x1000  }
0x5d: {  	[sflag:s21] =	ssyncset.done $0x0  }
0x5e: {  	s29 =	sadd.s32 $0xA0, s25;
	[sflag:s21] =	ssyncadd.s32 $0xFFFFF000  }
0x5f: {  	[tilespmem:s15], [sflag:$0x2] =	stream.indirect.gather [hbm4b:s4+s13], $0x80, s29, s13, $0xb8;
	[tilespmem:$0x1E400] =	vst v63  }
0x60: {  	s30 =	sadd.s32 $0x3440, s25  }
0x61: {  	[spmem:s2] =	stream.indirect.scatter.add.f32 [tilespmem:s17], [sflag:$0x5], $0x80, s30, s13, $0xb8;
	[tilespmem:$0x1E400] =	vst v63  }
0x62: {  	_ =	swait.ge [sflag:s9], $0x1000  }
0x63: {  	[sflag:s9] =	ssyncset.done $0x0  }
0x64: {  	[sflag:s9] =	ssyncadd.s32 $0xFFFFF000  }
0x65: {  	_ =	swait.ge [sflag:s22], $0x1000  }
0x66: {  	[sflag:s22] =	ssyncset.done $0x0  }
0x67: {  	p1 =	sne.s32 s26, $0x6800;
	s31 =	sadd.s32 $0xC0, s25;
	[sflag:s22] =	ssyncadd.s32 $0xFFFFF000  }
0x68: {  	[tilespmem:s17], [sflag:$0x3] =	stream.indirect.gather [hbm4b:s4+s13], $0x80, s31, s13, $0xb8;
	[tilespmem:$0x1E400] =	vst v63  }
.Ltmp3:
0x69: {  	s25 =	sadd.s32 $0x3460, s25;
	(pc) =	sbr.rel @p1 .LBB2_4-.Ltmp3, $4  }
0x6a: {  	[spmem:s2] =	stream.indirect.scatter.add.f32 [tilespmem:s19], [sflag:$0x5], $0x80, s25, s13, $0xb8;
	[tilespmem:$0x1E400] =	vst v63  }
0x6b: {  	_ =	swait.ge [sflag:s9], $0x1000  }
0x6c: {  	[sflag:s9] =	ssyncset.done $0x0  }
0x6d: {  	s26 =	sadd.s32 $0x200, s26;
	[sflag:s9] =	ssyncadd.s32 $0xFFFFF000  }
.Ltmp4:
0x6e: {  	(pc) =	sbr.rel .LBB2_6-.Ltmp4, $3  }
0x6f: {  	_ =	sdelay $0x1  }
0x70: {  	s25 =	simm.s32 $0x4EE0;
	s26 =	simm.s32 $0x4EC0  }
0x71: {  	s28 =	simm.s32 $0x4EA0;
	s29 =	simm.s32 $0x4E80;
	s30 =	simm.s32 $0x1AE0  }
.LBB2_2:
0x72: {  	_ =	swait.ge [sflag:s18], $0x1000  }
0x73: {  	s26 =	sshra.s32 s25, $0x2;
	[sflag:s18] =	ssyncset.done $0x0  }
0x74: {  	s28 =	sadd.s32 $0x60, s26;
	[sflag:s18] =	ssyncadd.s32 $0xFFFFF000  }
0x75: {  	[tilespmem:s19], [sflag:$0x4] =	stream.indirect.gather [hbm4b:s4+s13], $0x80, s28, s13, $0xb8;
	[tilespmem:$0x1E400] =	vst v63  }
0x76: {  	s29 =	sadd.s32 $0x3400, s26  }
0x77: {  	[spmem:s2] =	stream.indirect.scatter.add.f32 [tilespmem:s14], [sflag:$0x5], $0x80, s29, s13, $0xb8;
	[tilespmem:$0x1E400] =	vst v63  }
0x78: {  	_ =	swait.ge [sflag:s9], $0x1000  }
0x79: {  	[sflag:s9] =	ssyncset.done $0x0  }
0x7a: {  	[sflag:s9] =	ssyncadd.s32 $0xFFFFF000  }
0x7b: {  	_ =	swait.ge [sflag:s20], $0x1000  }
0x7c: {  	[sflag:s20] =	ssyncset.done $0x0  }
0x7d: {  	s30 =	sadd.s32 $0x80, s26;
	[sflag:s20] =	ssyncadd.s32 $0xFFFFF000  }
0x7e: {  	[tilespmem:s14], [sflag:$0x1] =	stream.indirect.gather [hbm4b:s4+s13], $0x80, s30, s13, $0xb8;
	[tilespmem:$0x1E400] =	vst v63  }
0x7f: {  	s31 =	sadd.s32 $0x3420, s26  }
0x80: {  	[spmem:s2] =	stream.indirect.scatter.add.f32 [tilespmem:s15], [sflag:$0x5], $0x80, s31, s13, $0xb8;
	[tilespmem:$0x1E400] =	vst v63  }
0x81: {  	_ =	swait.ge [sflag:s9], $0x1000  }
0x82: {  	[sflag:s9] =	ssyncset.done $0x0  }
0x83: {  	[sflag:s9] =	ssyncadd.s32 $0xFFFFF000  }
0x84: {  	_ =	swait.ge [sflag:s21], $0x1000  }
0x85: {  	[sflag:s21] =	ssyncset.done $0x0  }
0x86: {  	s29 =	sadd.s32 $0xA0, s26;
	[sflag:s21] =	ssyncadd.s32 $0xFFFFF000  }
0x87: {  	[tilespmem:s15], [sflag:$0x2] =	stream.indirect.gather [hbm4b:s4+s13], $0x80, s29, s13, $0xb8;
	[tilespmem:$0x1E400] =	vst v63  }
0x88: {  	s30 =	sadd.s32 $0x3440, s26  }
0x89: {  	[spmem:s2] =	stream.indirect.scatter.add.f32 [tilespmem:s17], [sflag:$0x5], $0x80, s30, s13, $0xb8;
	[tilespmem:$0x1E400] =	vst v63  }
0x8a: {  	_ =	swait.ge [sflag:s9], $0x1000  }
0x8b: {  	[sflag:s9] =	ssyncset.done $0x0  }
0x8c: {  	[sflag:s9] =	ssyncadd.s32 $0xFFFFF000  }
0x8d: {  	_ =	swait.ge [sflag:s22], $0x1000  }
0x8e: {  	[sflag:s22] =	ssyncset.done $0x0  }
0x8f: {  	p1 =	seq.s32 s25, $0xCC00;
	s31 =	sadd.s32 $0xC0, s26;
	[sflag:s22] =	ssyncadd.s32 $0xFFFFF000  }
0x90: {  	[tilespmem:s17], [sflag:$0x3] =	stream.indirect.gather [hbm4b:s4+s13], $0x80, s31, s13, $0xb8;
	[tilespmem:$0x1E400] =	vst v63  }
.Ltmp5:
0x91: {  	s26 =	sadd.s32 $0x3460, s26;
	(pc) =	sbr.rel @!p1 .LBB2_2-.Ltmp5, $4  }
0x92: {  	[spmem:s2] =	stream.indirect.scatter.add.f32 [tilespmem:s19], [sflag:$0x5], $0x80, s26, s13, $0xb8;
	[tilespmem:$0x1E400] =	vst v63  }
0x93: {  	_ =	swait.ge [sflag:s9], $0x1000  }
0x94: {  	[sflag:s9] =	ssyncset.done $0x0  }
0x95: {  	s25 =	sadd.s32 $0x200, s25;
	[sflag:s9] =	ssyncadd.s32 $0xFFFFF000  }
.Ltmp6:
0x96: {  	_ = 	snop;
	(pc) =	sbr.rel .LBB2_3-.Ltmp6, $1  }
0x97: {  	_ =	sdelay $0x3  }
.LBB2_7:
0x98: {  	_ =	sfence.sel $0x180000  }
0x99: {  	[bflag:$0x0] =	sbarrier.arrive $0xFFFF  }
0x9a: {  	p0 =	sne.s32 s0, $0x0;
	_ =	strace $0x90000050  }
0x9b: {  	s0 =	sadd.s32 @!p0 $0x100000, s1;
	[bflag:$0x2] =	sbarrier.arrive $0xFFFF  }
0x9c: {  	[sflag:s0] =	ssyncadd.tile.s32 @!p0 $0x1;
	_ =	shalt  }
.Lfunc_end2:
_tile_overlayer_lowered:
.L_overlay_start_2:
0x9d: {  	(tag) =	ssettag $0x2  }
0x9e: {  	s0 =	rddreg [dreg:$0x0];
	s2 =	stileid.u32  }
0x9f: {  	s1 =	rddreg [dreg:$0x1];
	p0 =	sne.s32 s2, $0x0  }
0xa0: {  	s3 =	rddreg [dreg:$0x2];
	[bflag:$0x3] =	sbarrier.arrive $0xFFFF;
	s2 =	simm.s32 @!p0 $0x1C05  }
0xa1: {  	[timem:s3], [sflag:s2] =	dma.local @!p0 [hbm:s0], s1  }
0xa2: {  	s0 =	simm.s32 @!p0 $0x5  }
0xa3: {  	_ =	swait.ge @!p0 [sflag:s0], s1  }
0xa4: {  	s1 =	ssub.s32 @!p0 $0x0, s1;
	[sflag:s0] =	ssyncset.done @!p0 $0x0  }
0xa5: {  	[sflag:s0] =	ssyncadd.s32 @!p0 s1  }
0xa6: {  	[bflag:$0x3] =	sbarrier.arrive $0xFFFF  }
0xa7: {  	_ =	shalt  }

</sc_bundles>
